<compile_context>
chip_gen: v7x
topology: tpu7x:2x2x1
jax: 0.10.2.dev20260603
libtpu: 0.0.44.dev20260713+nightly
codegen_flags: <defaults>
</compile_context>

<pallas_src>
import functools

import jax
import jax.numpy as jnp
from jax import lax
from jax.experimental import pallas as pl
from jax.experimental.pallas import tpu as pltpu
from jax.experimental.pallas import tpu_sc as plsc

VOCAB = 100000
DIM = 128
B = 1024
L = 200
HID = 256
OUT = 5

LANES = 16
NC = 2
NS = 16
NW = NC * NS
B_PER_W = B // NW
DGRP = DIM // LANES
CHUNKS = ((0, 64), (64, 64), (128, 72))


NBUF = 4


def _sc_pool(x_hbm, emb_hbm, out_hbm, idx_all, osum, *bufs_and_sems):
    rows_bufs = bufs_and_sems[:NBUF]
    sems = bufs_and_sems[NBUF:]
    wid = lax.axis_index("s") * NC + lax.axis_index("c")
    base = wid * B_PER_W

    pltpu.sync_copy(x_hbm.at[pl.ds(base, B_PER_W)], idx_all)

    def start_gather(i, rows, sem):
        for off, n in CHUNKS:
            pltpu.async_copy(
                emb_hbm.at[idx_all.at[i, pl.ds(off, n)]], rows.at[pl.ds(off, n)], sem)

    def wait_gather(i, rows, sem):
        for off, n in CHUNKS:
            pltpu.make_async_copy(
                emb_hbm.at[idx_all.at[i, pl.ds(off, n)]], rows.at[pl.ds(off, n)], sem
            ).wait()

    def reduce_row(i, rows):
        accs = tuple(jnp.zeros((LANES,), jnp.float32) for _ in range(DGRP))

        def red_body(l, accs):
            r0 = l * 8
            new = list(accs)
            for r in range(8):
                for d in range(DGRP):
                    new[d] = new[d] + rows[r0 + r, pl.ds(d * LANES, LANES)]
            return tuple(new)

        accs = lax.fori_loop(0, L // 8, red_body, accs)
        for d in range(DGRP):
            osum[i, pl.ds(d * LANES, LANES)] = accs[d]

    for b in range(NBUF - 1):
        start_gather(b, rows_bufs[b], sems[b])

    def body(g, carry):
        i0 = g * NBUF
        for b in range(NBUF):
            i = i0 + b

            @pl.when(i + NBUF - 1 < B_PER_W)
            def _(b=b, i=i):
                start_gather(i + NBUF - 1,
                             rows_bufs[(b + NBUF - 1) % NBUF],
                             sems[(b + NBUF - 1) % NBUF])

            wait_gather(i, rows_bufs[b], sems[b])
            reduce_row(i, rows_bufs[b])
        return carry

    lax.fori_loop(0, B_PER_W // NBUF, body, 0)
    pltpu.sync_copy(osum, out_hbm.at[pl.ds(base, B_PER_W)])


@jax.jit
def _pooled_sum(x, emb):
    mesh = plsc.VectorSubcoreMesh(core_axis_name="c", subcore_axis_name="s")
    f = functools.partial(
        pl.kernel,
        mesh=mesh,
        out_type=jax.ShapeDtypeStruct((B, DIM), jnp.float32),
        scratch_types=(
            [pltpu.VMEM((B_PER_W, L), jnp.int32),
             pltpu.VMEM((B_PER_W, DIM), jnp.float32)]
            + [pltpu.VMEM((L, DIM), jnp.float32) for _ in range(NBUF)]
            + [pltpu.SemaphoreType.DMA for _ in range(NBUF)]
        ),
    )(_sc_pool)
    return f(x, emb)


def _mlp_body(pooled_ref, len_ref, w1_ref, b1_ref, w2_ref, b2_ref, out_ref):
    inv = 1.0 / len_ref[...].astype(jnp.float32)
    rep = pooled_ref[...] * inv
    h = jnp.dot(rep, w1_ref[...], preferred_element_type=jnp.float32)
    h = jnp.maximum(h + b1_ref[...], 0.0)
    out = jnp.dot(h, w2_ref[...], preferred_element_type=jnp.float32)
    out_ref[...] = out + b2_ref[...]


@jax.jit
def _mlp(pooled, lengths, W1, b1, W2, b2):
    return pl.pallas_call(
        _mlp_body,
        out_shape=jax.ShapeDtypeStruct((B, OUT), jnp.float32),
    )(pooled, lengths.reshape(B, 1), W1, b1.reshape(1, HID),
      W2, b2.reshape(1, OUT))


def kernel(x, lengths, emb, W1, b1, W2, b2):
    pooled = _pooled_sum(x, emb)
    return _mlp(pooled, lengths, W1, b1, W2, b2)

# --- scband reference (transcript-rebuilt; emitter-appended) ---
"""Pipeline reference for scband-baseline-dnn-37160057045544 (READ-ONLY COPY).

The authoritative reference and input builder live on the scoring server;
editing this copy changes nothing except your own understanding.
"""

import jax, jax.numpy as jnp
import numpy as np

VOCAB = 100000
DIM = 128
B = 1024
L = 200
HID = 256
OUT = 5


def setup_inputs(seed: int = 0) -> dict:
    key = jax.random.key(seed)
    ks = jax.random.split(key, 6)
    x = jax.random.randint(ks[0], (B, L), 0, VOCAB, dtype=jnp.int32)
    lengths = jnp.maximum(jax.random.randint(ks[1], (B,), 0, L, dtype=jnp.int32), 1)
    emb = jax.random.normal(ks[2], (VOCAB, DIM), dtype=jnp.float32) * 0.1
    W1 = jax.random.normal(ks[3], (DIM, HID), dtype=jnp.float32) * 0.05
    b1 = jnp.zeros((HID,), dtype=jnp.float32)
    W2 = jax.random.normal(ks[4], (HID, OUT), dtype=jnp.float32) * 0.05
    b2 = jnp.zeros((OUT,), dtype=jnp.float32)
    return {"x": x, "lengths": lengths, "emb": emb, "W1": W1, "b1": b1, "W2": W2, "b2": b2}


def reference(x, lengths, emb, W1, b1, W2, b2):
    # Embedding lookup (SparseCore gather)
    e = jnp.take(emb, x, axis=0)  # [B, L, D]
    # Length-normalized sum pooling over the sequence dimension
    rep = jnp.sum(e, axis=1) / lengths[:, None].astype(jnp.float32)  # [B, D]
    h = jax.nn.relu(rep @ W1 + b1)  # [B, HID]
    logits = h @ W2 + b2  # [B, OUT]
    return logits

if __name__ == "__main__":
    import jax
    _d = setup_inputs()
    print(jax.jit(kernel)(*tuple(_d.values())))

</pallas_src>

<mosaic_0001>
#map = affine_map<(d0, d1) -> (0, 0)>
module attributes {stable_mosaic.version = 14 : i64} {
  func.func @_sc_pool(%arg0: i32, %arg1: i32, %arg2: memref<1024x200xi32, #tpu.memory_space<hbm>>, %arg3: memref<100000x128xf32, #tpu.memory_space<hbm>>, %arg4: memref<1024x128xf32, #tpu.memory_space<hbm>>, %arg5: memref<32x200xi32, #tpu.memory_space<vmem>>, %arg6: memref<32x128xf32, #tpu.memory_space<vmem>>, %arg7: memref<200x128xf32, #tpu.memory_space<vmem>>, %arg8: memref<200x128xf32, #tpu.memory_space<vmem>>, %arg9: memref<200x128xf32, #tpu.memory_space<vmem>>, %arg10: memref<200x128xf32, #tpu.memory_space<vmem>>, %arg11: memref<!tpu.dma_semaphore, #tpu.memory_space<semaphore_mem>>, %arg12: memref<!tpu.dma_semaphore, #tpu.memory_space<semaphore_mem>>, %arg13: memref<!tpu.dma_semaphore, #tpu.memory_space<semaphore_mem>>, %arg14: memref<!tpu.dma_semaphore, #tpu.memory_space<semaphore_mem>>) attributes {dimension_semantics = [#tpu.dimension_semantics<core_parallel>, #tpu.dimension_semantics<subcore_parallel>], iteration_bounds = array<i64: 2, 16>, scalar_prefetch = 0 : i64, scratch_operands = 10 : i64, tpu.core_type = #tpu.core_type<sc_vector_subcore>, window_params = [{transform_indices = #map}, {transform_indices = #map}, {transform_indices = #map}]} {
    %mul3A = arith.constant 2 : i32
    %mul3A_0 = arith.muli %arg1, %mul3A : i32
    %add3A = arith.addi %mul3A_0, %arg0 : i32
    %mul3A_1 = arith.constant 32 : i32
    %mul3A_2 = arith.muli %add3A, %mul3A_1 : i32
    "tpu.region"() ({
      %run_scoped3A = tpu.sem_alloc : memref<!tpu.dma_semaphore, #tpu.memory_space<semaphore_mem>>
      %dma_start3A_97 = arith.constant 0 : i32
      %dma_start3A_98 = tpu.memref_slice %arg2[%mul3A_2, %dma_start3A_97] : memref<1024x200xi32, #tpu.memory_space<hbm>> -> memref<32x200xi32, #tpu.memory_space<hbm>>
      %dma_start3A_99 = arith.constant 0 : i32
      %dma_start3A_100 = tpu.memref_slice %arg2[%mul3A_2, %dma_start3A_99] : memref<1024x200xi32, #tpu.memory_space<hbm>> -> memref<32x200xi32, #tpu.memory_space<hbm>>
      tpu.enqueue_dma source(%dma_start3A_100 : memref<32x200xi32, #tpu.memory_space<hbm>>) target(%arg5 : memref<32x200xi32, #tpu.memory_space<vmem>>) target_semaphore(%run_scoped3A : memref<!tpu.dma_semaphore, #tpu.memory_space<semaphore_mem>>)
      %dma_wait3A = arith.constant 0 : i32
      %dma_wait3A_101 = tpu.memref_slice %arg2[%mul3A_2, %dma_wait3A] : memref<1024x200xi32, #tpu.memory_space<hbm>> -> memref<32x200xi32, #tpu.memory_space<hbm>>
      %dma_wait3A_102 = arith.constant 0 : i32
      %dma_wait3A_103 = tpu.memref_slice %arg2[%mul3A_2, %dma_wait3A_102] : memref<1024x200xi32, #tpu.memory_space<hbm>> -> memref<32x200xi32, #tpu.memory_space<hbm>>
      tpu.wait_dma2 semaphore(%run_scoped3A : memref<!tpu.dma_semaphore, #tpu.memory_space<semaphore_mem>>) src(%dma_wait3A_103 : memref<32x200xi32, #tpu.memory_space<hbm>>) dst(%arg5 : memref<32x200xi32, #tpu.memory_space<vmem>>)
      tpu.yield
    }) : () -> ()
    %dma_start3A = arith.constant 0 : i32
    %dma_start3A_3 = arith.constant 0 : i32
    %dma_start3A_4 = arith.constant 0 : i32
    %dma_start3A_5 = tpu.memref_slice %arg7[%dma_start3A_3, %dma_start3A_4] : memref<200x128xf32, #tpu.memory_space<vmem>> -> memref<64x128xf32, #tpu.memory_space<vmem>>
    %dma_start3A_6 = arith.constant 0 : i32
    %dma_start3A_7 = tpu.memref_slice %arg5[%dma_start3A, %dma_start3A_6] : memref<32x200xi32, #tpu.memory_space<vmem>> -> memref<1x64xi32, #tpu.memory_space<vmem>>
    %dma_start3A_8 = tpu.memref_squeeze %dma_start3A_7 : memref<1x64xi32, #tpu.memory_space<vmem>> -> memref<64xi32, #tpu.memory_space<vmem>>
    %dma_start3A_9 = arith.constant 0 : i32
    %dma_start3A_10 = arith.constant 0 : i32
    %dma_start3A_11 = tpu.memref_slice %arg3[%dma_start3A_9, %dma_start3A_10] : memref<100000x128xf32, #tpu.memory_space<hbm>> -> memref<100000x128xf32, #tpu.memory_space<hbm>>
    tpu.enqueue_indirect_dma source(%dma_start3A_11 : memref<100000x128xf32, #tpu.memory_space<hbm>>) target(%dma_start3A_5 : memref<64x128xf32, #tpu.memory_space<vmem>>) offsets(%dma_start3A_8 : memref<64xi32, #tpu.memory_space<vmem>>) semaphore(%arg11 : memref<!tpu.dma_semaphore, #tpu.memory_space<semaphore_mem>>)
    %dma_start3A_12 = arith.constant 0 : i32
    %dma_start3A_13 = arith.constant 64 : i32
    %dma_start3A_14 = arith.constant 0 : i32
    %dma_start3A_15 = tpu.memref_slice %arg7[%dma_start3A_13, %dma_start3A_14] : memref<200x128xf32, #tpu.memory_space<vmem>> -> memref<64x128xf32, #tpu.memory_space<vmem>>
    %dma_start3A_16 = arith.constant 64 : i32
    %dma_start3A_17 = tpu.memref_slice %arg5[%dma_start3A_12, %dma_start3A_16] : memref<32x200xi32, #tpu.memory_space<vmem>> -> memref<1x64xi32, #tpu.memory_space<vmem>>
    %dma_start3A_18 = tpu.memref_squeeze %dma_start3A_17 : memref<1x64xi32, #tpu.memory_space<vmem>> -> memref<64xi32, #tpu.memory_space<vmem>>
    %dma_start3A_19 = arith.constant 0 : i32
    %dma_start3A_20 = arith.constant 0 : i32
    %dma_start3A_21 = tpu.memref_slice %arg3[%dma_start3A_19, %dma_start3A_20] : memref<100000x128xf32, #tpu.memory_space<hbm>> -> memref<100000x128xf32, #tpu.memory_space<hbm>>
    tpu.enqueue_indirect_dma source(%dma_start3A_21 : memref<100000x128xf32, #tpu.memory_space<hbm>>) target(%dma_start3A_15 : memref<64x128xf32, #tpu.memory_space<vmem>>) offsets(%dma_start3A_18 : memref<64xi32, #tpu.memory_space<vmem>>) semaphore(%arg11 : memref<!tpu.dma_semaphore, #tpu.memory_space<semaphore_mem>>)
    %dma_start3A_22 = arith.constant 0 : i32
    %dma_start3A_23 = arith.constant 128 : i32
    %dma_start3A_24 = arith.constant 0 : i32
    %dma_start3A_25 = tpu.memref_slice %arg7[%dma_start3A_23, %dma_start3A_24] : memref<200x128xf32, #tpu.memory_space<vmem>> -> memref<72x128xf32, #tpu.memory_space<vmem>>
    %dma_start3A_26 = arith.constant 128 : i32
    %dma_start3A_27 = tpu.memref_slice %arg5[%dma_start3A_22, %dma_start3A_26] : memref<32x200xi32, #tpu.memory_space<vmem>> -> memref<1x72xi32, #tpu.memory_space<vmem>>
    %dma_start3A_28 = tpu.memref_squeeze %dma_start3A_27 : memref<1x72xi32, #tpu.memory_space<vmem>> -> memref<72xi32, #tpu.memory_space<vmem>>
    %dma_start3A_29 = arith.constant 0 : i32
    %dma_start3A_30 = arith.constant 0 : i32
    %dma_start3A_31 = tpu.memref_slice %arg3[%dma_start3A_29, %dma_start3A_30] : memref<100000x128xf32, #tpu.memory_space<hbm>> -> memref<100000x128xf32, #tpu.memory_space<hbm>>
    tpu.enqueue_indirect_dma source(%dma_start3A_31 : memref<100000x128xf32, #tpu.memory_space<hbm>>) target(%dma_start3A_25 : memref<72x128xf32, #tpu.memory_space<vmem>>) offsets(%dma_start3A_28 : memref<72xi32, #tpu.memory_space<vmem>>) semaphore(%arg11 : memref<!tpu.dma_semaphore, #tpu.memory_space<semaphore_mem>>)
    %dma_start3A_32 = arith.constant 1 : i32
    %dma_start3A_33 = arith.constant 0 : i32
    %dma_start3A_34 = arith.constant 0 : i32
    %dma_start3A_35 = tpu.memref_slice %arg8[%dma_start3A_33, %dma_start3A_34] : memref<200x128xf32, #tpu.memory_space<vmem>> -> memref<64x128xf32, #tpu.memory_space<vmem>>
    %dma_start3A_36 = arith.constant 0 : i32
    %dma_start3A_37 = tpu.memref_slice %arg5[%dma_start3A_32, %dma_start3A_36] : memref<32x200xi32, #tpu.memory_space<vmem>> -> memref<1x64xi32, #tpu.memory_space<vmem>>
    %dma_start3A_38 = tpu.memref_squeeze %dma_start3A_37 : memref<1x64xi32, #tpu.memory_space<vmem>> -> memref<64xi32, #tpu.memory_space<vmem>>
    %dma_start3A_39 = arith.constant 0 : i32
    %dma_start3A_40 = arith.constant 0 : i32
    %dma_start3A_41 = tpu.memref_slice %arg3[%dma_start3A_39, %dma_start3A_40] : memref<100000x128xf32, #tpu.memory_space<hbm>> -> memref<100000x128xf32, #tpu.memory_space<hbm>>
    tpu.enqueue_indirect_dma source(%dma_start3A_41 : memref<100000x128xf32, #tpu.memory_space<hbm>>) target(%dma_start3A_35 : memref<64x128xf32, #tpu.memory_space<vmem>>) offsets(%dma_start3A_38 : memref<64xi32, #tpu.memory_space<vmem>>) semaphore(%arg12 : memref<!tpu.dma_semaphore, #tpu.memory_space<semaphore_mem>>)
    %dma_start3A_42 = arith.constant 1 : i32
    %dma_start3A_43 = arith.constant 64 : i32
    %dma_start3A_44 = arith.constant 0 : i32
    %dma_start3A_45 = tpu.memref_slice %arg8[%dma_start3A_43, %dma_start3A_44] : memref<200x128xf32, #tpu.memory_space<vmem>> -> memref<64x128xf32, #tpu.memory_space<vmem>>
    %dma_start3A_46 = arith.constant 64 : i32
    %dma_start3A_47 = tpu.memref_slice %arg5[%dma_start3A_42, %dma_start3A_46] : memref<32x200xi32, #tpu.memory_space<vmem>> -> memref<1x64xi32, #tpu.memory_space<vmem>>
    %dma_start3A_48 = tpu.memref_squeeze %dma_start3A_47 : memref<1x64xi32, #tpu.memory_space<vmem>> -> memref<64xi32, #tpu.memory_space<vmem>>
    %dma_start3A_49 = arith.constant 0 : i32
    %dma_start3A_50 = arith.constant 0 : i32
    %dma_start3A_51 = tpu.memref_slice %arg3[%dma_start3A_49, %dma_start3A_50] : memref<100000x128xf32, #tpu.memory_space<hbm>> -> memref<100000x128xf32, #tpu.memory_space<hbm>>
    tpu.enqueue_indirect_dma source(%dma_start3A_51 : memref<100000x128xf32, #tpu.memory_space<hbm>>) target(%dma_start3A_45 : memref<64x128xf32, #tpu.memory_space<vmem>>) offsets(%dma_start3A_48 : memref<64xi32, #tpu.memory_space<vmem>>) semaphore(%arg12 : memref<!tpu.dma_semaphore, #tpu.memory_space<semaphore_mem>>)
    %dma_start3A_52 = arith.constant 1 : i32
    %dma_start3A_53 = arith.constant 128 : i32
    %dma_start3A_54 = arith.constant 0 : i32
    %dma_start3A_55 = tpu.memref_slice %arg8[%dma_start3A_53, %dma_start3A_54] : memref<200x128xf32, #tpu.memory_space<vmem>> -> memref<72x128xf32, #tpu.memory_space<vmem>>
    %dma_start3A_56 = arith.constant 128 : i32
    %dma_start3A_57 = tpu.memref_slice %arg5[%dma_start3A_52, %dma_start3A_56] : memref<32x200xi32, #tpu.memory_space<vmem>> -> memref<1x72xi32, #tpu.memory_space<vmem>>
    %dma_start3A_58 = tpu.memref_squeeze %dma_start3A_57 : memref<1x72xi32, #tpu.memory_space<vmem>> -> memref<72xi32, #tpu.memory_space<vmem>>
    %dma_start3A_59 = arith.constant 0 : i32
    %dma_start3A_60 = arith.constant 0 : i32
    %dma_start3A_61 = tpu.memref_slice %arg3[%dma_start3A_59, %dma_start3A_60] : memref<100000x128xf32, #tpu.memory_space<hbm>> -> memref<100000x128xf32, #tpu.memory_space<hbm>>
    tpu.enqueue_indirect_dma source(%dma_start3A_61 : memref<100000x128xf32, #tpu.memory_space<hbm>>) target(%dma_start3A_55 : memref<72x128xf32, #tpu.memory_space<vmem>>) offsets(%dma_start3A_58 : memref<72xi32, #tpu.memory_space<vmem>>) semaphore(%arg12 : memref<!tpu.dma_semaphore, #tpu.memory_space<semaphore_mem>>)
    %dma_start3A_62 = arith.constant 2 : i32
    %dma_start3A_63 = arith.constant 0 : i32
    %dma_start3A_64 = arith.constant 0 : i32
    %dma_start3A_65 = tpu.memref_slice %arg9[%dma_start3A_63, %dma_start3A_64] : memref<200x128xf32, #tpu.memory_space<vmem>> -> memref<64x128xf32, #tpu.memory_space<vmem>>
    %dma_start3A_66 = arith.constant 0 : i32
    %dma_start3A_67 = tpu.memref_slice %arg5[%dma_start3A_62, %dma_start3A_66] : memref<32x200xi32, #tpu.memory_space<vmem>> -> memref<1x64xi32, #tpu.memory_space<vmem>>
    %dma_start3A_68 = tpu.memref_squeeze %dma_start3A_67 : memref<1x64xi32, #tpu.memory_space<vmem>> -> memref<64xi32, #tpu.memory_space<vmem>>
    %dma_start3A_69 = arith.constant 0 : i32
    %dma_start3A_70 = arith.constant 0 : i32
    %dma_start3A_71 = tpu.memref_slice %arg3[%dma_start3A_69, %dma_start3A_70] : memref<100000x128xf32, #tpu.memory_space<hbm>> -> memref<100000x128xf32, #tpu.memory_space<hbm>>
    tpu.enqueue_indirect_dma source(%dma_start3A_71 : memref<100000x128xf32, #tpu.memory_space<hbm>>) target(%dma_start3A_65 : memref<64x128xf32, #tpu.memory_space<vmem>>) offsets(%dma_start3A_68 : memref<64xi32, #tpu.memory_space<vmem>>) semaphore(%arg13 : memref<!tpu.dma_semaphore, #tpu.memory_space<semaphore_mem>>)
    %dma_start3A_72 = arith.constant 2 : i32
    %dma_start3A_73 = arith.constant 64 : i32
    %dma_start3A_74 = arith.constant 0 : i32
    %dma_start3A_75 = tpu.memref_slice %arg9[%dma_start3A_73, %dma_start3A_74] : memref<200x128xf32, #tpu.memory_space<vmem>> -> memref<64x128xf32, #tpu.memory_space<vmem>>
    %dma_start3A_76 = arith.constant 64 : i32
    %dma_start3A_77 = tpu.memref_slice %arg5[%dma_start3A_72, %dma_start3A_76] : memref<32x200xi32, #tpu.memory_space<vmem>> -> memref<1x64xi32, #tpu.memory_space<vmem>>
    %dma_start3A_78 = tpu.memref_squeeze %dma_start3A_77 : memref<1x64xi32, #tpu.memory_space<vmem>> -> memref<64xi32, #tpu.memory_space<vmem>>
    %dma_start3A_79 = arith.constant 0 : i32
    %dma_start3A_80 = arith.constant 0 : i32
    %dma_start3A_81 = tpu.memref_slice %arg3[%dma_start3A_79, %dma_start3A_80] : memref<100000x128xf32, #tpu.memory_space<hbm>> -> memref<100000x128xf32, #tpu.memory_space<hbm>>
    tpu.enqueue_indirect_dma source(%dma_start3A_81 : memref<100000x128xf32, #tpu.memory_space<hbm>>) target(%dma_start3A_75 : memref<64x128xf32, #tpu.memory_space<vmem>>) offsets(%dma_start3A_78 : memref<64xi32, #tpu.memory_space<vmem>>) semaphore(%arg13 : memref<!tpu.dma_semaphore, #tpu.memory_space<semaphore_mem>>)
    %dma_start3A_82 = arith.constant 2 : i32
    %dma_start3A_83 = arith.constant 128 : i32
    %dma_start3A_84 = arith.constant 0 : i32
    %dma_start3A_85 = tpu.memref_slice %arg9[%dma_start3A_83, %dma_start3A_84] : memref<200x128xf32, #tpu.memory_space<vmem>> -> memref<72x128xf32, #tpu.memory_space<vmem>>
    %dma_start3A_86 = arith.constant 128 : i32
    %dma_start3A_87 = tpu.memref_slice %arg5[%dma_start3A_82, %dma_start3A_86] : memref<32x200xi32, #tpu.memory_space<vmem>> -> memref<1x72xi32, #tpu.memory_space<vmem>>
    %dma_start3A_88 = tpu.memref_squeeze %dma_start3A_87 : memref<1x72xi32, #tpu.memory_space<vmem>> -> memref<72xi32, #tpu.memory_space<vmem>>
    %dma_start3A_89 = arith.constant 0 : i32
    %dma_start3A_90 = arith.constant 0 : i32
    %dma_start3A_91 = tpu.memref_slice %arg3[%dma_start3A_89, %dma_start3A_90] : memref<100000x128xf32, #tpu.memory_space<hbm>> -> memref<100000x128xf32, #tpu.memory_space<hbm>>
    tpu.enqueue_indirect_dma source(%dma_start3A_91 : memref<100000x128xf32, #tpu.memory_space<hbm>>) target(%dma_start3A_85 : memref<72x128xf32, #tpu.memory_space<vmem>>) offsets(%dma_start3A_88 : memref<72xi32, #tpu.memory_space<vmem>>) semaphore(%arg13 : memref<!tpu.dma_semaphore, #tpu.memory_space<semaphore_mem>>)
    %scan3A = arith.constant 0 : i32
    %scan3A_92 = arith.constant 0 : i32
    %scan3A_93 = arith.constant 8 : i32
    %scan3A_94 = arith.addi %scan3A_92, %scan3A_93 : i32
    %scan3A_95 = arith.constant 1 : i32
    scf.for %scan3A_97 = %scan3A_92 to %scan3A_94 step %scan3A_95  : i32 {
      %mul3A_98 = arith.constant 4 : i32
      %mul3A_99 = arith.muli %scan3A_97, %mul3A_98 : i32
      %add3A_100 = arith.constant 0 : i32
      %add3A_101 = arith.addi %mul3A_99, %add3A_100 : i32
      %add3A_102 = arith.constant 4 : i32
      %add3A_103 = arith.addi %add3A_101, %add3A_102 : i32
      %sub3A = arith.constant 1 : i32
      %sub3A_104 = arith.subi %add3A_103, %sub3A : i32
      %lt3A = arith.constant 32 : i32
      %lt3A_105 = arith.cmpi slt, %sub3A_104, %lt3A : i32
      %convert_element_type3A = arith.extui %lt3A_105 : i1 to i32
      %cond3A = arith.constant 0 : i32
      %cond3A_106 = arith.cmpi ne, %convert_element_type3A, %cond3A : i32
      scf.if %cond3A_106 {
        %add3A_493 = arith.constant 4 : i32
        %add3A_494 = arith.addi %add3A_101, %add3A_493 : i32
        %sub3A_495 = arith.constant 1 : i32
        %sub3A_496 = arith.subi %add3A_494, %sub3A_495 : i32
        %dma_start3A_497 = arith.constant 0 : i32
        %dma_start3A_498 = arith.constant 0 : i32
        %dma_start3A_499 = tpu.memref_slice %arg10[%dma_start3A_497, %dma_start3A_498] : memref<200x128xf32, #tpu.memory_space<vmem>> -> memref<64x128xf32, #tpu.memory_space<vmem>>
        %dma_start3A_500 = arith.constant 0 : i32
        %dma_start3A_501 = tpu.memref_slice %arg5[%sub3A_496, %dma_start3A_500] : memref<32x200xi32, #tpu.memory_space<vmem>> -> memref<1x64xi32, #tpu.memory_space<vmem>>
        %dma_start3A_502 = tpu.memref_squeeze %dma_start3A_501 : memref<1x64xi32, #tpu.memory_space<vmem>> -> memref<64xi32, #tpu.memory_space<vmem>>
        %dma_start3A_503 = arith.constant 0 : i32
        %dma_start3A_504 = arith.constant 0 : i32
        %dma_start3A_505 = tpu.memref_slice %arg3[%dma_start3A_503, %dma_start3A_504] : memref<100000x128xf32, #tpu.memory_space<hbm>> -> memref<100000x128xf32, #tpu.memory_space<hbm>>
        tpu.enqueue_indirect_dma source(%dma_start3A_505 : memref<100000x128xf32, #tpu.memory_space<hbm>>) target(%dma_start3A_499 : memref<64x128xf32, #tpu.memory_space<vmem>>) offsets(%dma_start3A_502 : memref<64xi32, #tpu.memory_space<vmem>>) semaphore(%arg14 : memref<!tpu.dma_semaphore, #tpu.memory_space<semaphore_mem>>)
        %dma_start3A_506 = arith.constant 64 : i32
        %dma_start3A_507 = arith.constant 0 : i32
        %dma_start3A_508 = tpu.memref_slice %arg10[%dma_start3A_506, %dma_start3A_507] : memref<200x128xf32, #tpu.memory_space<vmem>> -> memref<64x128xf32, #tpu.memory_space<vmem>>
        %dma_start3A_509 = arith.constant 64 : i32
        %dma_start3A_510 = tpu.memref_slice %arg5[%sub3A_496, %dma_start3A_509] : memref<32x200xi32, #tpu.memory_space<vmem>> -> memref<1x64xi32, #tpu.memory_space<vmem>>
        %dma_start3A_511 = tpu.memref_squeeze %dma_start3A_510 : memref<1x64xi32, #tpu.memory_space<vmem>> -> memref<64xi32, #tpu.memory_space<vmem>>
        %dma_start3A_512 = arith.constant 0 : i32
        %dma_start3A_513 = arith.constant 0 : i32
        %dma_start3A_514 = tpu.memref_slice %arg3[%dma_start3A_512, %dma_start3A_513] : memref<100000x128xf32, #tpu.memory_space<hbm>> -> memref<100000x128xf32, #tpu.memory_space<hbm>>
        tpu.enqueue_indirect_dma source(%dma_start3A_514 : memref<100000x128xf32, #tpu.memory_space<hbm>>) target(%dma_start3A_508 : memref<64x128xf32, #tpu.memory_space<vmem>>) offsets(%dma_start3A_511 : memref<64xi32, #tpu.memory_space<vmem>>) semaphore(%arg14 : memref<!tpu.dma_semaphore, #tpu.memory_space<semaphore_mem>>)
        %dma_start3A_515 = arith.constant 128 : i32
        %dma_start3A_516 = arith.constant 0 : i32
        %dma_start3A_517 = tpu.memref_slice %arg10[%dma_start3A_515, %dma_start3A_516] : memref<200x128xf32, #tpu.memory_space<vmem>> -> memref<72x128xf32, #tpu.memory_space<vmem>>
        %dma_start3A_518 = arith.constant 128 : i32
        %dma_start3A_519 = tpu.memref_slice %arg5[%sub3A_496, %dma_start3A_518] : memref<32x200xi32, #tpu.memory_space<vmem>> -> memref<1x72xi32, #tpu.memory_space<vmem>>
        %dma_start3A_520 = tpu.memref_squeeze %dma_start3A_519 : memref<1x72xi32, #tpu.memory_space<vmem>> -> memref<72xi32, #tpu.memory_space<vmem>>
        %dma_start3A_521 = arith.constant 0 : i32
        %dma_start3A_522 = arith.constant 0 : i32
        %dma_start3A_523 = tpu.memref_slice %arg3[%dma_start3A_521, %dma_start3A_522] : memref<100000x128xf32, #tpu.memory_space<hbm>> -> memref<100000x128xf32, #tpu.memory_space<hbm>>
        tpu.enqueue_indirect_dma source(%dma_start3A_523 : memref<100000x128xf32, #tpu.memory_space<hbm>>) target(%dma_start3A_517 : memref<72x128xf32, #tpu.memory_space<vmem>>) offsets(%dma_start3A_520 : memref<72xi32, #tpu.memory_space<vmem>>) semaphore(%arg14 : memref<!tpu.dma_semaphore, #tpu.memory_space<semaphore_mem>>)
      } else {
      }
      %dma_wait3A = arith.constant 0 : i32
      %dma_wait3A_107 = arith.constant 0 : i32
      %dma_wait3A_108 = tpu.memref_slice %arg7[%dma_wait3A, %dma_wait3A_107] : memref<200x128xf32, #tpu.memory_space<vmem>> -> memref<64x128xf32, #tpu.memory_space<vmem>>
      %dma_wait3A_109 = arith.constant 0 : i32
      %dma_wait3A_110 = tpu.memref_slice %arg5[%add3A_101, %dma_wait3A_109] : memref<32x200xi32, #tpu.memory_space<vmem>> -> memref<1x64xi32, #tpu.memory_space<vmem>>
      %dma_wait3A_111 = tpu.memref_squeeze %dma_wait3A_110 : memref<1x64xi32, #tpu.memory_space<vmem>> -> memref<64xi32, #tpu.memory_space<vmem>>
      %dma_wait3A_112 = arith.constant 0 : i32
      %dma_wait3A_113 = arith.constant 0 : i32
      %dma_wait3A_114 = tpu.memref_slice %arg3[%dma_wait3A_112, %dma_wait3A_113] : memref<100000x128xf32, #tpu.memory_space<hbm>> -> memref<100000x128xf32, #tpu.memory_space<hbm>>
      tpu.wait_indirect_dma semaphore(%arg11 : memref<!tpu.dma_semaphore, #tpu.memory_space<semaphore_mem>>) src(%dma_wait3A_114 : memref<100000x128xf32, #tpu.memory_space<hbm>>) dst(%dma_wait3A_108 : memref<64x128xf32, #tpu.memory_space<vmem>>)
      %dma_wait3A_115 = arith.constant 64 : i32
      %dma_wait3A_116 = arith.constant 0 : i32
      %dma_wait3A_117 = tpu.memref_slice %arg7[%dma_wait3A_115, %dma_wait3A_116] : memref<200x128xf32, #tpu.memory_space<vmem>> -> memref<64x128xf32, #tpu.memory_space<vmem>>
      %dma_wait3A_118 = arith.constant 64 : i32
      %dma_wait3A_119 = tpu.memref_slice %arg5[%add3A_101, %dma_wait3A_118] : memref<32x200xi32, #tpu.memory_space<vmem>> -> memref<1x64xi32, #tpu.memory_space<vmem>>
      %dma_wait3A_120 = tpu.memref_squeeze %dma_wait3A_119 : memref<1x64xi32, #tpu.memory_space<vmem>> -> memref<64xi32, #tpu.memory_space<vmem>>
      %dma_wait3A_121 = arith.constant 0 : i32
      %dma_wait3A_122 = arith.constant 0 : i32
      %dma_wait3A_123 = tpu.memref_slice %arg3[%dma_wait3A_121, %dma_wait3A_122] : memref<100000x128xf32, #tpu.memory_space<hbm>> -> memref<100000x128xf32, #tpu.memory_space<hbm>>
      tpu.wait_indirect_dma semaphore(%arg11 : memref<!tpu.dma_semaphore, #tpu.memory_space<semaphore_mem>>) src(%dma_wait3A_123 : memref<100000x128xf32, #tpu.memory_space<hbm>>) dst(%dma_wait3A_117 : memref<64x128xf32, #tpu.memory_space<vmem>>)
      %dma_wait3A_124 = arith.constant 128 : i32
      %dma_wait3A_125 = arith.constant 0 : i32
      %dma_wait3A_126 = tpu.memref_slice %arg7[%dma_wait3A_124, %dma_wait3A_125] : memref<200x128xf32, #tpu.memory_space<vmem>> -> memref<72x128xf32, #tpu.memory_space<vmem>>
      %dma_wait3A_127 = arith.constant 128 : i32
      %dma_wait3A_128 = tpu.memref_slice %arg5[%add3A_101, %dma_wait3A_127] : memref<32x200xi32, #tpu.memory_space<vmem>> -> memref<1x72xi32, #tpu.memory_space<vmem>>
      %dma_wait3A_129 = tpu.memref_squeeze %dma_wait3A_128 : memref<1x72xi32, #tpu.memory_space<vmem>> -> memref<72xi32, #tpu.memory_space<vmem>>
      %dma_wait3A_130 = arith.constant 0 : i32
      %dma_wait3A_131 = arith.constant 0 : i32
      %dma_wait3A_132 = tpu.memref_slice %arg3[%dma_wait3A_130, %dma_wait3A_131] : memref<100000x128xf32, #tpu.memory_space<hbm>> -> memref<100000x128xf32, #tpu.memory_space<hbm>>
      tpu.wait_indirect_dma semaphore(%arg11 : memref<!tpu.dma_semaphore, #tpu.memory_space<semaphore_mem>>) src(%dma_wait3A_132 : memref<100000x128xf32, #tpu.memory_space<hbm>>) dst(%dma_wait3A_126 : memref<72x128xf32, #tpu.memory_space<vmem>>)
      %broadcast_in_dim3A = arith.constant 0.000000e+00 : f32
      %broadcast_in_dim3A_133 = vector.broadcast %broadcast_in_dim3A : f32 to vector<16xf32>
      %broadcast_in_dim3A_134 = arith.constant 0.000000e+00 : f32
      %broadcast_in_dim3A_135 = vector.broadcast %broadcast_in_dim3A_134 : f32 to vector<16xf32>
      %broadcast_in_dim3A_136 = arith.constant 0.000000e+00 : f32
      %broadcast_in_dim3A_137 = vector.broadcast %broadcast_in_dim3A_136 : f32 to vector<16xf32>
      %broadcast_in_dim3A_138 = arith.constant 0.000000e+00 : f32
      %broadcast_in_dim3A_139 = vector.broadcast %broadcast_in_dim3A_138 : f32 to vector<16xf32>
      %broadcast_in_dim3A_140 = arith.constant 0.000000e+00 : f32
      %broadcast_in_dim3A_141 = vector.broadcast %broadcast_in_dim3A_140 : f32 to vector<16xf32>
      %broadcast_in_dim3A_142 = arith.constant 0.000000e+00 : f32
      %broadcast_in_dim3A_143 = vector.broadcast %broadcast_in_dim3A_142 : f32 to vector<16xf32>
      %broadcast_in_dim3A_144 = arith.constant 0.000000e+00 : f32
      %broadcast_in_dim3A_145 = vector.broadcast %broadcast_in_dim3A_144 : f32 to vector<16xf32>
      %broadcast_in_dim3A_146 = arith.constant 0.000000e+00 : f32
      %broadcast_in_dim3A_147 = vector.broadcast %broadcast_in_dim3A_146 : f32 to vector<16xf32>
      %scan3A_148 = arith.constant 0 : i32
      %scan3A_149 = arith.constant 25 : i32
      %scan3A_150 = arith.addi %scan3A_148, %scan3A_149 : i32
      %scan3A_151 = arith.constant 1 : i32
      %scan3A_152:8 = scf.for %scan3A_493 = %scan3A_148 to %scan3A_150 step %scan3A_151 iter_args(%scan3A_494 = %broadcast_in_dim3A_133, %scan3A_495 = %broadcast_in_dim3A_135, %scan3A_496 = %broadcast_in_dim3A_137, %scan3A_497 = %broadcast_in_dim3A_139, %scan3A_498 = %broadcast_in_dim3A_141, %scan3A_499 = %broadcast_in_dim3A_143, %scan3A_500 = %broadcast_in_dim3A_145, %scan3A_501 = %broadcast_in_dim3A_147) -> (vector<16xf32>, vector<16xf32>, vector<16xf32>, vector<16xf32>, vector<16xf32>, vector<16xf32>, vector<16xf32>, vector<16xf32>)  : i32 {
        %mul3A_502 = arith.constant 8 : i32
        %mul3A_503 = arith.muli %scan3A_493, %mul3A_502 : i32
        %add3A_504 = arith.constant 0 : i32
        %add3A_505 = arith.addi %mul3A_503, %add3A_504 : i32
        %get3A = arith.index_cast %add3A_505 : i32 to index
        %get3A_506 = arith.constant 0 : index
        %get3A_507 = tpu.vector_load %arg7[%get3A, %get3A_506] {strides = array<i32>} : memref<200x128xf32, #tpu.memory_space<vmem>>, vector<1x16xf32>,
        %get3A_508 = vector.shape_cast %get3A_507 : vector<1x16xf32> to vector<16xf32>
        %add3A_509 = arith.addf %scan3A_494, %get3A_508 : vector<16xf32>
        %add3A_510 = arith.constant 0 : i32
        %add3A_511 = arith.addi %mul3A_503, %add3A_510 : i32
        %get3A_512 = arith.index_cast %add3A_511 : i32 to index
        %get3A_513 = arith.constant 16 : index
        %get3A_514 = tpu.vector_load %arg7[%get3A_512, %get3A_513] {strides = array<i32>} : memref<200x128xf32, #tpu.memory_space<vmem>>, vector<1x16xf32>,
        %get3A_515 = vector.shape_cast %get3A_514 : vector<1x16xf32> to vector<16xf32>
        %add3A_516 = arith.addf %scan3A_495, %get3A_515 : vector<16xf32>
        %add3A_517 = arith.constant 0 : i32
        %add3A_518 = arith.addi %mul3A_503, %add3A_517 : i32
        %get3A_519 = arith.index_cast %add3A_518 : i32 to index
        %get3A_520 = arith.constant 32 : index
        %get3A_521 = tpu.vector_load %arg7[%get3A_519, %get3A_520] {strides = array<i32>} : memref<200x128xf32, #tpu.memory_space<vmem>>, vector<1x16xf32>,
        %get3A_522 = vector.shape_cast %get3A_521 : vector<1x16xf32> to vector<16xf32>
        %add3A_523 = arith.addf %scan3A_496, %get3A_522 : vector<16xf32>
        %add3A_524 = arith.constant 0 : i32
        %add3A_525 = arith.addi %mul3A_503, %add3A_524 : i32
        %get3A_526 = arith.index_cast %add3A_525 : i32 to index
        %get3A_527 = arith.constant 48 : index
        %get3A_528 = tpu.vector_load %arg7[%get3A_526, %get3A_527] {strides = array<i32>} : memref<200x128xf32, #tpu.memory_space<vmem>>, vector<1x16xf32>,
        %get3A_529 = vector.shape_cast %get3A_528 : vector<1x16xf32> to vector<16xf32>
        %add3A_530 = arith.addf %scan3A_497, %get3A_529 : vector<16xf32>
        %add3A_531 = arith.constant 0 : i32
        %add3A_532 = arith.addi %mul3A_503, %add3A_531 : i32
        %get3A_533 = arith.index_cast %add3A_532 : i32 to index
        %get3A_534 = arith.constant 64 : index
        %get3A_535 = tpu.vector_load %arg7[%get3A_533, %get3A_534] {strides = array<i32>} : memref<200x128xf32, #tpu.memory_space<vmem>>, vector<1x16xf32>,
        %get3A_536 = vector.shape_cast %get3A_535 : vector<1x16xf32> to vector<16xf32>
        %add3A_537 = arith.addf %scan3A_498, %get3A_536 : vector<16xf32>
        %add3A_538 = arith.constant 0 : i32
        %add3A_539 = arith.addi %mul3A_503, %add3A_538 : i32
        %get3A_540 = arith.index_cast %add3A_539 : i32 to index
        %get3A_541 = arith.constant 80 : index
        %get3A_542 = tpu.vector_load %arg7[%get3A_540, %get3A_541] {strides = array<i32>} : memref<200x128xf32, #tpu.memory_space<vmem>>, vector<1x16xf32>,
        %get3A_543 = vector.shape_cast %get3A_542 : vector<1x16xf32> to vector<16xf32>
        %add3A_544 = arith.addf %scan3A_499, %get3A_543 : vector<16xf32>
        %add3A_545 = arith.constant 0 : i32
        %add3A_546 = arith.addi %mul3A_503, %add3A_545 : i32
        %get3A_547 = arith.index_cast %add3A_546 : i32 to index
        %get3A_548 = arith.constant 96 : index
        %get3A_549 = tpu.vector_load %arg7[%get3A_547, %get3A_548] {strides = array<i32>} : memref<200x128xf32, #tpu.memory_space<vmem>>, vector<1x16xf32>,
        %get3A_550 = vector.shape_cast %get3A_549 : vector<1x16xf32> to vector<16xf32>
        %add3A_551 = arith.addf %scan3A_500, %get3A_550 : vector<16xf32>
        %add3A_552 = arith.constant 0 : i32
        %add3A_553 = arith.addi %mul3A_503, %add3A_552 : i32
        %get3A_554 = arith.index_cast %add3A_553 : i32 to index
        %get3A_555 = arith.constant 112 : index
        %get3A_556 = tpu.vector_load %arg7[%get3A_554, %get3A_555] {strides = array<i32>} : memref<200x128xf32, #tpu.memory_space<vmem>>, vector<1x16xf32>,
        %get3A_557 = vector.shape_cast %get3A_556 : vector<1x16xf32> to vector<16xf32>
        %add3A_558 = arith.addf %scan3A_501, %get3A_557 : vector<16xf32>
        %add3A_559 = arith.constant 1 : i32
        %add3A_560 = arith.addi %mul3A_503, %add3A_559 : i32
        %get3A_561 = arith.index_cast %add3A_560 : i32 to index
        %get3A_562 = arith.constant 0 : index
        %get3A_563 = tpu.vector_load %arg7[%get3A_561, %get3A_562] {strides = array<i32>} : memref<200x128xf32, #tpu.memory_space<vmem>>, vector<1x16xf32>,
        %get3A_564 = vector.shape_cast %get3A_563 : vector<1x16xf32> to vector<16xf32>
        %add3A_565 = arith.addf %add3A_509, %get3A_564 : vector<16xf32>
        %add3A_566 = arith.constant 1 : i32
        %add3A_567 = arith.addi %mul3A_503, %add3A_566 : i32
        %get3A_568 = arith.index_cast %add3A_567 : i32 to index
        %get3A_569 = arith.constant 16 : index
        %get3A_570 = tpu.vector_load %arg7[%get3A_568, %get3A_569] {strides = array<i32>} : memref<200x128xf32, #tpu.memory_space<vmem>>, vector<1x16xf32>,
        %get3A_571 = vector.shape_cast %get3A_570 : vector<1x16xf32> to vector<16xf32>
        %add3A_572 = arith.addf %add3A_516, %get3A_571 : vector<16xf32>
        %add3A_573 = arith.constant 1 : i32
        %add3A_574 = arith.addi %mul3A_503, %add3A_573 : i32
        %get3A_575 = arith.index_cast %add3A_574 : i32 to index
        %get3A_576 = arith.constant 32 : index
        %get3A_577 = tpu.vector_load %arg7[%get3A_575, %get3A_576] {strides = array<i32>} : memref<200x128xf32, #tpu.memory_space<vmem>>, vector<1x16xf32>,
        %get3A_578 = vector.shape_cast %get3A_577 : vector<1x16xf32> to vector<16xf32>
        %add3A_579 = arith.addf %add3A_523, %get3A_578 : vector<16xf32>
        %add3A_580 = arith.constant 1 : i32
        %add3A_581 = arith.addi %mul3A_503, %add3A_580 : i32
        %get3A_582 = arith.index_cast %add3A_581 : i32 to index
        %get3A_583 = arith.constant 48 : index
        %get3A_584 = tpu.vector_load %arg7[%get3A_582, %get3A_583] {strides = array<i32>} : memref<200x128xf32, #tpu.memory_space<vmem>>, vector<1x16xf32>,
        %get3A_585 = vector.shape_cast %get3A_584 : vector<1x16xf32> to vector<16xf32>
        %add3A_586 = arith.addf %add3A_530, %get3A_585 : vector<16xf32>
        %add3A_587 = arith.constant 1 : i32
        %add3A_588 = arith.addi %mul3A_503, %add3A_587 : i32
        %get3A_589 = arith.index_cast %add3A_588 : i32 to index
        %get3A_590 = arith.constant 64 : index
        %get3A_591 = tpu.vector_load %arg7[%get3A_589, %get3A_590] {strides = array<i32>} : memref<200x128xf32, #tpu.memory_space<vmem>>, vector<1x16xf32>,
        %get3A_592 = vector.shape_cast %get3A_591 : vector<1x16xf32> to vector<16xf32>
        %add3A_593 = arith.addf %add3A_537, %get3A_592 : vector<16xf32>
        %add3A_594 = arith.constant 1 : i32
        %add3A_595 = arith.addi %mul3A_503, %add3A_594 : i32
        %get3A_596 = arith.index_cast %add3A_595 : i32 to index
        %get3A_597 = arith.constant 80 : index
        %get3A_598 = tpu.vector_load %arg7[%get3A_596, %get3A_597] {strides = array<i32>} : memref<200x128xf32, #tpu.memory_space<vmem>>, vector<1x16xf32>,
        %get3A_599 = vector.shape_cast %get3A_598 : vector<1x16xf32> to vector<16xf32>
        %add3A_600 = arith.addf %add3A_544, %get3A_599 : vector<16xf32>
        %add3A_601 = arith.constant 1 : i32
        %add3A_602 = arith.addi %mul3A_503, %add3A_601 : i32
        %get3A_603 = arith.index_cast %add3A_602 : i32 to index
        %get3A_604 = arith.constant 96 : index
        %get3A_605 = tpu.vector_load %arg7[%get3A_603, %get3A_604] {strides = array<i32>} : memref<200x128xf32, #tpu.memory_space<vmem>>, vector<1x16xf32>,
        %get3A_606 = vector.shape_cast %get3A_605 : vector<1x16xf32> to vector<16xf32>
        %add3A_607 = arith.addf %add3A_551, %get3A_606 : vector<16xf32>
        %add3A_608 = arith.constant 1 : i32
        %add3A_609 = arith.addi %mul3A_503, %add3A_608 : i32
        %get3A_610 = arith.index_cast %add3A_609 : i32 to index
        %get3A_611 = arith.constant 112 : index
        %get3A_612 = tpu.vector_load %arg7[%get3A_610, %get3A_611] {strides = array<i32>} : memref<200x128xf32, #tpu.memory_space<vmem>>, vector<1x16xf32>,
        %get3A_613 = vector.shape_cast %get3A_612 : vector<1x16xf32> to vector<16xf32>
        %add3A_614 = arith.addf %add3A_558, %get3A_613 : vector<16xf32>
        %add3A_615 = arith.constant 2 : i32
        %add3A_616 = arith.addi %mul3A_503, %add3A_615 : i32
        %get3A_617 = arith.index_cast %add3A_616 : i32 to index
        %get3A_618 = arith.constant 0 : index
        %get3A_619 = tpu.vector_load %arg7[%get3A_617, %get3A_618] {strides = array<i32>} : memref<200x128xf32, #tpu.memory_space<vmem>>, vector<1x16xf32>,
        %get3A_620 = vector.shape_cast %get3A_619 : vector<1x16xf32> to vector<16xf32>
        %add3A_621 = arith.addf %add3A_565, %get3A_620 : vector<16xf32>
        %add3A_622 = arith.constant 2 : i32
        %add3A_623 = arith.addi %mul3A_503, %add3A_622 : i32
        %get3A_624 = arith.index_cast %add3A_623 : i32 to index
        %get3A_625 = arith.constant 16 : index
        %get3A_626 = tpu.vector_load %arg7[%get3A_624, %get3A_625] {strides = array<i32>} : memref<200x128xf32, #tpu.memory_space<vmem>>, vector<1x16xf32>,
        %get3A_627 = vector.shape_cast %get3A_626 : vector<1x16xf32> to vector<16xf32>
        %add3A_628 = arith.addf %add3A_572, %get3A_627 : vector<16xf32>
        %add3A_629 = arith.constant 2 : i32
        %add3A_630 = arith.addi %mul3A_503, %add3A_629 : i32
        %get3A_631 = arith.index_cast %add3A_630 : i32 to index
        %get3A_632 = arith.constant 32 : index
        %get3A_633 = tpu.vector_load %arg7[%get3A_631, %get3A_632] {strides = array<i32>} : memref<200x128xf32, #tpu.memory_space<vmem>>, vector<1x16xf32>,
        %get3A_634 = vector.shape_cast %get3A_633 : vector<1x16xf32> to vector<16xf32>
        %add3A_635 = arith.addf %add3A_579, %get3A_634 : vector<16xf32>
        %add3A_636 = arith.constant 2 : i32
        %add3A_637 = arith.addi %mul3A_503, %add3A_636 : i32
        %get3A_638 = arith.index_cast %add3A_637 : i32 to index
        %get3A_639 = arith.constant 48 : index
        %get3A_640 = tpu.vector_load %arg7[%get3A_638, %get3A_639] {strides = array<i32>} : memref<200x128xf32, #tpu.memory_space<vmem>>, vector<1x16xf32>,
        %get3A_641 = vector.shape_cast %get3A_640 : vector<1x16xf32> to vector<16xf32>
        %add3A_642 = arith.addf %add3A_586, %get3A_641 : vector<16xf32>
        %add3A_643 = arith.constant 2 : i32
        %add3A_644 = arith.addi %mul3A_503, %add3A_643 : i32
        %get3A_645 = arith.index_cast %add3A_644 : i32 to index
        %get3A_646 = arith.constant 64 : index
        %get3A_647 = tpu.vector_load %arg7[%get3A_645, %get3A_646] {strides = array<i32>} : memref<200x128xf32, #tpu.memory_space<vmem>>, vector<1x16xf32>,
        %get3A_648 = vector.shape_cast %get3A_647 : vector<1x16xf32> to vector<16xf32>
        %add3A_649 = arith.addf %add3A_593, %get3A_648 : vector<16xf32>
        %add3A_650 = arith.constant 2 : i32
        %add3A_651 = arith.addi %mul3A_503, %add3A_650 : i32
        %get3A_652 = arith.index_cast %add3A_651 : i32 to index
        %get3A_653 = arith.constant 80 : index
        %get3A_654 = tpu.vector_load %arg7[%get3A_652, %get3A_653] {strides = array<i32>} : memref<200x128xf32, #tpu.memory_space<vmem>>, vector<1x16xf32>,
        %get3A_655 = vector.shape_cast %get3A_654 : vector<1x16xf32> to vector<16xf32>
        %add3A_656 = arith.addf %add3A_600, %get3A_655 : vector<16xf32>
        %add3A_657 = arith.constant 2 : i32
        %add3A_658 = arith.addi %mul3A_503, %add3A_657 : i32
        %get3A_659 = arith.index_cast %add3A_658 : i32 to index
        %get3A_660 = arith.constant 96 : index
        %get3A_661 = tpu.vector_load %arg7[%get3A_659, %get3A_660] {strides = array<i32>} : memref<200x128xf32, #tpu.memory_space<vmem>>, vector<1x16xf32>,
        %get3A_662 = vector.shape_cast %get3A_661 : vector<1x16xf32> to vector<16xf32>
        %add3A_663 = arith.addf %add3A_607, %get3A_662 : vector<16xf32>
        %add3A_664 = arith.constant 2 : i32
        %add3A_665 = arith.addi %mul3A_503, %add3A_664 : i32
        %get3A_666 = arith.index_cast %add3A_665 : i32 to index
        %get3A_667 = arith.constant 112 : index
        %get3A_668 = tpu.vector_load %arg7[%get3A_666, %get3A_667] {strides = array<i32>} : memref<200x128xf32, #tpu.memory_space<vmem>>, vector<1x16xf32>,
        %get3A_669 = vector.shape_cast %get3A_668 : vector<1x16xf32> to vector<16xf32>
        %add3A_670 = arith.addf %add3A_614, %get3A_669 : vector<16xf32>
        %add3A_671 = arith.constant 3 : i32
        %add3A_672 = arith.addi %mul3A_503, %add3A_671 : i32
        %get3A_673 = arith.index_cast %add3A_672 : i32 to index
        %get3A_674 = arith.constant 0 : index
        %get3A_675 = tpu.vector_load %arg7[%get3A_673, %get3A_674] {strides = array<i32>} : memref<200x128xf32, #tpu.memory_space<vmem>>, vector<1x16xf32>,
        %get3A_676 = vector.shape_cast %get3A_675 : vector<1x16xf32> to vector<16xf32>
        %add3A_677 = arith.addf %add3A_621, %get3A_676 : vector<16xf32>
        %add3A_678 = arith.constant 3 : i32
        %add3A_679 = arith.addi %mul3A_503, %add3A_678 : i32
        %get3A_680 = arith.index_cast %add3A_679 : i32 to index
        %get3A_681 = arith.constant 16 : index
        %get3A_682 = tpu.vector_load %arg7[%get3A_680, %get3A_681] {strides = array<i32>} : memref<200x128xf32, #tpu.memory_space<vmem>>, vector<1x16xf32>,
        %get3A_683 = vector.shape_cast %get3A_682 : vector<1x16xf32> to vector<16xf32>
        %add3A_684 = arith.addf %add3A_628, %get3A_683 : vector<16xf32>
        %add3A_685 = arith.constant 3 : i32
        %add3A_686 = arith.addi %mul3A_503, %add3A_685 : i32
        %get3A_687 = arith.index_cast %add3A_686 : i32 to index
        %get3A_688 = arith.constant 32 : index
        %get3A_689 = tpu.vector_load %arg7[%get3A_687, %get3A_688] {strides = array<i32>} : memref<200x128xf32, #tpu.memory_space<vmem>>, vector<1x16xf32>,
        %get3A_690 = vector.shape_cast %get3A_689 : vector<1x16xf32> to vector<16xf32>
        %add3A_691 = arith.addf %add3A_635, %get3A_690 : vector<16xf32>
        %add3A_692 = arith.constant 3 : i32
        %add3A_693 = arith.addi %mul3A_503, %add3A_692 : i32
        %get3A_694 = arith.index_cast %add3A_693 : i32 to index
        %get3A_695 = arith.constant 48 : index
        %get3A_696 = tpu.vector_load %arg7[%get3A_694, %get3A_695] {strides = array<i32>} : memref<200x128xf32, #tpu.memory_space<vmem>>, vector<1x16xf32>,
        %get3A_697 = vector.shape_cast %get3A_696 : vector<1x16xf32> to vector<16xf32>
        %add3A_698 = arith.addf %add3A_642, %get3A_697 : vector<16xf32>
        %add3A_699 = arith.constant 3 : i32
        %add3A_700 = arith.addi %mul3A_503, %add3A_699 : i32
        %get3A_701 = arith.index_cast %add3A_700 : i32 to index
        %get3A_702 = arith.constant 64 : index
        %get3A_703 = tpu.vector_load %arg7[%get3A_701, %get3A_702] {strides = array<i32>} : memref<200x128xf32, #tpu.memory_space<vmem>>, vector<1x16xf32>,
        %get3A_704 = vector.shape_cast %get3A_703 : vector<1x16xf32> to vector<16xf32>
        %add3A_705 = arith.addf %add3A_649, %get3A_704 : vector<16xf32>
        %add3A_706 = arith.constant 3 : i32
        %add3A_707 = arith.addi %mul3A_503, %add3A_706 : i32
        %get3A_708 = arith.index_cast %add3A_707 : i32 to index
        %get3A_709 = arith.constant 80 : index
        %get3A_710 = tpu.vector_load %arg7[%get3A_708, %get3A_709] {strides = array<i32>} : memref<200x128xf32, #tpu.memory_space<vmem>>, vector<1x16xf32>,
        %get3A_711 = vector.shape_cast %get3A_710 : vector<1x16xf32> to vector<16xf32>
        %add3A_712 = arith.addf %add3A_656, %get3A_711 : vector<16xf32>
        %add3A_713 = arith.constant 3 : i32
        %add3A_714 = arith.addi %mul3A_503, %add3A_713 : i32
        %get3A_715 = arith.index_cast %add3A_714 : i32 to index
        %get3A_716 = arith.constant 96 : index
        %get3A_717 = tpu.vector_load %arg7[%get3A_715, %get3A_716] {strides = array<i32>} : memref<200x128xf32, #tpu.memory_space<vmem>>, vector<1x16xf32>,
        %get3A_718 = vector.shape_cast %get3A_717 : vector<1x16xf32> to vector<16xf32>
        %add3A_719 = arith.addf %add3A_663, %get3A_718 : vector<16xf32>
        %add3A_720 = arith.constant 3 : i32
        %add3A_721 = arith.addi %mul3A_503, %add3A_720 : i32
        %get3A_722 = arith.index_cast %add3A_721 : i32 to index
        %get3A_723 = arith.constant 112 : index
        %get3A_724 = tpu.vector_load %arg7[%get3A_722, %get3A_723] {strides = array<i32>} : memref<200x128xf32, #tpu.memory_space<vmem>>, vector<1x16xf32>,
        %get3A_725 = vector.shape_cast %get3A_724 : vector<1x16xf32> to vector<16xf32>
        %add3A_726 = arith.addf %add3A_670, %get3A_725 : vector<16xf32>
        %add3A_727 = arith.constant 4 : i32
        %add3A_728 = arith.addi %mul3A_503, %add3A_727 : i32
        %get3A_729 = arith.index_cast %add3A_728 : i32 to index
        %get3A_730 = arith.constant 0 : index
        %get3A_731 = tpu.vector_load %arg7[%get3A_729, %get3A_730] {strides = array<i32>} : memref<200x128xf32, #tpu.memory_space<vmem>>, vector<1x16xf32>,
        %get3A_732 = vector.shape_cast %get3A_731 : vector<1x16xf32> to vector<16xf32>
        %add3A_733 = arith.addf %add3A_677, %get3A_732 : vector<16xf32>
        %add3A_734 = arith.constant 4 : i32
        %add3A_735 = arith.addi %mul3A_503, %add3A_734 : i32
        %get3A_736 = arith.index_cast %add3A_735 : i32 to index
        %get3A_737 = arith.constant 16 : index
        %get3A_738 = tpu.vector_load %arg7[%get3A_736, %get3A_737] {strides = array<i32>} : memref<200x128xf32, #tpu.memory_space<vmem>>, vector<1x16xf32>,
        %get3A_739 = vector.shape_cast %get3A_738 : vector<1x16xf32> to vector<16xf32>
        %add3A_740 = arith.addf %add3A_684, %get3A_739 : vector<16xf32>
        %add3A_741 = arith.constant 4 : i32
        %add3A_742 = arith.addi %mul3A_503, %add3A_741 : i32
        %get3A_743 = arith.index_cast %add3A_742 : i32 to index
        %get3A_744 = arith.constant 32 : index
        %get3A_745 = tpu.vector_load %arg7[%get3A_743, %get3A_744] {strides = array<i32>} : memref<200x128xf32, #tpu.memory_space<vmem>>, vector<1x16xf32>,
        %get3A_746 = vector.shape_cast %get3A_745 : vector<1x16xf32> to vector<16xf32>
        %add3A_747 = arith.addf %add3A_691, %get3A_746 : vector<16xf32>
        %add3A_748 = arith.constant 4 : i32
        %add3A_749 = arith.addi %mul3A_503, %add3A_748 : i32
        %get3A_750 = arith.index_cast %add3A_749 : i32 to index
        %get3A_751 = arith.constant 48 : index
        %get3A_752 = tpu.vector_load %arg7[%get3A_750, %get3A_751] {strides = array<i32>} : memref<200x128xf32, #tpu.memory_space<vmem>>, vector<1x16xf32>,
        %get3A_753 = vector.shape_cast %get3A_752 : vector<1x16xf32> to vector<16xf32>
        %add3A_754 = arith.addf %add3A_698, %get3A_753 : vector<16xf32>
        %add3A_755 = arith.constant 4 : i32
        %add3A_756 = arith.addi %mul3A_503, %add3A_755 : i32
        %get3A_757 = arith.index_cast %add3A_756 : i32 to index
        %get3A_758 = arith.constant 64 : index
        %get3A_759 = tpu.vector_load %arg7[%get3A_757, %get3A_758] {strides = array<i32>} : memref<200x128xf32, #tpu.memory_space<vmem>>, vector<1x16xf32>,
        %get3A_760 = vector.shape_cast %get3A_759 : vector<1x16xf32> to vector<16xf32>
        %add3A_761 = arith.addf %add3A_705, %get3A_760 : vector<16xf32>
        %add3A_762 = arith.constant 4 : i32
        %add3A_763 = arith.addi %mul3A_503, %add3A_762 : i32
        %get3A_764 = arith.index_cast %add3A_763 : i32 to index
        %get3A_765 = arith.constant 80 : index
        %get3A_766 = tpu.vector_load %arg7[%get3A_764, %get3A_765] {strides = array<i32>} : memref<200x128xf32, #tpu.memory_space<vmem>>, vector<1x16xf32>,
        %get3A_767 = vector.shape_cast %get3A_766 : vector<1x16xf32> to vector<16xf32>
        %add3A_768 = arith.addf %add3A_712, %get3A_767 : vector<16xf32>
        %add3A_769 = arith.constant 4 : i32
        %add3A_770 = arith.addi %mul3A_503, %add3A_769 : i32
        %get3A_771 = arith.index_cast %add3A_770 : i32 to index
        %get3A_772 = arith.constant 96 : index
        %get3A_773 = tpu.vector_load %arg7[%get3A_771, %get3A_772] {strides = array<i32>} : memref<200x128xf32, #tpu.memory_space<vmem>>, vector<1x16xf32>,
        %get3A_774 = vector.shape_cast %get3A_773 : vector<1x16xf32> to vector<16xf32>
        %add3A_775 = arith.addf %add3A_719, %get3A_774 : vector<16xf32>
        %add3A_776 = arith.constant 4 : i32
        %add3A_777 = arith.addi %mul3A_503, %add3A_776 : i32
        %get3A_778 = arith.index_cast %add3A_777 : i32 to index
        %get3A_779 = arith.constant 112 : index
        %get3A_780 = tpu.vector_load %arg7[%get3A_778, %get3A_779] {strides = array<i32>} : memref<200x128xf32, #tpu.memory_space<vmem>>, vector<1x16xf32>,
        %get3A_781 = vector.shape_cast %get3A_780 : vector<1x16xf32> to vector<16xf32>
        %add3A_782 = arith.addf %add3A_726, %get3A_781 : vector<16xf32>
        %add3A_783 = arith.constant 5 : i32
        %add3A_784 = arith.addi %mul3A_503, %add3A_783 : i32
        %get3A_785 = arith.index_cast %add3A_784 : i32 to index
        %get3A_786 = arith.constant 0 : index
        %get3A_787 = tpu.vector_load %arg7[%get3A_785, %get3A_786] {strides = array<i32>} : memref<200x128xf32, #tpu.memory_space<vmem>>, vector<1x16xf32>,
        %get3A_788 = vector.shape_cast %get3A_787 : vector<1x16xf32> to vector<16xf32>
        %add3A_789 = arith.addf %add3A_733, %get3A_788 : vector<16xf32>
        %add3A_790 = arith.constant 5 : i32
        %add3A_791 = arith.addi %mul3A_503, %add3A_790 : i32
        %get3A_792 = arith.index_cast %add3A_791 : i32 to index
        %get3A_793 = arith.constant 16 : index
        %get3A_794 = tpu.vector_load %arg7[%get3A_792, %get3A_793] {strides = array<i32>} : memref<200x128xf32, #tpu.memory_space<vmem>>, vector<1x16xf32>,
        %get3A_795 = vector.shape_cast %get3A_794 : vector<1x16xf32> to vector<16xf32>
        %add3A_796 = arith.addf %add3A_740, %get3A_795 : vector<16xf32>
        %add3A_797 = arith.constant 5 : i32
        %add3A_798 = arith.addi %mul3A_503, %add3A_797 : i32
        %get3A_799 = arith.index_cast %add3A_798 : i32 to index
        %get3A_800 = arith.constant 32 : index
        %get3A_801 = tpu.vector_load %arg7[%get3A_799, %get3A_800] {strides = array<i32>} : memref<200x128xf32, #tpu.memory_space<vmem>>, vector<1x16xf32>,
        %get3A_802 = vector.shape_cast %get3A_801 : vector<1x16xf32> to vector<16xf32>
        %add3A_803 = arith.addf %add3A_747, %get3A_802 : vector<16xf32>
        %add3A_804 = arith.constant 5 : i32
        %add3A_805 = arith.addi %mul3A_503, %add3A_804 : i32
        %get3A_806 = arith.index_cast %add3A_805 : i32 to index
        %get3A_807 = arith.constant 48 : index
        %get3A_808 = tpu.vector_load %arg7[%get3A_806, %get3A_807] {strides = array<i32>} : memref<200x128xf32, #tpu.memory_space<vmem>>, vector<1x16xf32>,
        %get3A_809 = vector.shape_cast %get3A_808 : vector<1x16xf32> to vector<16xf32>
        %add3A_810 = arith.addf %add3A_754, %get3A_809 : vector<16xf32>
        %add3A_811 = arith.constant 5 : i32
        %add3A_812 = arith.addi %mul3A_503, %add3A_811 : i32
        %get3A_813 = arith.index_cast %add3A_812 : i32 to index
        %get3A_814 = arith.constant 64 : index
        %get3A_815 = tpu.vector_load %arg7[%get3A_813, %get3A_814] {strides = array<i32>} : memref<200x128xf32, #tpu.memory_space<vmem>>, vector<1x16xf32>,
        %get3A_816 = vector.shape_cast %get3A_815 : vector<1x16xf32> to vector<16xf32>
        %add3A_817 = arith.addf %add3A_761, %get3A_816 : vector<16xf32>
        %add3A_818 = arith.constant 5 : i32
        %add3A_819 = arith.addi %mul3A_503, %add3A_818 : i32
        %get3A_820 = arith.index_cast %add3A_819 : i32 to index
        %get3A_821 = arith.constant 80 : index
        %get3A_822 = tpu.vector_load %arg7[%get3A_820, %get3A_821] {strides = array<i32>} : memref<200x128xf32, #tpu.memory_space<vmem>>, vector<1x16xf32>,
        %get3A_823 = vector.shape_cast %get3A_822 : vector<1x16xf32> to vector<16xf32>
        %add3A_824 = arith.addf %add3A_768, %get3A_823 : vector<16xf32>
        %add3A_825 = arith.constant 5 : i32
        %add3A_826 = arith.addi %mul3A_503, %add3A_825 : i32
        %get3A_827 = arith.index_cast %add3A_826 : i32 to index
        %get3A_828 = arith.constant 96 : index
        %get3A_829 = tpu.vector_load %arg7[%get3A_827, %get3A_828] {strides = array<i32>} : memref<200x128xf32, #tpu.memory_space<vmem>>, vector<1x16xf32>,
        %get3A_830 = vector.shape_cast %get3A_829 : vector<1x16xf32> to vector<16xf32>
        %add3A_831 = arith.addf %add3A_775, %get3A_830 : vector<16xf32>
        %add3A_832 = arith.constant 5 : i32
        %add3A_833 = arith.addi %mul3A_503, %add3A_832 : i32
        %get3A_834 = arith.index_cast %add3A_833 : i32 to index
        %get3A_835 = arith.constant 112 : index
        %get3A_836 = tpu.vector_load %arg7[%get3A_834, %get3A_835] {strides = array<i32>} : memref<200x128xf32, #tpu.memory_space<vmem>>, vector<1x16xf32>,
        %get3A_837 = vector.shape_cast %get3A_836 : vector<1x16xf32> to vector<16xf32>
        %add3A_838 = arith.addf %add3A_782, %get3A_837 : vector<16xf32>
        %add3A_839 = arith.constant 6 : i32
        %add3A_840 = arith.addi %mul3A_503, %add3A_839 : i32
        %get3A_841 = arith.index_cast %add3A_840 : i32 to index
        %get3A_842 = arith.constant 0 : index
        %get3A_843 = tpu.vector_load %arg7[%get3A_841, %get3A_842] {strides = array<i32>} : memref<200x128xf32, #tpu.memory_space<vmem>>, vector<1x16xf32>,
        %get3A_844 = vector.shape_cast %get3A_843 : vector<1x16xf32> to vector<16xf32>
        %add3A_845 = arith.addf %add3A_789, %get3A_844 : vector<16xf32>
        %add3A_846 = arith.constant 6 : i32
        %add3A_847 = arith.addi %mul3A_503, %add3A_846 : i32
        %get3A_848 = arith.index_cast %add3A_847 : i32 to index
        %get3A_849 = arith.constant 16 : index
        %get3A_850 = tpu.vector_load %arg7[%get3A_848, %get3A_849] {strides = array<i32>} : memref<200x128xf32, #tpu.memory_space<vmem>>, vector<1x16xf32>,
        %get3A_851 = vector.shape_cast %get3A_850 : vector<1x16xf32> to vector<16xf32>
        %add3A_852 = arith.addf %add3A_796, %get3A_851 : vector<16xf32>
        %add3A_853 = arith.constant 6 : i32
        %add3A_854 = arith.addi %mul3A_503, %add3A_853 : i32
        %get3A_855 = arith.index_cast %add3A_854 : i32 to index
        %get3A_856 = arith.constant 32 : index
        %get3A_857 = tpu.vector_load %arg7[%get3A_855, %get3A_856] {strides = array<i32>} : memref<200x128xf32, #tpu.memory_space<vmem>>, vector<1x16xf32>,
        %get3A_858 = vector.shape_cast %get3A_857 : vector<1x16xf32> to vector<16xf32>
        %add3A_859 = arith.addf %add3A_803, %get3A_858 : vector<16xf32>
        %add3A_860 = arith.constant 6 : i32
        %add3A_861 = arith.addi %mul3A_503, %add3A_860 : i32
        %get3A_862 = arith.index_cast %add3A_861 : i32 to index
        %get3A_863 = arith.constant 48 : index
        %get3A_864 = tpu.vector_load %arg7[%get3A_862, %get3A_863] {strides = array<i32>} : memref<200x128xf32, #tpu.memory_space<vmem>>, vector<1x16xf32>,
        %get3A_865 = vector.shape_cast %get3A_864 : vector<1x16xf32> to vector<16xf32>
        %add3A_866 = arith.addf %add3A_810, %get3A_865 : vector<16xf32>
        %add3A_867 = arith.constant 6 : i32
        %add3A_868 = arith.addi %mul3A_503, %add3A_867 : i32
        %get3A_869 = arith.index_cast %add3A_868 : i32 to index
        %get3A_870 = arith.constant 64 : index
        %get3A_871 = tpu.vector_load %arg7[%get3A_869, %get3A_870] {strides = array<i32>} : memref<200x128xf32, #tpu.memory_space<vmem>>, vector<1x16xf32>,
        %get3A_872 = vector.shape_cast %get3A_871 : vector<1x16xf32> to vector<16xf32>
        %add3A_873 = arith.addf %add3A_817, %get3A_872 : vector<16xf32>
        %add3A_874 = arith.constant 6 : i32
        %add3A_875 = arith.addi %mul3A_503, %add3A_874 : i32
        %get3A_876 = arith.index_cast %add3A_875 : i32 to index
        %get3A_877 = arith.constant 80 : index
        %get3A_878 = tpu.vector_load %arg7[%get3A_876, %get3A_877] {strides = array<i32>} : memref<200x128xf32, #tpu.memory_space<vmem>>, vector<1x16xf32>,
        %get3A_879 = vector.shape_cast %get3A_878 : vector<1x16xf32> to vector<16xf32>
        %add3A_880 = arith.addf %add3A_824, %get3A_879 : vector<16xf32>
        %add3A_881 = arith.constant 6 : i32
        %add3A_882 = arith.addi %mul3A_503, %add3A_881 : i32
        %get3A_883 = arith.index_cast %add3A_882 : i32 to index
        %get3A_884 = arith.constant 96 : index
        %get3A_885 = tpu.vector_load %arg7[%get3A_883, %get3A_884] {strides = array<i32>} : memref<200x128xf32, #tpu.memory_space<vmem>>, vector<1x16xf32>,
        %get3A_886 = vector.shape_cast %get3A_885 : vector<1x16xf32> to vector<16xf32>
        %add3A_887 = arith.addf %add3A_831, %get3A_886 : vector<16xf32>
        %add3A_888 = arith.constant 6 : i32
        %add3A_889 = arith.addi %mul3A_503, %add3A_888 : i32
        %get3A_890 = arith.index_cast %add3A_889 : i32 to index
        %get3A_891 = arith.constant 112 : index
        %get3A_892 = tpu.vector_load %arg7[%get3A_890, %get3A_891] {strides = array<i32>} : memref<200x128xf32, #tpu.memory_space<vmem>>, vector<1x16xf32>,
        %get3A_893 = vector.shape_cast %get3A_892 : vector<1x16xf32> to vector<16xf32>
        %add3A_894 = arith.addf %add3A_838, %get3A_893 : vector<16xf32>
        %add3A_895 = arith.constant 7 : i32
        %add3A_896 = arith.addi %mul3A_503, %add3A_895 : i32
        %get3A_897 = arith.index_cast %add3A_896 : i32 to index
        %get3A_898 = arith.constant 0 : index
        %get3A_899 = tpu.vector_load %arg7[%get3A_897, %get3A_898] {strides = array<i32>} : memref<200x128xf32, #tpu.memory_space<vmem>>, vector<1x16xf32>,
        %get3A_900 = vector.shape_cast %get3A_899 : vector<1x16xf32> to vector<16xf32>
        %add3A_901 = arith.addf %add3A_845, %get3A_900 : vector<16xf32>
        %add3A_902 = arith.constant 7 : i32
        %add3A_903 = arith.addi %mul3A_503, %add3A_902 : i32
        %get3A_904 = arith.index_cast %add3A_903 : i32 to index
        %get3A_905 = arith.constant 16 : index
        %get3A_906 = tpu.vector_load %arg7[%get3A_904, %get3A_905] {strides = array<i32>} : memref<200x128xf32, #tpu.memory_space<vmem>>, vector<1x16xf32>,
        %get3A_907 = vector.shape_cast %get3A_906 : vector<1x16xf32> to vector<16xf32>
        %add3A_908 = arith.addf %add3A_852, %get3A_907 : vector<16xf32>
        %add3A_909 = arith.constant 7 : i32
        %add3A_910 = arith.addi %mul3A_503, %add3A_909 : i32
        %get3A_911 = arith.index_cast %add3A_910 : i32 to index
        %get3A_912 = arith.constant 32 : index
        %get3A_913 = tpu.vector_load %arg7[%get3A_911, %get3A_912] {strides = array<i32>} : memref<200x128xf32, #tpu.memory_space<vmem>>, vector<1x16xf32>,
        %get3A_914 = vector.shape_cast %get3A_913 : vector<1x16xf32> to vector<16xf32>
        %add3A_915 = arith.addf %add3A_859, %get3A_914 : vector<16xf32>
        %add3A_916 = arith.constant 7 : i32
        %add3A_917 = arith.addi %mul3A_503, %add3A_916 : i32
        %get3A_918 = arith.index_cast %add3A_917 : i32 to index
        %get3A_919 = arith.constant 48 : index
        %get3A_920 = tpu.vector_load %arg7[%get3A_918, %get3A_919] {strides = array<i32>} : memref<200x128xf32, #tpu.memory_space<vmem>>, vector<1x16xf32>,
        %get3A_921 = vector.shape_cast %get3A_920 : vector<1x16xf32> to vector<16xf32>
        %add3A_922 = arith.addf %add3A_866, %get3A_921 : vector<16xf32>
        %add3A_923 = arith.constant 7 : i32
        %add3A_924 = arith.addi %mul3A_503, %add3A_923 : i32
        %get3A_925 = arith.index_cast %add3A_924 : i32 to index
        %get3A_926 = arith.constant 64 : index
        %get3A_927 = tpu.vector_load %arg7[%get3A_925, %get3A_926] {strides = array<i32>} : memref<200x128xf32, #tpu.memory_space<vmem>>, vector<1x16xf32>,
        %get3A_928 = vector.shape_cast %get3A_927 : vector<1x16xf32> to vector<16xf32>
        %add3A_929 = arith.addf %add3A_873, %get3A_928 : vector<16xf32>
        %add3A_930 = arith.constant 7 : i32
        %add3A_931 = arith.addi %mul3A_503, %add3A_930 : i32
        %get3A_932 = arith.index_cast %add3A_931 : i32 to index
        %get3A_933 = arith.constant 80 : index
        %get3A_934 = tpu.vector_load %arg7[%get3A_932, %get3A_933] {strides = array<i32>} : memref<200x128xf32, #tpu.memory_space<vmem>>, vector<1x16xf32>,
        %get3A_935 = vector.shape_cast %get3A_934 : vector<1x16xf32> to vector<16xf32>
        %add3A_936 = arith.addf %add3A_880, %get3A_935 : vector<16xf32>
        %add3A_937 = arith.constant 7 : i32
        %add3A_938 = arith.addi %mul3A_503, %add3A_937 : i32
        %get3A_939 = arith.index_cast %add3A_938 : i32 to index
        %get3A_940 = arith.constant 96 : index
        %get3A_941 = tpu.vector_load %arg7[%get3A_939, %get3A_940] {strides = array<i32>} : memref<200x128xf32, #tpu.memory_space<vmem>>, vector<1x16xf32>,
        %get3A_942 = vector.shape_cast %get3A_941 : vector<1x16xf32> to vector<16xf32>
        %add3A_943 = arith.addf %add3A_887, %get3A_942 : vector<16xf32>
        %add3A_944 = arith.constant 7 : i32
        %add3A_945 = arith.addi %mul3A_503, %add3A_944 : i32
        %get3A_946 = arith.index_cast %add3A_945 : i32 to index
        %get3A_947 = arith.constant 112 : index
        %get3A_948 = tpu.vector_load %arg7[%get3A_946, %get3A_947] {strides = array<i32>} : memref<200x128xf32, #tpu.memory_space<vmem>>, vector<1x16xf32>,
        %get3A_949 = vector.shape_cast %get3A_948 : vector<1x16xf32> to vector<16xf32>
        %add3A_950 = arith.addf %add3A_894, %get3A_949 : vector<16xf32>
        scf.yield %add3A_901, %add3A_908, %add3A_915, %add3A_922, %add3A_929, %add3A_936, %add3A_943, %add3A_950 : vector<16xf32>, vector<16xf32>, vector<16xf32>, vector<16xf32>, vector<16xf32>, vector<16xf32>, vector<16xf32>, vector<16xf32>
      }
      %scan3A_153 = arith.constant 25 : i32
      %swap3A = arith.index_cast %add3A_101 : i32 to index
      %swap3A_154 = arith.constant 0 : index
      %swap3A_155 = tpu.vector_load %arg6[%swap3A, %swap3A_154] {strides = array<i32>} : memref<32x128xf32, #tpu.memory_space<vmem>>, vector<1x16xf32>,
      %swap3A_156 = vector.shape_cast %swap3A_155 : vector<1x16xf32> to vector<16xf32>
      %swap3A_157 = vector.shape_cast %scan3A_152#0 : vector<16xf32> to vector<1x16xf32>
      tpu.vector_store %arg6[%swap3A, %swap3A_154], %swap3A_157 {strides = array<i32>} : memref<32x128xf32, #tpu.memory_space<vmem>>, vector<1x16xf32>,
      %swap3A_158 = arith.index_cast %add3A_101 : i32 to index
      %swap3A_159 = arith.constant 16 : index
      %swap3A_160 = tpu.vector_load %arg6[%swap3A_158, %swap3A_159] {strides = array<i32>} : memref<32x128xf32, #tpu.memory_space<vmem>>, vector<1x16xf32>,
      %swap3A_161 = vector.shape_cast %swap3A_160 : vector<1x16xf32> to vector<16xf32>
      %swap3A_162 = vector.shape_cast %scan3A_152#1 : vector<16xf32> to vector<1x16xf32>
      tpu.vector_store %arg6[%swap3A_158, %swap3A_159], %swap3A_162 {strides = array<i32>} : memref<32x128xf32, #tpu.memory_space<vmem>>, vector<1x16xf32>,
      %swap3A_163 = arith.index_cast %add3A_101 : i32 to index
      %swap3A_164 = arith.constant 32 : index
      %swap3A_165 = tpu.vector_load %arg6[%swap3A_163, %swap3A_164] {strides = array<i32>} : memref<32x128xf32, #tpu.memory_space<vmem>>, vector<1x16xf32>,
      %swap3A_166 = vector.shape_cast %swap3A_165 : vector<1x16xf32> to vector<16xf32>
      %swap3A_167 = vector.shape_cast %scan3A_152#2 : vector<16xf32> to vector<1x16xf32>
      tpu.vector_store %arg6[%swap3A_163, %swap3A_164], %swap3A_167 {strides = array<i32>} : memref<32x128xf32, #tpu.memory_space<vmem>>, vector<1x16xf32>,
      %swap3A_168 = arith.index_cast %add3A_101 : i32 to index
      %swap3A_169 = arith.constant 48 : index
      %swap3A_170 = tpu.vector_load %arg6[%swap3A_168, %swap3A_169] {strides = array<i32>} : memref<32x128xf32, #tpu.memory_space<vmem>>, vector<1x16xf32>,
      %swap3A_171 = vector.shape_cast %swap3A_170 : vector<1x16xf32> to vector<16xf32>
      %swap3A_172 = vector.shape_cast %scan3A_152#3 : vector<16xf32> to vector<1x16xf32>
      tpu.vector_store %arg6[%swap3A_168, %swap3A_169], %swap3A_172 {strides = array<i32>} : memref<32x128xf32, #tpu.memory_space<vmem>>, vector<1x16xf32>,
      %swap3A_173 = arith.index_cast %add3A_101 : i32 to index
      %swap3A_174 = arith.constant 64 : index
      %swap3A_175 = tpu.vector_load %arg6[%swap3A_173, %swap3A_174] {strides = array<i32>} : memref<32x128xf32, #tpu.memory_space<vmem>>, vector<1x16xf32>,
      %swap3A_176 = vector.shape_cast %swap3A_175 : vector<1x16xf32> to vector<16xf32>
      %swap3A_177 = vector.shape_cast %scan3A_152#4 : vector<16xf32> to vector<1x16xf32>
      tpu.vector_store %arg6[%swap3A_173, %swap3A_174], %swap3A_177 {strides = array<i32>} : memref<32x128xf32, #tpu.memory_space<vmem>>, vector<1x16xf32>,
      %swap3A_178 = arith.index_cast %add3A_101 : i32 to index
      %swap3A_179 = arith.constant 80 : index
      %swap3A_180 = tpu.vector_load %arg6[%swap3A_178, %swap3A_179] {strides = array<i32>} : memref<32x128xf32, #tpu.memory_space<vmem>>, vector<1x16xf32>,
      %swap3A_181 = vector.shape_cast %swap3A_180 : vector<1x16xf32> to vector<16xf32>
      %swap3A_182 = vector.shape_cast %scan3A_152#5 : vector<16xf32> to vector<1x16xf32>
      tpu.vector_store %arg6[%swap3A_178, %swap3A_179], %swap3A_182 {strides = array<i32>} : memref<32x128xf32, #tpu.memory_space<vmem>>, vector<1x16xf32>,
      %swap3A_183 = arith.index_cast %add3A_101 : i32 to index
      %swap3A_184 = arith.constant 96 : index
      %swap3A_185 = tpu.vector_load %arg6[%swap3A_183, %swap3A_184] {strides = array<i32>} : memref<32x128xf32, #tpu.memory_space<vmem>>, vector<1x16xf32>,
      %swap3A_186 = vector.shape_cast %swap3A_185 : vector<1x16xf32> to vector<16xf32>
      %swap3A_187 = vector.shape_cast %scan3A_152#6 : vector<16xf32> to vector<1x16xf32>
      tpu.vector_store %arg6[%swap3A_183, %swap3A_184], %swap3A_187 {strides = array<i32>} : memref<32x128xf32, #tpu.memory_space<vmem>>, vector<1x16xf32>,
      %swap3A_188 = arith.index_cast %add3A_101 : i32 to index
      %swap3A_189 = arith.constant 112 : index
      %swap3A_190 = tpu.vector_load %arg6[%swap3A_188, %swap3A_189] {strides = array<i32>} : memref<32x128xf32, #tpu.memory_space<vmem>>, vector<1x16xf32>,
      %swap3A_191 = vector.shape_cast %swap3A_190 : vector<1x16xf32> to vector<16xf32>
      %swap3A_192 = vector.shape_cast %scan3A_152#7 : vector<16xf32> to vector<1x16xf32>
      tpu.vector_store %arg6[%swap3A_188, %swap3A_189], %swap3A_192 {strides = array<i32>} : memref<32x128xf32, #tpu.memory_space<vmem>>, vector<1x16xf32>,
      %add3A_193 = arith.constant 1 : i32
      %add3A_194 = arith.addi %mul3A_99, %add3A_193 : i32
      %add3A_195 = arith.constant 4 : i32
      %add3A_196 = arith.addi %add3A_194, %add3A_195 : i32
      %sub3A_197 = arith.constant 1 : i32
      %sub3A_198 = arith.subi %add3A_196, %sub3A_197 : i32
      %lt3A_199 = arith.constant 32 : i32
      %lt3A_200 = arith.cmpi slt, %sub3A_198, %lt3A_199 : i32
      %convert_element_type3A_201 = arith.extui %lt3A_200 : i1 to i32
      %cond3A_202 = arith.constant 0 : i32
      %cond3A_203 = arith.cmpi ne, %convert_element_type3A_201, %cond3A_202 : i32
      scf.if %cond3A_203 {
        %add3A_493 = arith.constant 4 : i32
        %add3A_494 = arith.addi %add3A_194, %add3A_493 : i32
        %sub3A_495 = arith.constant 1 : i32
        %sub3A_496 = arith.subi %add3A_494, %sub3A_495 : i32
        %dma_start3A_497 = arith.constant 0 : i32
        %dma_start3A_498 = arith.constant 0 : i32
        %dma_start3A_499 = tpu.memref_slice %arg7[%dma_start3A_497, %dma_start3A_498] : memref<200x128xf32, #tpu.memory_space<vmem>> -> memref<64x128xf32, #tpu.memory_space<vmem>>
        %dma_start3A_500 = arith.constant 0 : i32
        %dma_start3A_501 = tpu.memref_slice %arg5[%sub3A_496, %dma_start3A_500] : memref<32x200xi32, #tpu.memory_space<vmem>> -> memref<1x64xi32, #tpu.memory_space<vmem>>
        %dma_start3A_502 = tpu.memref_squeeze %dma_start3A_501 : memref<1x64xi32, #tpu.memory_space<vmem>> -> memref<64xi32, #tpu.memory_space<vmem>>
        %dma_start3A_503 = arith.constant 0 : i32
        %dma_start3A_504 = arith.constant 0 : i32
        %dma_start3A_505 = tpu.memref_slice %arg3[%dma_start3A_503, %dma_start3A_504] : memref<100000x128xf32, #tpu.memory_space<hbm>> -> memref<100000x128xf32, #tpu.memory_space<hbm>>
        tpu.enqueue_indirect_dma source(%dma_start3A_505 : memref<100000x128xf32, #tpu.memory_space<hbm>>) target(%dma_start3A_499 : memref<64x128xf32, #tpu.memory_space<vmem>>) offsets(%dma_start3A_502 : memref<64xi32, #tpu.memory_space<vmem>>) semaphore(%arg11 : memref<!tpu.dma_semaphore, #tpu.memory_space<semaphore_mem>>)
        %dma_start3A_506 = arith.constant 64 : i32
        %dma_start3A_507 = arith.constant 0 : i32
        %dma_start3A_508 = tpu.memref_slice %arg7[%dma_start3A_506, %dma_start3A_507] : memref<200x128xf32, #tpu.memory_space<vmem>> -> memref<64x128xf32, #tpu.memory_space<vmem>>
        %dma_start3A_509 = arith.constant 64 : i32
        %dma_start3A_510 = tpu.memref_slice %arg5[%sub3A_496, %dma_start3A_509] : memref<32x200xi32, #tpu.memory_space<vmem>> -> memref<1x64xi32, #tpu.memory_space<vmem>>
        %dma_start3A_511 = tpu.memref_squeeze %dma_start3A_510 : memref<1x64xi32, #tpu.memory_space<vmem>> -> memref<64xi32, #tpu.memory_space<vmem>>
        %dma_start3A_512 = arith.constant 0 : i32
        %dma_start3A_513 = arith.constant 0 : i32
        %dma_start3A_514 = tpu.memref_slice %arg3[%dma_start3A_512, %dma_start3A_513] : memref<100000x128xf32, #tpu.memory_space<hbm>> -> memref<100000x128xf32, #tpu.memory_space<hbm>>
        tpu.enqueue_indirect_dma source(%dma_start3A_514 : memref<100000x128xf32, #tpu.memory_space<hbm>>) target(%dma_start3A_508 : memref<64x128xf32, #tpu.memory_space<vmem>>) offsets(%dma_start3A_511 : memref<64xi32, #tpu.memory_space<vmem>>) semaphore(%arg11 : memref<!tpu.dma_semaphore, #tpu.memory_space<semaphore_mem>>)
        %dma_start3A_515 = arith.constant 128 : i32
        %dma_start3A_516 = arith.constant 0 : i32
        %dma_start3A_517 = tpu.memref_slice %arg7[%dma_start3A_515, %dma_start3A_516] : memref<200x128xf32, #tpu.memory_space<vmem>> -> memref<72x128xf32, #tpu.memory_space<vmem>>
        %dma_start3A_518 = arith.constant 128 : i32
        %dma_start3A_519 = tpu.memref_slice %arg5[%sub3A_496, %dma_start3A_518] : memref<32x200xi32, #tpu.memory_space<vmem>> -> memref<1x72xi32, #tpu.memory_space<vmem>>
        %dma_start3A_520 = tpu.memref_squeeze %dma_start3A_519 : memref<1x72xi32, #tpu.memory_space<vmem>> -> memref<72xi32, #tpu.memory_space<vmem>>
        %dma_start3A_521 = arith.constant 0 : i32
        %dma_start3A_522 = arith.constant 0 : i32
        %dma_start3A_523 = tpu.memref_slice %arg3[%dma_start3A_521, %dma_start3A_522] : memref<100000x128xf32, #tpu.memory_space<hbm>> -> memref<100000x128xf32, #tpu.memory_space<hbm>>
        tpu.enqueue_indirect_dma source(%dma_start3A_523 : memref<100000x128xf32, #tpu.memory_space<hbm>>) target(%dma_start3A_517 : memref<72x128xf32, #tpu.memory_space<vmem>>) offsets(%dma_start3A_520 : memref<72xi32, #tpu.memory_space<vmem>>) semaphore(%arg11 : memref<!tpu.dma_semaphore, #tpu.memory_space<semaphore_mem>>)
      } else {
      }
      %dma_wait3A_204 = arith.constant 0 : i32
      %dma_wait3A_205 = arith.constant 0 : i32
      %dma_wait3A_206 = tpu.memref_slice %arg8[%dma_wait3A_204, %dma_wait3A_205] : memref<200x128xf32, #tpu.memory_space<vmem>> -> memref<64x128xf32, #tpu.memory_space<vmem>>
      %dma_wait3A_207 = arith.constant 0 : i32
      %dma_wait3A_208 = tpu.memref_slice %arg5[%add3A_194, %dma_wait3A_207] : memref<32x200xi32, #tpu.memory_space<vmem>> -> memref<1x64xi32, #tpu.memory_space<vmem>>
      %dma_wait3A_209 = tpu.memref_squeeze %dma_wait3A_208 : memref<1x64xi32, #tpu.memory_space<vmem>> -> memref<64xi32, #tpu.memory_space<vmem>>
      %dma_wait3A_210 = arith.constant 0 : i32
      %dma_wait3A_211 = arith.constant 0 : i32
      %dma_wait3A_212 = tpu.memref_slice %arg3[%dma_wait3A_210, %dma_wait3A_211] : memref<100000x128xf32, #tpu.memory_space<hbm>> -> memref<100000x128xf32, #tpu.memory_space<hbm>>
      tpu.wait_indirect_dma semaphore(%arg12 : memref<!tpu.dma_semaphore, #tpu.memory_space<semaphore_mem>>) src(%dma_wait3A_212 : memref<100000x128xf32, #tpu.memory_space<hbm>>) dst(%dma_wait3A_206 : memref<64x128xf32, #tpu.memory_space<vmem>>)
      %dma_wait3A_213 = arith.constant 64 : i32
      %dma_wait3A_214 = arith.constant 0 : i32
      %dma_wait3A_215 = tpu.memref_slice %arg8[%dma_wait3A_213, %dma_wait3A_214] : memref<200x128xf32, #tpu.memory_space<vmem>> -> memref<64x128xf32, #tpu.memory_space<vmem>>
      %dma_wait3A_216 = arith.constant 64 : i32
      %dma_wait3A_217 = tpu.memref_slice %arg5[%add3A_194, %dma_wait3A_216] : memref<32x200xi32, #tpu.memory_space<vmem>> -> memref<1x64xi32, #tpu.memory_space<vmem>>
      %dma_wait3A_218 = tpu.memref_squeeze %dma_wait3A_217 : memref<1x64xi32, #tpu.memory_space<vmem>> -> memref<64xi32, #tpu.memory_space<vmem>>
      %dma_wait3A_219 = arith.constant 0 : i32
      %dma_wait3A_220 = arith.constant 0 : i32
      %dma_wait3A_221 = tpu.memref_slice %arg3[%dma_wait3A_219, %dma_wait3A_220] : memref<100000x128xf32, #tpu.memory_space<hbm>> -> memref<100000x128xf32, #tpu.memory_space<hbm>>
      tpu.wait_indirect_dma semaphore(%arg12 : memref<!tpu.dma_semaphore, #tpu.memory_space<semaphore_mem>>) src(%dma_wait3A_221 : memref<100000x128xf32, #tpu.memory_space<hbm>>) dst(%dma_wait3A_215 : memref<64x128xf32, #tpu.memory_space<vmem>>)
      %dma_wait3A_222 = arith.constant 128 : i32
      %dma_wait3A_223 = arith.constant 0 : i32
      %dma_wait3A_224 = tpu.memref_slice %arg8[%dma_wait3A_222, %dma_wait3A_223] : memref<200x128xf32, #tpu.memory_space<vmem>> -> memref<72x128xf32, #tpu.memory_space<vmem>>
      %dma_wait3A_225 = arith.constant 128 : i32
      %dma_wait3A_226 = tpu.memref_slice %arg5[%add3A_194, %dma_wait3A_225] : memref<32x200xi32, #tpu.memory_space<vmem>> -> memref<1x72xi32, #tpu.memory_space<vmem>>
      %dma_wait3A_227 = tpu.memref_squeeze %dma_wait3A_226 : memref<1x72xi32, #tpu.memory_space<vmem>> -> memref<72xi32, #tpu.memory_space<vmem>>
      %dma_wait3A_228 = arith.constant 0 : i32
      %dma_wait3A_229 = arith.constant 0 : i32
      %dma_wait3A_230 = tpu.memref_slice %arg3[%dma_wait3A_228, %dma_wait3A_229] : memref<100000x128xf32, #tpu.memory_space<hbm>> -> memref<100000x128xf32, #tpu.memory_space<hbm>>
      tpu.wait_indirect_dma semaphore(%arg12 : memref<!tpu.dma_semaphore, #tpu.memory_space<semaphore_mem>>) src(%dma_wait3A_230 : memref<100000x128xf32, #tpu.memory_space<hbm>>) dst(%dma_wait3A_224 : memref<72x128xf32, #tpu.memory_space<vmem>>)
      %broadcast_in_dim3A_231 = arith.constant 0.000000e+00 : f32
      %broadcast_in_dim3A_232 = vector.broadcast %broadcast_in_dim3A_231 : f32 to vector<16xf32>
      %broadcast_in_dim3A_233 = arith.constant 0.000000e+00 : f32
      %broadcast_in_dim3A_234 = vector.broadcast %broadcast_in_dim3A_233 : f32 to vector<16xf32>
      %broadcast_in_dim3A_235 = arith.constant 0.000000e+00 : f32
      %broadcast_in_dim3A_236 = vector.broadcast %broadcast_in_dim3A_235 : f32 to vector<16xf32>
      %broadcast_in_dim3A_237 = arith.constant 0.000000e+00 : f32
      %broadcast_in_dim3A_238 = vector.broadcast %broadcast_in_dim3A_237 : f32 to vector<16xf32>
      %broadcast_in_dim3A_239 = arith.constant 0.000000e+00 : f32
      %broadcast_in_dim3A_240 = vector.broadcast %broadcast_in_dim3A_239 : f32 to vector<16xf32>
      %broadcast_in_dim3A_241 = arith.constant 0.000000e+00 : f32
      %broadcast_in_dim3A_242 = vector.broadcast %broadcast_in_dim3A_241 : f32 to vector<16xf32>
      %broadcast_in_dim3A_243 = arith.constant 0.000000e+00 : f32
      %broadcast_in_dim3A_244 = vector.broadcast %broadcast_in_dim3A_243 : f32 to vector<16xf32>
      %broadcast_in_dim3A_245 = arith.constant 0.000000e+00 : f32
      %broadcast_in_dim3A_246 = vector.broadcast %broadcast_in_dim3A_245 : f32 to vector<16xf32>
      %scan3A_247 = arith.constant 0 : i32
      %scan3A_248 = arith.constant 25 : i32
      %scan3A_249 = arith.addi %scan3A_247, %scan3A_248 : i32
      %scan3A_250 = arith.constant 1 : i32
      %scan3A_251:8 = scf.for %scan3A_493 = %scan3A_247 to %scan3A_249 step %scan3A_250 iter_args(%scan3A_494 = %broadcast_in_dim3A_232, %scan3A_495 = %broadcast_in_dim3A_234, %scan3A_496 = %broadcast_in_dim3A_236, %scan3A_497 = %broadcast_in_dim3A_238, %scan3A_498 = %broadcast_in_dim3A_240, %scan3A_499 = %broadcast_in_dim3A_242, %scan3A_500 = %broadcast_in_dim3A_244, %scan3A_501 = %broadcast_in_dim3A_246) -> (vector<16xf32>, vector<16xf32>, vector<16xf32>, vector<16xf32>, vector<16xf32>, vector<16xf32>, vector<16xf32>, vector<16xf32>)  : i32 {
        %mul3A_502 = arith.constant 8 : i32
        %mul3A_503 = arith.muli %scan3A_493, %mul3A_502 : i32
        %add3A_504 = arith.constant 0 : i32
        %add3A_505 = arith.addi %mul3A_503, %add3A_504 : i32
        %get3A = arith.index_cast %add3A_505 : i32 to index
        %get3A_506 = arith.constant 0 : index
        %get3A_507 = tpu.vector_load %arg8[%get3A, %get3A_506] {strides = array<i32>} : memref<200x128xf32, #tpu.memory_space<vmem>>, vector<1x16xf32>,
        %get3A_508 = vector.shape_cast %get3A_507 : vector<1x16xf32> to vector<16xf32>
        %add3A_509 = arith.addf %scan3A_494, %get3A_508 : vector<16xf32>
        %add3A_510 = arith.constant 0 : i32
        %add3A_511 = arith.addi %mul3A_503, %add3A_510 : i32
        %get3A_512 = arith.index_cast %add3A_511 : i32 to index
        %get3A_513 = arith.constant 16 : index
        %get3A_514 = tpu.vector_load %arg8[%get3A_512, %get3A_513] {strides = array<i32>} : memref<200x128xf32, #tpu.memory_space<vmem>>, vector<1x16xf32>,
        %get3A_515 = vector.shape_cast %get3A_514 : vector<1x16xf32> to vector<16xf32>
        %add3A_516 = arith.addf %scan3A_495, %get3A_515 : vector<16xf32>
        %add3A_517 = arith.constant 0 : i32
        %add3A_518 = arith.addi %mul3A_503, %add3A_517 : i32
        %get3A_519 = arith.index_cast %add3A_518 : i32 to index
        %get3A_520 = arith.constant 32 : index
        %get3A_521 = tpu.vector_load %arg8[%get3A_519, %get3A_520] {strides = array<i32>} : memref<200x128xf32, #tpu.memory_space<vmem>>, vector<1x16xf32>,
        %get3A_522 = vector.shape_cast %get3A_521 : vector<1x16xf32> to vector<16xf32>
        %add3A_523 = arith.addf %scan3A_496, %get3A_522 : vector<16xf32>
        %add3A_524 = arith.constant 0 : i32
        %add3A_525 = arith.addi %mul3A_503, %add3A_524 : i32
        %get3A_526 = arith.index_cast %add3A_525 : i32 to index
        %get3A_527 = arith.constant 48 : index
        %get3A_528 = tpu.vector_load %arg8[%get3A_526, %get3A_527] {strides = array<i32>} : memref<200x128xf32, #tpu.memory_space<vmem>>, vector<1x16xf32>,
        %get3A_529 = vector.shape_cast %get3A_528 : vector<1x16xf32> to vector<16xf32>
        %add3A_530 = arith.addf %scan3A_497, %get3A_529 : vector<16xf32>
        %add3A_531 = arith.constant 0 : i32
        %add3A_532 = arith.addi %mul3A_503, %add3A_531 : i32
        %get3A_533 = arith.index_cast %add3A_532 : i32 to index
        %get3A_534 = arith.constant 64 : index
        %get3A_535 = tpu.vector_load %arg8[%get3A_533, %get3A_534] {strides = array<i32>} : memref<200x128xf32, #tpu.memory_space<vmem>>, vector<1x16xf32>,
        %get3A_536 = vector.shape_cast %get3A_535 : vector<1x16xf32> to vector<16xf32>
        %add3A_537 = arith.addf %scan3A_498, %get3A_536 : vector<16xf32>
        %add3A_538 = arith.constant 0 : i32
        %add3A_539 = arith.addi %mul3A_503, %add3A_538 : i32
        %get3A_540 = arith.index_cast %add3A_539 : i32 to index
        %get3A_541 = arith.constant 80 : index
        %get3A_542 = tpu.vector_load %arg8[%get3A_540, %get3A_541] {strides = array<i32>} : memref<200x128xf32, #tpu.memory_space<vmem>>, vector<1x16xf32>,
        %get3A_543 = vector.shape_cast %get3A_542 : vector<1x16xf32> to vector<16xf32>
        %add3A_544 = arith.addf %scan3A_499, %get3A_543 : vector<16xf32>
        %add3A_545 = arith.constant 0 : i32
        %add3A_546 = arith.addi %mul3A_503, %add3A_545 : i32
        %get3A_547 = arith.index_cast %add3A_546 : i32 to index
        %get3A_548 = arith.constant 96 : index
        %get3A_549 = tpu.vector_load %arg8[%get3A_547, %get3A_548] {strides = array<i32>} : memref<200x128xf32, #tpu.memory_space<vmem>>, vector<1x16xf32>,
        %get3A_550 = vector.shape_cast %get3A_549 : vector<1x16xf32> to vector<16xf32>
        %add3A_551 = arith.addf %scan3A_500, %get3A_550 : vector<16xf32>
        %add3A_552 = arith.constant 0 : i32
        %add3A_553 = arith.addi %mul3A_503, %add3A_552 : i32
        %get3A_554 = arith.index_cast %add3A_553 : i32 to index
        %get3A_555 = arith.constant 112 : index
        %get3A_556 = tpu.vector_load %arg8[%get3A_554, %get3A_555] {strides = array<i32>} : memref<200x128xf32, #tpu.memory_space<vmem>>, vector<1x16xf32>,
        %get3A_557 = vector.shape_cast %get3A_556 : vector<1x16xf32> to vector<16xf32>
        %add3A_558 = arith.addf %scan3A_501, %get3A_557 : vector<16xf32>
        %add3A_559 = arith.constant 1 : i32
        %add3A_560 = arith.addi %mul3A_503, %add3A_559 : i32
        %get3A_561 = arith.index_cast %add3A_560 : i32 to index
        %get3A_562 = arith.constant 0 : index
        %get3A_563 = tpu.vector_load %arg8[%get3A_561, %get3A_562] {strides = array<i32>} : memref<200x128xf32, #tpu.memory_space<vmem>>, vector<1x16xf32>,
        %get3A_564 = vector.shape_cast %get3A_563 : vector<1x16xf32> to vector<16xf32>
        %add3A_565 = arith.addf %add3A_509, %get3A_564 : vector<16xf32>
        %add3A_566 = arith.constant 1 : i32
        %add3A_567 = arith.addi %mul3A_503, %add3A_566 : i32
        %get3A_568 = arith.index_cast %add3A_567 : i32 to index
        %get3A_569 = arith.constant 16 : index
        %get3A_570 = tpu.vector_load %arg8[%get3A_568, %get3A_569] {strides = array<i32>} : memref<200x128xf32, #tpu.memory_space<vmem>>, vector<1x16xf32>,
        %get3A_571 = vector.shape_cast %get3A_570 : vector<1x16xf32> to vector<16xf32>
        %add3A_572 = arith.addf %add3A_516, %get3A_571 : vector<16xf32>
        %add3A_573 = arith.constant 1 : i32
        %add3A_574 = arith.addi %mul3A_503, %add3A_573 : i32
        %get3A_575 = arith.index_cast %add3A_574 : i32 to index
        %get3A_576 = arith.constant 32 : index
        %get3A_577 = tpu.vector_load %arg8[%get3A_575, %get3A_576] {strides = array<i32>} : memref<200x128xf32, #tpu.memory_space<vmem>>, vector<1x16xf32>,
        %get3A_578 = vector.shape_cast %get3A_577 : vector<1x16xf32> to vector<16xf32>
        %add3A_579 = arith.addf %add3A_523, %get3A_578 : vector<16xf32>
        %add3A_580 = arith.constant 1 : i32
        %add3A_581 = arith.addi %mul3A_503, %add3A_580 : i32
        %get3A_582 = arith.index_cast %add3A_581 : i32 to index
        %get3A_583 = arith.constant 48 : index
        %get3A_584 = tpu.vector_load %arg8[%get3A_582, %get3A_583] {strides = array<i32>} : memref<200x128xf32, #tpu.memory_space<vmem>>, vector<1x16xf32>,
        %get3A_585 = vector.shape_cast %get3A_584 : vector<1x16xf32> to vector<16xf32>
        %add3A_586 = arith.addf %add3A_530, %get3A_585 : vector<16xf32>
        %add3A_587 = arith.constant 1 : i32
        %add3A_588 = arith.addi %mul3A_503, %add3A_587 : i32
        %get3A_589 = arith.index_cast %add3A_588 : i32 to index
        %get3A_590 = arith.constant 64 : index
        %get3A_591 = tpu.vector_load %arg8[%get3A_589, %get3A_590] {strides = array<i32>} : memref<200x128xf32, #tpu.memory_space<vmem>>, vector<1x16xf32>,
        %get3A_592 = vector.shape_cast %get3A_591 : vector<1x16xf32> to vector<16xf32>
        %add3A_593 = arith.addf %add3A_537, %get3A_592 : vector<16xf32>
        %add3A_594 = arith.constant 1 : i32
        %add3A_595 = arith.addi %mul3A_503, %add3A_594 : i32
        %get3A_596 = arith.index_cast %add3A_595 : i32 to index
        %get3A_597 = arith.constant 80 : index
        %get3A_598 = tpu.vector_load %arg8[%get3A_596, %get3A_597] {strides = array<i32>} : memref<200x128xf32, #tpu.memory_space<vmem>>, vector<1x16xf32>,
        %get3A_599 = vector.shape_cast %get3A_598 : vector<1x16xf32> to vector<16xf32>
        %add3A_600 = arith.addf %add3A_544, %get3A_599 : vector<16xf32>
        %add3A_601 = arith.constant 1 : i32
        %add3A_602 = arith.addi %mul3A_503, %add3A_601 : i32
        %get3A_603 = arith.index_cast %add3A_602 : i32 to index
        %get3A_604 = arith.constant 96 : index
        %get3A_605 = tpu.vector_load %arg8[%get3A_603, %get3A_604] {strides = array<i32>} : memref<200x128xf32, #tpu.memory_space<vmem>>, vector<1x16xf32>,
        %get3A_606 = vector.shape_cast %get3A_605 : vector<1x16xf32> to vector<16xf32>
        %add3A_607 = arith.addf %add3A_551, %get3A_606 : vector<16xf32>
        %add3A_608 = arith.constant 1 : i32
        %add3A_609 = arith.addi %mul3A_503, %add3A_608 : i32
        %get3A_610 = arith.index_cast %add3A_609 : i32 to index
        %get3A_611 = arith.constant 112 : index
        %get3A_612 = tpu.vector_load %arg8[%get3A_610, %get3A_611] {strides = array<i32>} : memref<200x128xf32, #tpu.memory_space<vmem>>, vector<1x16xf32>,
        %get3A_613 = vector.shape_cast %get3A_612 : vector<1x16xf32> to vector<16xf32>
        %add3A_614 = arith.addf %add3A_558, %get3A_613 : vector<16xf32>
        %add3A_615 = arith.constant 2 : i32
        %add3A_616 = arith.addi %mul3A_503, %add3A_615 : i32
        %get3A_617 = arith.index_cast %add3A_616 : i32 to index
        %get3A_618 = arith.constant 0 : index
        %get3A_619 = tpu.vector_load %arg8[%get3A_617, %get3A_618] {strides = array<i32>} : memref<200x128xf32, #tpu.memory_space<vmem>>, vector<1x16xf32>,
        %get3A_620 = vector.shape_cast %get3A_619 : vector<1x16xf32> to vector<16xf32>
        %add3A_621 = arith.addf %add3A_565, %get3A_620 : vector<16xf32>
        %add3A_622 = arith.constant 2 : i32
        %add3A_623 = arith.addi %mul3A_503, %add3A_622 : i32
        %get3A_624 = arith.index_cast %add3A_623 : i32 to index
        %get3A_625 = arith.constant 16 : index
        %get3A_626 = tpu.vector_load %arg8[%get3A_624, %get3A_625] {strides = array<i32>} : memref<200x128xf32, #tpu.memory_space<vmem>>, vector<1x16xf32>,
        %get3A_627 = vector.shape_cast %get3A_626 : vector<1x16xf32> to vector<16xf32>
        %add3A_628 = arith.addf %add3A_572, %get3A_627 : vector<16xf32>
        %add3A_629 = arith.constant 2 : i32
        %add3A_630 = arith.addi %mul3A_503, %add3A_629 : i32
        %get3A_631 = arith.index_cast %add3A_630 : i32 to index
        %get3A_632 = arith.constant 32 : index
        %get3A_633 = tpu.vector_load %arg8[%get3A_631, %get3A_632] {strides = array<i32>} : memref<200x128xf32, #tpu.memory_space<vmem>>, vector<1x16xf32>,
        %get3A_634 = vector.shape_cast %get3A_633 : vector<1x16xf32> to vector<16xf32>
        %add3A_635 = arith.addf %add3A_579, %get3A_634 : vector<16xf32>
        %add3A_636 = arith.constant 2 : i32
        %add3A_637 = arith.addi %mul3A_503, %add3A_636 : i32
        %get3A_638 = arith.index_cast %add3A_637 : i32 to index
        %get3A_639 = arith.constant 48 : index
        %get3A_640 = tpu.vector_load %arg8[%get3A_638, %get3A_639] {strides = array<i32>} : memref<200x128xf32, #tpu.memory_space<vmem>>, vector<1x16xf32>,
        %get3A_641 = vector.shape_cast %get3A_640 : vector<1x16xf32> to vector<16xf32>
        %add3A_642 = arith.addf %add3A_586, %get3A_641 : vector<16xf32>
        %add3A_643 = arith.constant 2 : i32
        %add3A_644 = arith.addi %mul3A_503, %add3A_643 : i32
        %get3A_645 = arith.index_cast %add3A_644 : i32 to index
        %get3A_646 = arith.constant 64 : index
        %get3A_647 = tpu.vector_load %arg8[%get3A_645, %get3A_646] {strides = array<i32>} : memref<200x128xf32, #tpu.memory_space<vmem>>, vector<1x16xf32>,
        %get3A_648 = vector.shape_cast %get3A_647 : vector<1x16xf32> to vector<16xf32>
        %add3A_649 = arith.addf %add3A_593, %get3A_648 : vector<16xf32>
        %add3A_650 = arith.constant 2 : i32
        %add3A_651 = arith.addi %mul3A_503, %add3A_650 : i32
        %get3A_652 = arith.index_cast %add3A_651 : i32 to index
        %get3A_653 = arith.constant 80 : index
        %get3A_654 = tpu.vector_load %arg8[%get3A_652, %get3A_653] {strides = array<i32>} : memref<200x128xf32, #tpu.memory_space<vmem>>, vector<1x16xf32>,
        %get3A_655 = vector.shape_cast %get3A_654 : vector<1x16xf32> to vector<16xf32>
        %add3A_656 = arith.addf %add3A_600, %get3A_655 : vector<16xf32>
        %add3A_657 = arith.constant 2 : i32
        %add3A_658 = arith.addi %mul3A_503, %add3A_657 : i32
        %get3A_659 = arith.index_cast %add3A_658 : i32 to index
        %get3A_660 = arith.constant 96 : index
        %get3A_661 = tpu.vector_load %arg8[%get3A_659, %get3A_660] {strides = array<i32>} : memref<200x128xf32, #tpu.memory_space<vmem>>, vector<1x16xf32>,
        %get3A_662 = vector.shape_cast %get3A_661 : vector<1x16xf32> to vector<16xf32>
        %add3A_663 = arith.addf %add3A_607, %get3A_662 : vector<16xf32>
        %add3A_664 = arith.constant 2 : i32
        %add3A_665 = arith.addi %mul3A_503, %add3A_664 : i32
        %get3A_666 = arith.index_cast %add3A_665 : i32 to index
        %get3A_667 = arith.constant 112 : index
        %get3A_668 = tpu.vector_load %arg8[%get3A_666, %get3A_667] {strides = array<i32>} : memref<200x128xf32, #tpu.memory_space<vmem>>, vector<1x16xf32>,
        %get3A_669 = vector.shape_cast %get3A_668 : vector<1x16xf32> to vector<16xf32>
        %add3A_670 = arith.addf %add3A_614, %get3A_669 : vector<16xf32>
        %add3A_671 = arith.constant 3 : i32
        %add3A_672 = arith.addi %mul3A_503, %add3A_671 : i32
        %get3A_673 = arith.index_cast %add3A_672 : i32 to index
        %get3A_674 = arith.constant 0 : index
        %get3A_675 = tpu.vector_load %arg8[%get3A_673, %get3A_674] {strides = array<i32>} : memref<200x128xf32, #tpu.memory_space<vmem>>, vector<1x16xf32>,
        %get3A_676 = vector.shape_cast %get3A_675 : vector<1x16xf32> to vector<16xf32>
        %add3A_677 = arith.addf %add3A_621, %get3A_676 : vector<16xf32>
        %add3A_678 = arith.constant 3 : i32
        %add3A_679 = arith.addi %mul3A_503, %add3A_678 : i32
        %get3A_680 = arith.index_cast %add3A_679 : i32 to index
        %get3A_681 = arith.constant 16 : index
        %get3A_682 = tpu.vector_load %arg8[%get3A_680, %get3A_681] {strides = array<i32>} : memref<200x128xf32, #tpu.memory_space<vmem>>, vector<1x16xf32>,
        %get3A_683 = vector.shape_cast %get3A_682 : vector<1x16xf32> to vector<16xf32>
        %add3A_684 = arith.addf %add3A_628, %get3A_683 : vector<16xf32>
        %add3A_685 = arith.constant 3 : i32
        %add3A_686 = arith.addi %mul3A_503, %add3A_685 : i32
        %get3A_687 = arith.index_cast %add3A_686 : i32 to index
        %get3A_688 = arith.constant 32 : index
        %get3A_689 = tpu.vector_load %arg8[%get3A_687, %get3A_688] {strides = array<i32>} : memref<200x128xf32, #tpu.memory_space<vmem>>, vector<1x16xf32>,
        %get3A_690 = vector.shape_cast %get3A_689 : vector<1x16xf32> to vector<16xf32>
        %add3A_691 = arith.addf %add3A_635, %get3A_690 : vector<16xf32>
        %add3A_692 = arith.constant 3 : i32
        %add3A_693 = arith.addi %mul3A_503, %add3A_692 : i32
        %get3A_694 = arith.index_cast %add3A_693 : i32 to index
        %get3A_695 = arith.constant 48 : index
        %get3A_696 = tpu.vector_load %arg8[%get3A_694, %get3A_695] {strides = array<i32>} : memref<200x128xf32, #tpu.memory_space<vmem>>, vector<1x16xf32>,
        %get3A_697 = vector.shape_cast %get3A_696 : vector<1x16xf32> to vector<16xf32>
        %add3A_698 = arith.addf %add3A_642, %get3A_697 : vector<16xf32>
        %add3A_699 = arith.constant 3 : i32
        %add3A_700 = arith.addi %mul3A_503, %add3A_699 : i32
        %get3A_701 = arith.index_cast %add3A_700 : i32 to index
        %get3A_702 = arith.constant 64 : index
        %get3A_703 = tpu.vector_load %arg8[%get3A_701, %get3A_702] {strides = array<i32>} : memref<200x128xf32, #tpu.memory_space<vmem>>, vector<1x16xf32>,
        %get3A_704 = vector.shape_cast %get3A_703 : vector<1x16xf32> to vector<16xf32>
        %add3A_705 = arith.addf %add3A_649, %get3A_704 : vector<16xf32>
        %add3A_706 = arith.constant 3 : i32
        %add3A_707 = arith.addi %mul3A_503, %add3A_706 : i32
        %get3A_708 = arith.index_cast %add3A_707 : i32 to index
        %get3A_709 = arith.constant 80 : index
        %get3A_710 = tpu.vector_load %arg8[%get3A_708, %get3A_709] {strides = array<i32>} : memref<200x128xf32, #tpu.memory_space<vmem>>, vector<1x16xf32>,
        %get3A_711 = vector.shape_cast %get3A_710 : vector<1x16xf32> to vector<16xf32>
        %add3A_712 = arith.addf %add3A_656, %get3A_711 : vector<16xf32>
        %add3A_713 = arith.constant 3 : i32
        %add3A_714 = arith.addi %mul3A_503, %add3A_713 : i32
        %get3A_715 = arith.index_cast %add3A_714 : i32 to index
        %get3A_716 = arith.constant 96 : index
        %get3A_717 = tpu.vector_load %arg8[%get3A_715, %get3A_716] {strides = array<i32>} : memref<200x128xf32, #tpu.memory_space<vmem>>, vector<1x16xf32>,
        %get3A_718 = vector.shape_cast %get3A_717 : vector<1x16xf32> to vector<16xf32>
        %add3A_719 = arith.addf %add3A_663, %get3A_718 : vector<16xf32>
        %add3A_720 = arith.constant 3 : i32
        %add3A_721 = arith.addi %mul3A_503, %add3A_720 : i32
        %get3A_722 = arith.index_cast %add3A_721 : i32 to index
        %get3A_723 = arith.constant 112 : index
        %get3A_724 = tpu.vector_load %arg8[%get3A_722, %get3A_723] {strides = array<i32>} : memref<200x128xf32, #tpu.memory_space<vmem>>, vector<1x16xf32>,
        %get3A_725 = vector.shape_cast %get3A_724 : vector<1x16xf32> to vector<16xf32>
        %add3A_726 = arith.addf %add3A_670, %get3A_725 : vector<16xf32>
        %add3A_727 = arith.constant 4 : i32
        %add3A_728 = arith.addi %mul3A_503, %add3A_727 : i32
        %get3A_729 = arith.index_cast %add3A_728 : i32 to index
        %get3A_730 = arith.constant 0 : index
        %get3A_731 = tpu.vector_load %arg8[%get3A_729, %get3A_730] {strides = array<i32>} : memref<200x128xf32, #tpu.memory_space<vmem>>, vector<1x16xf32>,
        %get3A_732 = vector.shape_cast %get3A_731 : vector<1x16xf32> to vector<16xf32>
        %add3A_733 = arith.addf %add3A_677, %get3A_732 : vector<16xf32>
        %add3A_734 = arith.constant 4 : i32
        %add3A_735 = arith.addi %mul3A_503, %add3A_734 : i32
        %get3A_736 = arith.index_cast %add3A_735 : i32 to index
        %get3A_737 = arith.constant 16 : index
        %get3A_738 = tpu.vector_load %arg8[%get3A_736, %get3A_737] {strides = array<i32>} : memref<200x128xf32, #tpu.memory_space<vmem>>, vector<1x16xf32>,
        %get3A_739 = vector.shape_cast %get3A_738 : vector<1x16xf32> to vector<16xf32>
        %add3A_740 = arith.addf %add3A_684, %get3A_739 : vector<16xf32>
        %add3A_741 = arith.constant 4 : i32
        %add3A_742 = arith.addi %mul3A_503, %add3A_741 : i32
        %get3A_743 = arith.index_cast %add3A_742 : i32 to index
        %get3A_744 = arith.constant 32 : index
        %get3A_745 = tpu.vector_load %arg8[%get3A_743, %get3A_744] {strides = array<i32>} : memref<200x128xf32, #tpu.memory_space<vmem>>, vector<1x16xf32>,
        %get3A_746 = vector.shape_cast %get3A_745 : vector<1x16xf32> to vector<16xf32>
        %add3A_747 = arith.addf %add3A_691, %get3A_746 : vector<16xf32>
        %add3A_748 = arith.constant 4 : i32
        %add3A_749 = arith.addi %mul3A_503, %add3A_748 : i32
        %get3A_750 = arith.index_cast %add3A_749 : i32 to index
        %get3A_751 = arith.constant 48 : index
        %get3A_752 = tpu.vector_load %arg8[%get3A_750, %get3A_751] {strides = array<i32>} : memref<200x128xf32, #tpu.memory_space<vmem>>, vector<1x16xf32>,
        %get3A_753 = vector.shape_cast %get3A_752 : vector<1x16xf32> to vector<16xf32>
        %add3A_754 = arith.addf %add3A_698, %get3A_753 : vector<16xf32>
        %add3A_755 = arith.constant 4 : i32
        %add3A_756 = arith.addi %mul3A_503, %add3A_755 : i32
        %get3A_757 = arith.index_cast %add3A_756 : i32 to index
        %get3A_758 = arith.constant 64 : index
        %get3A_759 = tpu.vector_load %arg8[%get3A_757, %get3A_758] {strides = array<i32>} : memref<200x128xf32, #tpu.memory_space<vmem>>, vector<1x16xf32>,
        %get3A_760 = vector.shape_cast %get3A_759 : vector<1x16xf32> to vector<16xf32>
        %add3A_761 = arith.addf %add3A_705, %get3A_760 : vector<16xf32>
        %add3A_762 = arith.constant 4 : i32
        %add3A_763 = arith.addi %mul3A_503, %add3A_762 : i32
        %get3A_764 = arith.index_cast %add3A_763 : i32 to index
        %get3A_765 = arith.constant 80 : index
        %get3A_766 = tpu.vector_load %arg8[%get3A_764, %get3A_765] {strides = array<i32>} : memref<200x128xf32, #tpu.memory_space<vmem>>, vector<1x16xf32>,
        %get3A_767 = vector.shape_cast %get3A_766 : vector<1x16xf32> to vector<16xf32>
        %add3A_768 = arith.addf %add3A_712, %get3A_767 : vector<16xf32>
        %add3A_769 = arith.constant 4 : i32
        %add3A_770 = arith.addi %mul3A_503, %add3A_769 : i32
        %get3A_771 = arith.index_cast %add3A_770 : i32 to index
        %get3A_772 = arith.constant 96 : index
        %get3A_773 = tpu.vector_load %arg8[%get3A_771, %get3A_772] {strides = array<i32>} : memref<200x128xf32, #tpu.memory_space<vmem>>, vector<1x16xf32>,
        %get3A_774 = vector.shape_cast %get3A_773 : vector<1x16xf32> to vector<16xf32>
        %add3A_775 = arith.addf %add3A_719, %get3A_774 : vector<16xf32>
        %add3A_776 = arith.constant 4 : i32
        %add3A_777 = arith.addi %mul3A_503, %add3A_776 : i32
        %get3A_778 = arith.index_cast %add3A_777 : i32 to index
        %get3A_779 = arith.constant 112 : index
        %get3A_780 = tpu.vector_load %arg8[%get3A_778, %get3A_779] {strides = array<i32>} : memref<200x128xf32, #tpu.memory_space<vmem>>, vector<1x16xf32>,
        %get3A_781 = vector.shape_cast %get3A_780 : vector<1x16xf32> to vector<16xf32>
        %add3A_782 = arith.addf %add3A_726, %get3A_781 : vector<16xf32>
        %add3A_783 = arith.constant 5 : i32
        %add3A_784 = arith.addi %mul3A_503, %add3A_783 : i32
        %get3A_785 = arith.index_cast %add3A_784 : i32 to index
        %get3A_786 = arith.constant 0 : index
        %get3A_787 = tpu.vector_load %arg8[%get3A_785, %get3A_786] {strides = array<i32>} : memref<200x128xf32, #tpu.memory_space<vmem>>, vector<1x16xf32>,
        %get3A_788 = vector.shape_cast %get3A_787 : vector<1x16xf32> to vector<16xf32>
        %add3A_789 = arith.addf %add3A_733, %get3A_788 : vector<16xf32>
        %add3A_790 = arith.constant 5 : i32
        %add3A_791 = arith.addi %mul3A_503, %add3A_790 : i32
        %get3A_792 = arith.index_cast %add3A_791 : i32 to index
        %get3A_793 = arith.constant 16 : index
        %get3A_794 = tpu.vector_load %arg8[%get3A_792, %get3A_793] {strides = array<i32>} : memref<200x128xf32, #tpu.memory_space<vmem>>, vector<1x16xf32>,
        %get3A_795 = vector.shape_cast %get3A_794 : vector<1x16xf32> to vector<16xf32>
        %add3A_796 = arith.addf %add3A_740, %get3A_795 : vector<16xf32>
        %add3A_797 = arith.constant 5 : i32
        %add3A_798 = arith.addi %mul3A_503, %add3A_797 : i32
        %get3A_799 = arith.index_cast %add3A_798 : i32 to index
        %get3A_800 = arith.constant 32 : index
        %get3A_801 = tpu.vector_load %arg8[%get3A_799, %get3A_800] {strides = array<i32>} : memref<200x128xf32, #tpu.memory_space<vmem>>, vector<1x16xf32>,
        %get3A_802 = vector.shape_cast %get3A_801 : vector<1x16xf32> to vector<16xf32>
        %add3A_803 = arith.addf %add3A_747, %get3A_802 : vector<16xf32>
        %add3A_804 = arith.constant 5 : i32
        %add3A_805 = arith.addi %mul3A_503, %add3A_804 : i32
        %get3A_806 = arith.index_cast %add3A_805 : i32 to index
        %get3A_807 = arith.constant 48 : index
        %get3A_808 = tpu.vector_load %arg8[%get3A_806, %get3A_807] {strides = array<i32>} : memref<200x128xf32, #tpu.memory_space<vmem>>, vector<1x16xf32>,
        %get3A_809 = vector.shape_cast %get3A_808 : vector<1x16xf32> to vector<16xf32>
        %add3A_810 = arith.addf %add3A_754, %get3A_809 : vector<16xf32>
        %add3A_811 = arith.constant 5 : i32
        %add3A_812 = arith.addi %mul3A_503, %add3A_811 : i32
        %get3A_813 = arith.index_cast %add3A_812 : i32 to index
        %get3A_814 = arith.constant 64 : index
        %get3A_815 = tpu.vector_load %arg8[%get3A_813, %get3A_814] {strides = array<i32>} : memref<200x128xf32, #tpu.memory_space<vmem>>, vector<1x16xf32>,
        %get3A_816 = vector.shape_cast %get3A_815 : vector<1x16xf32> to vector<16xf32>
        %add3A_817 = arith.addf %add3A_761, %get3A_816 : vector<16xf32>
        %add3A_818 = arith.constant 5 : i32
        %add3A_819 = arith.addi %mul3A_503, %add3A_818 : i32
        %get3A_820 = arith.index_cast %add3A_819 : i32 to index
        %get3A_821 = arith.constant 80 : index
        %get3A_822 = tpu.vector_load %arg8[%get3A_820, %get3A_821] {strides = array<i32>} : memref<200x128xf32, #tpu.memory_space<vmem>>, vector<1x16xf32>,
        %get3A_823 = vector.shape_cast %get3A_822 : vector<1x16xf32> to vector<16xf32>
        %add3A_824 = arith.addf %add3A_768, %get3A_823 : vector<16xf32>
        %add3A_825 = arith.constant 5 : i32
        %add3A_826 = arith.addi %mul3A_503, %add3A_825 : i32
        %get3A_827 = arith.index_cast %add3A_826 : i32 to index
        %get3A_828 = arith.constant 96 : index
        %get3A_829 = tpu.vector_load %arg8[%get3A_827, %get3A_828] {strides = array<i32>} : memref<200x128xf32, #tpu.memory_space<vmem>>, vector<1x16xf32>,
        %get3A_830 = vector.shape_cast %get3A_829 : vector<1x16xf32> to vector<16xf32>
        %add3A_831 = arith.addf %add3A_775, %get3A_830 : vector<16xf32>
        %add3A_832 = arith.constant 5 : i32
        %add3A_833 = arith.addi %mul3A_503, %add3A_832 : i32
        %get3A_834 = arith.index_cast %add3A_833 : i32 to index
        %get3A_835 = arith.constant 112 : index
        %get3A_836 = tpu.vector_load %arg8[%get3A_834, %get3A_835] {strides = array<i32>} : memref<200x128xf32, #tpu.memory_space<vmem>>, vector<1x16xf32>,
        %get3A_837 = vector.shape_cast %get3A_836 : vector<1x16xf32> to vector<16xf32>
        %add3A_838 = arith.addf %add3A_782, %get3A_837 : vector<16xf32>
        %add3A_839 = arith.constant 6 : i32
        %add3A_840 = arith.addi %mul3A_503, %add3A_839 : i32
        %get3A_841 = arith.index_cast %add3A_840 : i32 to index
        %get3A_842 = arith.constant 0 : index
        %get3A_843 = tpu.vector_load %arg8[%get3A_841, %get3A_842] {strides = array<i32>} : memref<200x128xf32, #tpu.memory_space<vmem>>, vector<1x16xf32>,
        %get3A_844 = vector.shape_cast %get3A_843 : vector<1x16xf32> to vector<16xf32>
        %add3A_845 = arith.addf %add3A_789, %get3A_844 : vector<16xf32>
        %add3A_846 = arith.constant 6 : i32
        %add3A_847 = arith.addi %mul3A_503, %add3A_846 : i32
        %get3A_848 = arith.index_cast %add3A_847 : i32 to index
        %get3A_849 = arith.constant 16 : index
        %get3A_850 = tpu.vector_load %arg8[%get3A_848, %get3A_849] {strides = array<i32>} : memref<200x128xf32, #tpu.memory_space<vmem>>, vector<1x16xf32>,
        %get3A_851 = vector.shape_cast %get3A_850 : vector<1x16xf32> to vector<16xf32>
        %add3A_852 = arith.addf %add3A_796, %get3A_851 : vector<16xf32>
        %add3A_853 = arith.constant 6 : i32
        %add3A_854 = arith.addi %mul3A_503, %add3A_853 : i32
        %get3A_855 = arith.index_cast %add3A_854 : i32 to index
        %get3A_856 = arith.constant 32 : index
        %get3A_857 = tpu.vector_load %arg8[%get3A_855, %get3A_856] {strides = array<i32>} : memref<200x128xf32, #tpu.memory_space<vmem>>, vector<1x16xf32>,
        %get3A_858 = vector.shape_cast %get3A_857 : vector<1x16xf32> to vector<16xf32>
        %add3A_859 = arith.addf %add3A_803, %get3A_858 : vector<16xf32>
        %add3A_860 = arith.constant 6 : i32
        %add3A_861 = arith.addi %mul3A_503, %add3A_860 : i32
        %get3A_862 = arith.index_cast %add3A_861 : i32 to index
        %get3A_863 = arith.constant 48 : index
        %get3A_864 = tpu.vector_load %arg8[%get3A_862, %get3A_863] {strides = array<i32>} : memref<200x128xf32, #tpu.memory_space<vmem>>, vector<1x16xf32>,
        %get3A_865 = vector.shape_cast %get3A_864 : vector<1x16xf32> to vector<16xf32>
        %add3A_866 = arith.addf %add3A_810, %get3A_865 : vector<16xf32>
        %add3A_867 = arith.constant 6 : i32
        %add3A_868 = arith.addi %mul3A_503, %add3A_867 : i32
        %get3A_869 = arith.index_cast %add3A_868 : i32 to index
        %get3A_870 = arith.constant 64 : index
        %get3A_871 = tpu.vector_load %arg8[%get3A_869, %get3A_870] {strides = array<i32>} : memref<200x128xf32, #tpu.memory_space<vmem>>, vector<1x16xf32>,
        %get3A_872 = vector.shape_cast %get3A_871 : vector<1x16xf32> to vector<16xf32>
        %add3A_873 = arith.addf %add3A_817, %get3A_872 : vector<16xf32>
        %add3A_874 = arith.constant 6 : i32
        %add3A_875 = arith.addi %mul3A_503, %add3A_874 : i32
        %get3A_876 = arith.index_cast %add3A_875 : i32 to index
        %get3A_877 = arith.constant 80 : index
        %get3A_878 = tpu.vector_load %arg8[%get3A_876, %get3A_877] {strides = array<i32>} : memref<200x128xf32, #tpu.memory_space<vmem>>, vector<1x16xf32>,
        %get3A_879 = vector.shape_cast %get3A_878 : vector<1x16xf32> to vector<16xf32>
        %add3A_880 = arith.addf %add3A_824, %get3A_879 : vector<16xf32>
        %add3A_881 = arith.constant 6 : i32
        %add3A_882 = arith.addi %mul3A_503, %add3A_881 : i32
        %get3A_883 = arith.index_cast %add3A_882 : i32 to index
        %get3A_884 = arith.constant 96 : index
        %get3A_885 = tpu.vector_load %arg8[%get3A_883, %get3A_884] {strides = array<i32>} : memref<200x128xf32, #tpu.memory_space<vmem>>, vector<1x16xf32>,
        %get3A_886 = vector.shape_cast %get3A_885 : vector<1x16xf32> to vector<16xf32>
        %add3A_887 = arith.addf %add3A_831, %get3A_886 : vector<16xf32>
        %add3A_888 = arith.constant 6 : i32
        %add3A_889 = arith.addi %mul3A_503, %add3A_888 : i32
        %get3A_890 = arith.index_cast %add3A_889 : i32 to index
        %get3A_891 = arith.constant 112 : index
        %get3A_892 = tpu.vector_load %arg8[%get3A_890, %get3A_891] {strides = array<i32>} : memref<200x128xf32, #tpu.memory_space<vmem>>, vector<1x16xf32>,
        %get3A_893 = vector.shape_cast %get3A_892 : vector<1x16xf32> to vector<16xf32>
        %add3A_894 = arith.addf %add3A_838, %get3A_893 : vector<16xf32>
        %add3A_895 = arith.constant 7 : i32
        %add3A_896 = arith.addi %mul3A_503, %add3A_895 : i32
        %get3A_897 = arith.index_cast %add3A_896 : i32 to index
        %get3A_898 = arith.constant 0 : index
        %get3A_899 = tpu.vector_load %arg8[%get3A_897, %get3A_898] {strides = array<i32>} : memref<200x128xf32, #tpu.memory_space<vmem>>, vector<1x16xf32>,
        %get3A_900 = vector.shape_cast %get3A_899 : vector<1x16xf32> to vector<16xf32>
        %add3A_901 = arith.addf %add3A_845, %get3A_900 : vector<16xf32>
        %add3A_902 = arith.constant 7 : i32
        %add3A_903 = arith.addi %mul3A_503, %add3A_902 : i32
        %get3A_904 = arith.index_cast %add3A_903 : i32 to index
        %get3A_905 = arith.constant 16 : index
        %get3A_906 = tpu.vector_load %arg8[%get3A_904, %get3A_905] {strides = array<i32>} : memref<200x128xf32, #tpu.memory_space<vmem>>, vector<1x16xf32>,
        %get3A_907 = vector.shape_cast %get3A_906 : vector<1x16xf32> to vector<16xf32>
        %add3A_908 = arith.addf %add3A_852, %get3A_907 : vector<16xf32>
        %add3A_909 = arith.constant 7 : i32
        %add3A_910 = arith.addi %mul3A_503, %add3A_909 : i32
        %get3A_911 = arith.index_cast %add3A_910 : i32 to index
        %get3A_912 = arith.constant 32 : index
        %get3A_913 = tpu.vector_load %arg8[%get3A_911, %get3A_912] {strides = array<i32>} : memref<200x128xf32, #tpu.memory_space<vmem>>, vector<1x16xf32>,
        %get3A_914 = vector.shape_cast %get3A_913 : vector<1x16xf32> to vector<16xf32>
        %add3A_915 = arith.addf %add3A_859, %get3A_914 : vector<16xf32>
        %add3A_916 = arith.constant 7 : i32
        %add3A_917 = arith.addi %mul3A_503, %add3A_916 : i32
        %get3A_918 = arith.index_cast %add3A_917 : i32 to index
        %get3A_919 = arith.constant 48 : index
        %get3A_920 = tpu.vector_load %arg8[%get3A_918, %get3A_919] {strides = array<i32>} : memref<200x128xf32, #tpu.memory_space<vmem>>, vector<1x16xf32>,
        %get3A_921 = vector.shape_cast %get3A_920 : vector<1x16xf32> to vector<16xf32>
        %add3A_922 = arith.addf %add3A_866, %get3A_921 : vector<16xf32>
        %add3A_923 = arith.constant 7 : i32
        %add3A_924 = arith.addi %mul3A_503, %add3A_923 : i32
        %get3A_925 = arith.index_cast %add3A_924 : i32 to index
        %get3A_926 = arith.constant 64 : index
        %get3A_927 = tpu.vector_load %arg8[%get3A_925, %get3A_926] {strides = array<i32>} : memref<200x128xf32, #tpu.memory_space<vmem>>, vector<1x16xf32>,
        %get3A_928 = vector.shape_cast %get3A_927 : vector<1x16xf32> to vector<16xf32>
        %add3A_929 = arith.addf %add3A_873, %get3A_928 : vector<16xf32>
        %add3A_930 = arith.constant 7 : i32
        %add3A_931 = arith.addi %mul3A_503, %add3A_930 : i32
        %get3A_932 = arith.index_cast %add3A_931 : i32 to index
        %get3A_933 = arith.constant 80 : index
        %get3A_934 = tpu.vector_load %arg8[%get3A_932, %get3A_933] {strides = array<i32>} : memref<200x128xf32, #tpu.memory_space<vmem>>, vector<1x16xf32>,
        %get3A_935 = vector.shape_cast %get3A_934 : vector<1x16xf32> to vector<16xf32>
        %add3A_936 = arith.addf %add3A_880, %get3A_935 : vector<16xf32>
        %add3A_937 = arith.constant 7 : i32
        %add3A_938 = arith.addi %mul3A_503, %add3A_937 : i32
        %get3A_939 = arith.index_cast %add3A_938 : i32 to index
        %get3A_940 = arith.constant 96 : index
        %get3A_941 = tpu.vector_load %arg8[%get3A_939, %get3A_940] {strides = array<i32>} : memref<200x128xf32, #tpu.memory_space<vmem>>, vector<1x16xf32>,
        %get3A_942 = vector.shape_cast %get3A_941 : vector<1x16xf32> to vector<16xf32>
        %add3A_943 = arith.addf %add3A_887, %get3A_942 : vector<16xf32>
        %add3A_944 = arith.constant 7 : i32
        %add3A_945 = arith.addi %mul3A_503, %add3A_944 : i32
        %get3A_946 = arith.index_cast %add3A_945 : i32 to index
        %get3A_947 = arith.constant 112 : index
        %get3A_948 = tpu.vector_load %arg8[%get3A_946, %get3A_947] {strides = array<i32>} : memref<200x128xf32, #tpu.memory_space<vmem>>, vector<1x16xf32>,
        %get3A_949 = vector.shape_cast %get3A_948 : vector<1x16xf32> to vector<16xf32>
        %add3A_950 = arith.addf %add3A_894, %get3A_949 : vector<16xf32>
        scf.yield %add3A_901, %add3A_908, %add3A_915, %add3A_922, %add3A_929, %add3A_936, %add3A_943, %add3A_950 : vector<16xf32>, vector<16xf32>, vector<16xf32>, vector<16xf32>, vector<16xf32>, vector<16xf32>, vector<16xf32>, vector<16xf32>
      }
      %scan3A_252 = arith.constant 25 : i32
      %swap3A_253 = arith.index_cast %add3A_194 : i32 to index
      %swap3A_254 = arith.constant 0 : index
      %swap3A_255 = tpu.vector_load %arg6[%swap3A_253, %swap3A_254] {strides = array<i32>} : memref<32x128xf32, #tpu.memory_space<vmem>>, vector<1x16xf32>,
      %swap3A_256 = vector.shape_cast %swap3A_255 : vector<1x16xf32> to vector<16xf32>
      %swap3A_257 = vector.shape_cast %scan3A_251#0 : vector<16xf32> to vector<1x16xf32>
      tpu.vector_store %arg6[%swap3A_253, %swap3A_254], %swap3A_257 {strides = array<i32>} : memref<32x128xf32, #tpu.memory_space<vmem>>, vector<1x16xf32>,
      %swap3A_258 = arith.index_cast %add3A_194 : i32 to index
      %swap3A_259 = arith.constant 16 : index
      %swap3A_260 = tpu.vector_load %arg6[%swap3A_258, %swap3A_259] {strides = array<i32>} : memref<32x128xf32, #tpu.memory_space<vmem>>, vector<1x16xf32>,
      %swap3A_261 = vector.shape_cast %swap3A_260 : vector<1x16xf32> to vector<16xf32>
      %swap3A_262 = vector.shape_cast %scan3A_251#1 : vector<16xf32> to vector<1x16xf32>
      tpu.vector_store %arg6[%swap3A_258, %swap3A_259], %swap3A_262 {strides = array<i32>} : memref<32x128xf32, #tpu.memory_space<vmem>>, vector<1x16xf32>,
      %swap3A_263 = arith.index_cast %add3A_194 : i32 to index
      %swap3A_264 = arith.constant 32 : index
      %swap3A_265 = tpu.vector_load %arg6[%swap3A_263, %swap3A_264] {strides = array<i32>} : memref<32x128xf32, #tpu.memory_space<vmem>>, vector<1x16xf32>,
      %swap3A_266 = vector.shape_cast %swap3A_265 : vector<1x16xf32> to vector<16xf32>
      %swap3A_267 = vector.shape_cast %scan3A_251#2 : vector<16xf32> to vector<1x16xf32>
      tpu.vector_store %arg6[%swap3A_263, %swap3A_264], %swap3A_267 {strides = array<i32>} : memref<32x128xf32, #tpu.memory_space<vmem>>, vector<1x16xf32>,
      %swap3A_268 = arith.index_cast %add3A_194 : i32 to index
      %swap3A_269 = arith.constant 48 : index
      %swap3A_270 = tpu.vector_load %arg6[%swap3A_268, %swap3A_269] {strides = array<i32>} : memref<32x128xf32, #tpu.memory_space<vmem>>, vector<1x16xf32>,
      %swap3A_271 = vector.shape_cast %swap3A_270 : vector<1x16xf32> to vector<16xf32>
      %swap3A_272 = vector.shape_cast %scan3A_251#3 : vector<16xf32> to vector<1x16xf32>
      tpu.vector_store %arg6[%swap3A_268, %swap3A_269], %swap3A_272 {strides = array<i32>} : memref<32x128xf32, #tpu.memory_space<vmem>>, vector<1x16xf32>,
      %swap3A_273 = arith.index_cast %add3A_194 : i32 to index
      %swap3A_274 = arith.constant 64 : index
      %swap3A_275 = tpu.vector_load %arg6[%swap3A_273, %swap3A_274] {strides = array<i32>} : memref<32x128xf32, #tpu.memory_space<vmem>>, vector<1x16xf32>,
      %swap3A_276 = vector.shape_cast %swap3A_275 : vector<1x16xf32> to vector<16xf32>
      %swap3A_277 = vector.shape_cast %scan3A_251#4 : vector<16xf32> to vector<1x16xf32>
      tpu.vector_store %arg6[%swap3A_273, %swap3A_274], %swap3A_277 {strides = array<i32>} : memref<32x128xf32, #tpu.memory_space<vmem>>, vector<1x16xf32>,
      %swap3A_278 = arith.index_cast %add3A_194 : i32 to index
      %swap3A_279 = arith.constant 80 : index
      %swap3A_280 = tpu.vector_load %arg6[%swap3A_278, %swap3A_279] {strides = array<i32>} : memref<32x128xf32, #tpu.memory_space<vmem>>, vector<1x16xf32>,
      %swap3A_281 = vector.shape_cast %swap3A_280 : vector<1x16xf32> to vector<16xf32>
      %swap3A_282 = vector.shape_cast %scan3A_251#5 : vector<16xf32> to vector<1x16xf32>
      tpu.vector_store %arg6[%swap3A_278, %swap3A_279], %swap3A_282 {strides = array<i32>} : memref<32x128xf32, #tpu.memory_space<vmem>>, vector<1x16xf32>,
      %swap3A_283 = arith.index_cast %add3A_194 : i32 to index
      %swap3A_284 = arith.constant 96 : index
      %swap3A_285 = tpu.vector_load %arg6[%swap3A_283, %swap3A_284] {strides = array<i32>} : memref<32x128xf32, #tpu.memory_space<vmem>>, vector<1x16xf32>,
      %swap3A_286 = vector.shape_cast %swap3A_285 : vector<1x16xf32> to vector<16xf32>
      %swap3A_287 = vector.shape_cast %scan3A_251#6 : vector<16xf32> to vector<1x16xf32>
      tpu.vector_store %arg6[%swap3A_283, %swap3A_284], %swap3A_287 {strides = array<i32>} : memref<32x128xf32, #tpu.memory_space<vmem>>, vector<1x16xf32>,
      %swap3A_288 = arith.index_cast %add3A_194 : i32 to index
      %swap3A_289 = arith.constant 112 : index
      %swap3A_290 = tpu.vector_load %arg6[%swap3A_288, %swap3A_289] {strides = array<i32>} : memref<32x128xf32, #tpu.memory_space<vmem>>, vector<1x16xf32>,
      %swap3A_291 = vector.shape_cast %swap3A_290 : vector<1x16xf32> to vector<16xf32>
      %swap3A_292 = vector.shape_cast %scan3A_251#7 : vector<16xf32> to vector<1x16xf32>
      tpu.vector_store %arg6[%swap3A_288, %swap3A_289], %swap3A_292 {strides = array<i32>} : memref<32x128xf32, #tpu.memory_space<vmem>>, vector<1x16xf32>,
      %add3A_293 = arith.constant 2 : i32
      %add3A_294 = arith.addi %mul3A_99, %add3A_293 : i32
      %add3A_295 = arith.constant 4 : i32
      %add3A_296 = arith.addi %add3A_294, %add3A_295 : i32
      %sub3A_297 = arith.constant 1 : i32
      %sub3A_298 = arith.subi %add3A_296, %sub3A_297 : i32
      %lt3A_299 = arith.constant 32 : i32
      %lt3A_300 = arith.cmpi slt, %sub3A_298, %lt3A_299 : i32
      %convert_element_type3A_301 = arith.extui %lt3A_300 : i1 to i32
      %cond3A_302 = arith.constant 0 : i32
      %cond3A_303 = arith.cmpi ne, %convert_element_type3A_301, %cond3A_302 : i32
      scf.if %cond3A_303 {
        %add3A_493 = arith.constant 4 : i32
        %add3A_494 = arith.addi %add3A_294, %add3A_493 : i32
        %sub3A_495 = arith.constant 1 : i32
        %sub3A_496 = arith.subi %add3A_494, %sub3A_495 : i32
        %dma_start3A_497 = arith.constant 0 : i32
        %dma_start3A_498 = arith.constant 0 : i32
        %dma_start3A_499 = tpu.memref_slice %arg8[%dma_start3A_497, %dma_start3A_498] : memref<200x128xf32, #tpu.memory_space<vmem>> -> memref<64x128xf32, #tpu.memory_space<vmem>>
        %dma_start3A_500 = arith.constant 0 : i32
        %dma_start3A_501 = tpu.memref_slice %arg5[%sub3A_496, %dma_start3A_500] : memref<32x200xi32, #tpu.memory_space<vmem>> -> memref<1x64xi32, #tpu.memory_space<vmem>>
        %dma_start3A_502 = tpu.memref_squeeze %dma_start3A_501 : memref<1x64xi32, #tpu.memory_space<vmem>> -> memref<64xi32, #tpu.memory_space<vmem>>
        %dma_start3A_503 = arith.constant 0 : i32
        %dma_start3A_504 = arith.constant 0 : i32
        %dma_start3A_505 = tpu.memref_slice %arg3[%dma_start3A_503, %dma_start3A_504] : memref<100000x128xf32, #tpu.memory_space<hbm>> -> memref<100000x128xf32, #tpu.memory_space<hbm>>
        tpu.enqueue_indirect_dma source(%dma_start3A_505 : memref<100000x128xf32, #tpu.memory_space<hbm>>) target(%dma_start3A_499 : memref<64x128xf32, #tpu.memory_space<vmem>>) offsets(%dma_start3A_502 : memref<64xi32, #tpu.memory_space<vmem>>) semaphore(%arg12 : memref<!tpu.dma_semaphore, #tpu.memory_space<semaphore_mem>>)
        %dma_start3A_506 = arith.constant 64 : i32
        %dma_start3A_507 = arith.constant 0 : i32
        %dma_start3A_508 = tpu.memref_slice %arg8[%dma_start3A_506, %dma_start3A_507] : memref<200x128xf32, #tpu.memory_space<vmem>> -> memref<64x128xf32, #tpu.memory_space<vmem>>
        %dma_start3A_509 = arith.constant 64 : i32
        %dma_start3A_510 = tpu.memref_slice %arg5[%sub3A_496, %dma_start3A_509] : memref<32x200xi32, #tpu.memory_space<vmem>> -> memref<1x64xi32, #tpu.memory_space<vmem>>
        %dma_start3A_511 = tpu.memref_squeeze %dma_start3A_510 : memref<1x64xi32, #tpu.memory_space<vmem>> -> memref<64xi32, #tpu.memory_space<vmem>>
        %dma_start3A_512 = arith.constant 0 : i32
        %dma_start3A_513 = arith.constant 0 : i32
        %dma_start3A_514 = tpu.memref_slice %arg3[%dma_start3A_512, %dma_start3A_513] : memref<100000x128xf32, #tpu.memory_space<hbm>> -> memref<100000x128xf32, #tpu.memory_space<hbm>>
        tpu.enqueue_indirect_dma source(%dma_start3A_514 : memref<100000x128xf32, #tpu.memory_space<hbm>>) target(%dma_start3A_508 : memref<64x128xf32, #tpu.memory_space<vmem>>) offsets(%dma_start3A_511 : memref<64xi32, #tpu.memory_space<vmem>>) semaphore(%arg12 : memref<!tpu.dma_semaphore, #tpu.memory_space<semaphore_mem>>)
        %dma_start3A_515 = arith.constant 128 : i32
        %dma_start3A_516 = arith.constant 0 : i32
        %dma_start3A_517 = tpu.memref_slice %arg8[%dma_start3A_515, %dma_start3A_516] : memref<200x128xf32, #tpu.memory_space<vmem>> -> memref<72x128xf32, #tpu.memory_space<vmem>>
        %dma_start3A_518 = arith.constant 128 : i32
        %dma_start3A_519 = tpu.memref_slice %arg5[%sub3A_496, %dma_start3A_518] : memref<32x200xi32, #tpu.memory_space<vmem>> -> memref<1x72xi32, #tpu.memory_space<vmem>>
        %dma_start3A_520 = tpu.memref_squeeze %dma_start3A_519 : memref<1x72xi32, #tpu.memory_space<vmem>> -> memref<72xi32, #tpu.memory_space<vmem>>
        %dma_start3A_521 = arith.constant 0 : i32
        %dma_start3A_522 = arith.constant 0 : i32
        %dma_start3A_523 = tpu.memref_slice %arg3[%dma_start3A_521, %dma_start3A_522] : memref<100000x128xf32, #tpu.memory_space<hbm>> -> memref<100000x128xf32, #tpu.memory_space<hbm>>
        tpu.enqueue_indirect_dma source(%dma_start3A_523 : memref<100000x128xf32, #tpu.memory_space<hbm>>) target(%dma_start3A_517 : memref<72x128xf32, #tpu.memory_space<vmem>>) offsets(%dma_start3A_520 : memref<72xi32, #tpu.memory_space<vmem>>) semaphore(%arg12 : memref<!tpu.dma_semaphore, #tpu.memory_space<semaphore_mem>>)
      } else {
      }
      %dma_wait3A_304 = arith.constant 0 : i32
      %dma_wait3A_305 = arith.constant 0 : i32
      %dma_wait3A_306 = tpu.memref_slice %arg9[%dma_wait3A_304, %dma_wait3A_305] : memref<200x128xf32, #tpu.memory_space<vmem>> -> memref<64x128xf32, #tpu.memory_space<vmem>>
      %dma_wait3A_307 = arith.constant 0 : i32
      %dma_wait3A_308 = tpu.memref_slice %arg5[%add3A_294, %dma_wait3A_307] : memref<32x200xi32, #tpu.memory_space<vmem>> -> memref<1x64xi32, #tpu.memory_space<vmem>>
      %dma_wait3A_309 = tpu.memref_squeeze %dma_wait3A_308 : memref<1x64xi32, #tpu.memory_space<vmem>> -> memref<64xi32, #tpu.memory_space<vmem>>
      %dma_wait3A_310 = arith.constant 0 : i32
      %dma_wait3A_311 = arith.constant 0 : i32
      %dma_wait3A_312 = tpu.memref_slice %arg3[%dma_wait3A_310, %dma_wait3A_311] : memref<100000x128xf32, #tpu.memory_space<hbm>> -> memref<100000x128xf32, #tpu.memory_space<hbm>>
      tpu.wait_indirect_dma semaphore(%arg13 : memref<!tpu.dma_semaphore, #tpu.memory_space<semaphore_mem>>) src(%dma_wait3A_312 : memref<100000x128xf32, #tpu.memory_space<hbm>>) dst(%dma_wait3A_306 : memref<64x128xf32, #tpu.memory_space<vmem>>)
      %dma_wait3A_313 = arith.constant 64 : i32
      %dma_wait3A_314 = arith.constant 0 : i32
      %dma_wait3A_315 = tpu.memref_slice %arg9[%dma_wait3A_313, %dma_wait3A_314] : memref<200x128xf32, #tpu.memory_space<vmem>> -> memref<64x128xf32, #tpu.memory_space<vmem>>
      %dma_wait3A_316 = arith.constant 64 : i32
      %dma_wait3A_317 = tpu.memref_slice %arg5[%add3A_294, %dma_wait3A_316] : memref<32x200xi32, #tpu.memory_space<vmem>> -> memref<1x64xi32, #tpu.memory_space<vmem>>
      %dma_wait3A_318 = tpu.memref_squeeze %dma_wait3A_317 : memref<1x64xi32, #tpu.memory_space<vmem>> -> memref<64xi32, #tpu.memory_space<vmem>>
      %dma_wait3A_319 = arith.constant 0 : i32
      %dma_wait3A_320 = arith.constant 0 : i32
      %dma_wait3A_321 = tpu.memref_slice %arg3[%dma_wait3A_319, %dma_wait3A_320] : memref<100000x128xf32, #tpu.memory_space<hbm>> -> memref<100000x128xf32, #tpu.memory_space<hbm>>
      tpu.wait_indirect_dma semaphore(%arg13 : memref<!tpu.dma_semaphore, #tpu.memory_space<semaphore_mem>>) src(%dma_wait3A_321 : memref<100000x128xf32, #tpu.memory_space<hbm>>) dst(%dma_wait3A_315 : memref<64x128xf32, #tpu.memory_space<vmem>>)
      %dma_wait3A_322 = arith.constant 128 : i32
      %dma_wait3A_323 = arith.constant 0 : i32
      %dma_wait3A_324 = tpu.memref_slice %arg9[%dma_wait3A_322, %dma_wait3A_323] : memref<200x128xf32, #tpu.memory_space<vmem>> -> memref<72x128xf32, #tpu.memory_space<vmem>>
      %dma_wait3A_325 = arith.constant 128 : i32
      %dma_wait3A_326 = tpu.memref_slice %arg5[%add3A_294, %dma_wait3A_325] : memref<32x200xi32, #tpu.memory_space<vmem>> -> memref<1x72xi32, #tpu.memory_space<vmem>>
      %dma_wait3A_327 = tpu.memref_squeeze %dma_wait3A_326 : memref<1x72xi32, #tpu.memory_space<vmem>> -> memref<72xi32, #tpu.memory_space<vmem>>
      %dma_wait3A_328 = arith.constant 0 : i32
      %dma_wait3A_329 = arith.constant 0 : i32
      %dma_wait3A_330 = tpu.memref_slice %arg3[%dma_wait3A_328, %dma_wait3A_329] : memref<100000x128xf32, #tpu.memory_space<hbm>> -> memref<100000x128xf32, #tpu.memory_space<hbm>>
      tpu.wait_indirect_dma semaphore(%arg13 : memref<!tpu.dma_semaphore, #tpu.memory_space<semaphore_mem>>) src(%dma_wait3A_330 : memref<100000x128xf32, #tpu.memory_space<hbm>>) dst(%dma_wait3A_324 : memref<72x128xf32, #tpu.memory_space<vmem>>)
      %broadcast_in_dim3A_331 = arith.constant 0.000000e+00 : f32
      %broadcast_in_dim3A_332 = vector.broadcast %broadcast_in_dim3A_331 : f32 to vector<16xf32>
      %broadcast_in_dim3A_333 = arith.constant 0.000000e+00 : f32
      %broadcast_in_dim3A_334 = vector.broadcast %broadcast_in_dim3A_333 : f32 to vector<16xf32>
      %broadcast_in_dim3A_335 = arith.constant 0.000000e+00 : f32
      %broadcast_in_dim3A_336 = vector.broadcast %broadcast_in_dim3A_335 : f32 to vector<16xf32>
      %broadcast_in_dim3A_337 = arith.constant 0.000000e+00 : f32
      %broadcast_in_dim3A_338 = vector.broadcast %broadcast_in_dim3A_337 : f32 to vector<16xf32>
      %broadcast_in_dim3A_339 = arith.constant 0.000000e+00 : f32
      %broadcast_in_dim3A_340 = vector.broadcast %broadcast_in_dim3A_339 : f32 to vector<16xf32>
      %broadcast_in_dim3A_341 = arith.constant 0.000000e+00 : f32
      %broadcast_in_dim3A_342 = vector.broadcast %broadcast_in_dim3A_341 : f32 to vector<16xf32>
      %broadcast_in_dim3A_343 = arith.constant 0.000000e+00 : f32
      %broadcast_in_dim3A_344 = vector.broadcast %broadcast_in_dim3A_343 : f32 to vector<16xf32>
      %broadcast_in_dim3A_345 = arith.constant 0.000000e+00 : f32
      %broadcast_in_dim3A_346 = vector.broadcast %broadcast_in_dim3A_345 : f32 to vector<16xf32>
      %scan3A_347 = arith.constant 0 : i32
      %scan3A_348 = arith.constant 25 : i32
      %scan3A_349 = arith.addi %scan3A_347, %scan3A_348 : i32
      %scan3A_350 = arith.constant 1 : i32
      %scan3A_351:8 = scf.for %scan3A_493 = %scan3A_347 to %scan3A_349 step %scan3A_350 iter_args(%scan3A_494 = %broadcast_in_dim3A_332, %scan3A_495 = %broadcast_in_dim3A_334, %scan3A_496 = %broadcast_in_dim3A_336, %scan3A_497 = %broadcast_in_dim3A_338, %scan3A_498 = %broadcast_in_dim3A_340, %scan3A_499 = %broadcast_in_dim3A_342, %scan3A_500 = %broadcast_in_dim3A_344, %scan3A_501 = %broadcast_in_dim3A_346) -> (vector<16xf32>, vector<16xf32>, vector<16xf32>, vector<16xf32>, vector<16xf32>, vector<16xf32>, vector<16xf32>, vector<16xf32>)  : i32 {
        %mul3A_502 = arith.constant 8 : i32
        %mul3A_503 = arith.muli %scan3A_493, %mul3A_502 : i32
        %add3A_504 = arith.constant 0 : i32
        %add3A_505 = arith.addi %mul3A_503, %add3A_504 : i32
        %get3A = arith.index_cast %add3A_505 : i32 to index
        %get3A_506 = arith.constant 0 : index
        %get3A_507 = tpu.vector_load %arg9[%get3A, %get3A_506] {strides = array<i32>} : memref<200x128xf32, #tpu.memory_space<vmem>>, vector<1x16xf32>,
        %get3A_508 = vector.shape_cast %get3A_507 : vector<1x16xf32> to vector<16xf32>
        %add3A_509 = arith.addf %scan3A_494, %get3A_508 : vector<16xf32>
        %add3A_510 = arith.constant 0 : i32
        %add3A_511 = arith.addi %mul3A_503, %add3A_510 : i32
        %get3A_512 = arith.index_cast %add3A_511 : i32 to index
        %get3A_513 = arith.constant 16 : index
        %get3A_514 = tpu.vector_load %arg9[%get3A_512, %get3A_513] {strides = array<i32>} : memref<200x128xf32, #tpu.memory_space<vmem>>, vector<1x16xf32>,
        %get3A_515 = vector.shape_cast %get3A_514 : vector<1x16xf32> to vector<16xf32>
        %add3A_516 = arith.addf %scan3A_495, %get3A_515 : vector<16xf32>
        %add3A_517 = arith.constant 0 : i32
        %add3A_518 = arith.addi %mul3A_503, %add3A_517 : i32
        %get3A_519 = arith.index_cast %add3A_518 : i32 to index
        %get3A_520 = arith.constant 32 : index
        %get3A_521 = tpu.vector_load %arg9[%get3A_519, %get3A_520] {strides = array<i32>} : memref<200x128xf32, #tpu.memory_space<vmem>>, vector<1x16xf32>,
        %get3A_522 = vector.shape_cast %get3A_521 : vector<1x16xf32> to vector<16xf32>
        %add3A_523 = arith.addf %scan3A_496, %get3A_522 : vector<16xf32>
        %add3A_524 = arith.constant 0 : i32
        %add3A_525 = arith.addi %mul3A_503, %add3A_524 : i32
        %get3A_526 = arith.index_cast %add3A_525 : i32 to index
        %get3A_527 = arith.constant 48 : index
        %get3A_528 = tpu.vector_load %arg9[%get3A_526, %get3A_527] {strides = array<i32>} : memref<200x128xf32, #tpu.memory_space<vmem>>, vector<1x16xf32>,
        %get3A_529 = vector.shape_cast %get3A_528 : vector<1x16xf32> to vector<16xf32>
        %add3A_530 = arith.addf %scan3A_497, %get3A_529 : vector<16xf32>
        %add3A_531 = arith.constant 0 : i32
        %add3A_532 = arith.addi %mul3A_503, %add3A_531 : i32
        %get3A_533 = arith.index_cast %add3A_532 : i32 to index
        %get3A_534 = arith.constant 64 : index
        %get3A_535 = tpu.vector_load %arg9[%get3A_533, %get3A_534] {strides = array<i32>} : memref<200x128xf32, #tpu.memory_space<vmem>>, vector<1x16xf32>,
        %get3A_536 = vector.shape_cast %get3A_535 : vector<1x16xf32> to vector<16xf32>
        %add3A_537 = arith.addf %scan3A_498, %get3A_536 : vector<16xf32>
        %add3A_538 = arith.constant 0 : i32
        %add3A_539 = arith.addi %mul3A_503, %add3A_538 : i32
        %get3A_540 = arith.index_cast %add3A_539 : i32 to index
        %get3A_541 = arith.constant 80 : index
        %get3A_542 = tpu.vector_load %arg9[%get3A_540, %get3A_541] {strides = array<i32>} : memref<200x128xf32, #tpu.memory_space<vmem>>, vector<1x16xf32>,
        %get3A_543 = vector.shape_cast %get3A_542 : vector<1x16xf32> to vector<16xf32>
        %add3A_544 = arith.addf %scan3A_499, %get3A_543 : vector<16xf32>
        %add3A_545 = arith.constant 0 : i32
        %add3A_546 = arith.addi %mul3A_503, %add3A_545 : i32
        %get3A_547 = arith.index_cast %add3A_546 : i32 to index
        %get3A_548 = arith.constant 96 : index
        %get3A_549 = tpu.vector_load %arg9[%get3A_547, %get3A_548] {strides = array<i32>} : memref<200x128xf32, #tpu.memory_space<vmem>>, vector<1x16xf32>,
        %get3A_550 = vector.shape_cast %get3A_549 : vector<1x16xf32> to vector<16xf32>
        %add3A_551 = arith.addf %scan3A_500, %get3A_550 : vector<16xf32>
        %add3A_552 = arith.constant 0 : i32
        %add3A_553 = arith.addi %mul3A_503, %add3A_552 : i32
        %get3A_554 = arith.index_cast %add3A_553 : i32 to index
        %get3A_555 = arith.constant 112 : index
        %get3A_556 = tpu.vector_load %arg9[%get3A_554, %get3A_555] {strides = array<i32>} : memref<200x128xf32, #tpu.memory_space<vmem>>, vector<1x16xf32>,
        %get3A_557 = vector.shape_cast %get3A_556 : vector<1x16xf32> to vector<16xf32>
        %add3A_558 = arith.addf %scan3A_501, %get3A_557 : vector<16xf32>
        %add3A_559 = arith.constant 1 : i32
        %add3A_560 = arith.addi %mul3A_503, %add3A_559 : i32
        %get3A_561 = arith.index_cast %add3A_560 : i32 to index
        %get3A_562 = arith.constant 0 : index
        %get3A_563 = tpu.vector_load %arg9[%get3A_561, %get3A_562] {strides = array<i32>} : memref<200x128xf32, #tpu.memory_space<vmem>>, vector<1x16xf32>,
        %get3A_564 = vector.shape_cast %get3A_563 : vector<1x16xf32> to vector<16xf32>
        %add3A_565 = arith.addf %add3A_509, %get3A_564 : vector<16xf32>
        %add3A_566 = arith.constant 1 : i32
        %add3A_567 = arith.addi %mul3A_503, %add3A_566 : i32
        %get3A_568 = arith.index_cast %add3A_567 : i32 to index
        %get3A_569 = arith.constant 16 : index
        %get3A_570 = tpu.vector_load %arg9[%get3A_568, %get3A_569] {strides = array<i32>} : memref<200x128xf32, #tpu.memory_space<vmem>>, vector<1x16xf32>,
        %get3A_571 = vector.shape_cast %get3A_570 : vector<1x16xf32> to vector<16xf32>
        %add3A_572 = arith.addf %add3A_516, %get3A_571 : vector<16xf32>
        %add3A_573 = arith.constant 1 : i32
        %add3A_574 = arith.addi %mul3A_503, %add3A_573 : i32
        %get3A_575 = arith.index_cast %add3A_574 : i32 to index
        %get3A_576 = arith.constant 32 : index
        %get3A_577 = tpu.vector_load %arg9[%get3A_575, %get3A_576] {strides = array<i32>} : memref<200x128xf32, #tpu.memory_space<vmem>>, vector<1x16xf32>,
        %get3A_578 = vector.shape_cast %get3A_577 : vector<1x16xf32> to vector<16xf32>
        %add3A_579 = arith.addf %add3A_523, %get3A_578 : vector<16xf32>
        %add3A_580 = arith.constant 1 : i32
        %add3A_581 = arith.addi %mul3A_503, %add3A_580 : i32
        %get3A_582 = arith.index_cast %add3A_581 : i32 to index
        %get3A_583 = arith.constant 48 : index
        %get3A_584 = tpu.vector_load %arg9[%get3A_582, %get3A_583] {strides = array<i32>} : memref<200x128xf32, #tpu.memory_space<vmem>>, vector<1x16xf32>,
        %get3A_585 = vector.shape_cast %get3A_584 : vector<1x16xf32> to vector<16xf32>
        %add3A_586 = arith.addf %add3A_530, %get3A_585 : vector<16xf32>
        %add3A_587 = arith.constant 1 : i32
        %add3A_588 = arith.addi %mul3A_503, %add3A_587 : i32
        %get3A_589 = arith.index_cast %add3A_588 : i32 to index
        %get3A_590 = arith.constant 64 : index
        %get3A_591 = tpu.vector_load %arg9[%get3A_589, %get3A_590] {strides = array<i32>} : memref<200x128xf32, #tpu.memory_space<vmem>>, vector<1x16xf32>,
        %get3A_592 = vector.shape_cast %get3A_591 : vector<1x16xf32> to vector<16xf32>
        %add3A_593 = arith.addf %add3A_537, %get3A_592 : vector<16xf32>
        %add3A_594 = arith.constant 1 : i32
        %add3A_595 = arith.addi %mul3A_503, %add3A_594 : i32
        %get3A_596 = arith.index_cast %add3A_595 : i32 to index
        %get3A_597 = arith.constant 80 : index
        %get3A_598 = tpu.vector_load %arg9[%get3A_596, %get3A_597] {strides = array<i32>} : memref<200x128xf32, #tpu.memory_space<vmem>>, vector<1x16xf32>,
        %get3A_599 = vector.shape_cast %get3A_598 : vector<1x16xf32> to vector<16xf32>
        %add3A_600 = arith.addf %add3A_544, %get3A_599 : vector<16xf32>
        %add3A_601 = arith.constant 1 : i32
        %add3A_602 = arith.addi %mul3A_503, %add3A_601 : i32
        %get3A_603 = arith.index_cast %add3A_602 : i32 to index
        %get3A_604 = arith.constant 96 : index
        %get3A_605 = tpu.vector_load %arg9[%get3A_603, %get3A_604] {strides = array<i32>} : memref<200x128xf32, #tpu.memory_space<vmem>>, vector<1x16xf32>,
        %get3A_606 = vector.shape_cast %get3A_605 : vector<1x16xf32> to vector<16xf32>
        %add3A_607 = arith.addf %add3A_551, %get3A_606 : vector<16xf32>
        %add3A_608 = arith.constant 1 : i32
        %add3A_609 = arith.addi %mul3A_503, %add3A_608 : i32
        %get3A_610 = arith.index_cast %add3A_609 : i32 to index
        %get3A_611 = arith.constant 112 : index
        %get3A_612 = tpu.vector_load %arg9[%get3A_610, %get3A_611] {strides = array<i32>} : memref<200x128xf32, #tpu.memory_space<vmem>>, vector<1x16xf32>,
        %get3A_613 = vector.shape_cast %get3A_612 : vector<1x16xf32> to vector<16xf32>
        %add3A_614 = arith.addf %add3A_558, %get3A_613 : vector<16xf32>
        %add3A_615 = arith.constant 2 : i32
        %add3A_616 = arith.addi %mul3A_503, %add3A_615 : i32
        %get3A_617 = arith.index_cast %add3A_616 : i32 to index
        %get3A_618 = arith.constant 0 : index
        %get3A_619 = tpu.vector_load %arg9[%get3A_617, %get3A_618] {strides = array<i32>} : memref<200x128xf32, #tpu.memory_space<vmem>>, vector<1x16xf32>,
        %get3A_620 = vector.shape_cast %get3A_619 : vector<1x16xf32> to vector<16xf32>
        %add3A_621 = arith.addf %add3A_565, %get3A_620 : vector<16xf32>
        %add3A_622 = arith.constant 2 : i32
        %add3A_623 = arith.addi %mul3A_503, %add3A_622 : i32
        %get3A_624 = arith.index_cast %add3A_623 : i32 to index
        %get3A_625 = arith.constant 16 : index
        %get3A_626 = tpu.vector_load %arg9[%get3A_624, %get3A_625] {strides = array<i32>} : memref<200x128xf32, #tpu.memory_space<vmem>>, vector<1x16xf32>,
        %get3A_627 = vector.shape_cast %get3A_626 : vector<1x16xf32> to vector<16xf32>
        %add3A_628 = arith.addf %add3A_572, %get3A_627 : vector<16xf32>
        %add3A_629 = arith.constant 2 : i32
        %add3A_630 = arith.addi %mul3A_503, %add3A_629 : i32
        %get3A_631 = arith.index_cast %add3A_630 : i32 to index
        %get3A_632 = arith.constant 32 : index
        %get3A_633 = tpu.vector_load %arg9[%get3A_631, %get3A_632] {strides = array<i32>} : memref<200x128xf32, #tpu.memory_space<vmem>>, vector<1x16xf32>,
        %get3A_634 = vector.shape_cast %get3A_633 : vector<1x16xf32> to vector<16xf32>
        %add3A_635 = arith.addf %add3A_579, %get3A_634 : vector<16xf32>
        %add3A_636 = arith.constant 2 : i32
        %add3A_637 = arith.addi %mul3A_503, %add3A_636 : i32
        %get3A_638 = arith.index_cast %add3A_637 : i32 to index
        %get3A_639 = arith.constant 48 : index
        %get3A_640 = tpu.vector_load %arg9[%get3A_638, %get3A_639] {strides = array<i32>} : memref<200x128xf32, #tpu.memory_space<vmem>>, vector<1x16xf32>,
        %get3A_641 = vector.shape_cast %get3A_640 : vector<1x16xf32> to vector<16xf32>
        %add3A_642 = arith.addf %add3A_586, %get3A_641 : vector<16xf32>
        %add3A_643 = arith.constant 2 : i32
        %add3A_644 = arith.addi %mul3A_503, %add3A_643 : i32
        %get3A_645 = arith.index_cast %add3A_644 : i32 to index
        %get3A_646 = arith.constant 64 : index
        %get3A_647 = tpu.vector_load %arg9[%get3A_645, %get3A_646] {strides = array<i32>} : memref<200x128xf32, #tpu.memory_space<vmem>>, vector<1x16xf32>,
        %get3A_648 = vector.shape_cast %get3A_647 : vector<1x16xf32> to vector<16xf32>
        %add3A_649 = arith.addf %add3A_593, %get3A_648 : vector<16xf32>
        %add3A_650 = arith.constant 2 : i32
        %add3A_651 = arith.addi %mul3A_503, %add3A_650 : i32
        %get3A_652 = arith.index_cast %add3A_651 : i32 to index
        %get3A_653 = arith.constant 80 : index
        %get3A_654 = tpu.vector_load %arg9[%get3A_652, %get3A_653] {strides = array<i32>} : memref<200x128xf32, #tpu.memory_space<vmem>>, vector<1x16xf32>,
        %get3A_655 = vector.shape_cast %get3A_654 : vector<1x16xf32> to vector<16xf32>
        %add3A_656 = arith.addf %add3A_600, %get3A_655 : vector<16xf32>
        %add3A_657 = arith.constant 2 : i32
        %add3A_658 = arith.addi %mul3A_503, %add3A_657 : i32
        %get3A_659 = arith.index_cast %add3A_658 : i32 to index
        %get3A_660 = arith.constant 96 : index
        %get3A_661 = tpu.vector_load %arg9[%get3A_659, %get3A_660] {strides = array<i32>} : memref<200x128xf32, #tpu.memory_space<vmem>>, vector<1x16xf32>,
        %get3A_662 = vector.shape_cast %get3A_661 : vector<1x16xf32> to vector<16xf32>
        %add3A_663 = arith.addf %add3A_607, %get3A_662 : vector<16xf32>
        %add3A_664 = arith.constant 2 : i32
        %add3A_665 = arith.addi %mul3A_503, %add3A_664 : i32
        %get3A_666 = arith.index_cast %add3A_665 : i32 to index
        %get3A_667 = arith.constant 112 : index
        %get3A_668 = tpu.vector_load %arg9[%get3A_666, %get3A_667] {strides = array<i32>} : memref<200x128xf32, #tpu.memory_space<vmem>>, vector<1x16xf32>,
        %get3A_669 = vector.shape_cast %get3A_668 : vector<1x16xf32> to vector<16xf32>
        %add3A_670 = arith.addf %add3A_614, %get3A_669 : vector<16xf32>
        %add3A_671 = arith.constant 3 : i32
        %add3A_672 = arith.addi %mul3A_503, %add3A_671 : i32
        %get3A_673 = arith.index_cast %add3A_672 : i32 to index
        %get3A_674 = arith.constant 0 : index
        %get3A_675 = tpu.vector_load %arg9[%get3A_673, %get3A_674] {strides = array<i32>} : memref<200x128xf32, #tpu.memory_space<vmem>>, vector<1x16xf32>,
        %get3A_676 = vector.shape_cast %get3A_675 : vector<1x16xf32> to vector<16xf32>
        %add3A_677 = arith.addf %add3A_621, %get3A_676 : vector<16xf32>
        %add3A_678 = arith.constant 3 : i32
        %add3A_679 = arith.addi %mul3A_503, %add3A_678 : i32
        %get3A_680 = arith.index_cast %add3A_679 : i32 to index
        %get3A_681 = arith.constant 16 : index
        %get3A_682 = tpu.vector_load %arg9[%get3A_680, %get3A_681] {strides = array<i32>} : memref<200x128xf32, #tpu.memory_space<vmem>>, vector<1x16xf32>,
        %get3A_683 = vector.shape_cast %get3A_682 : vector<1x16xf32> to vector<16xf32>
        %add3A_684 = arith.addf %add3A_628, %get3A_683 : vector<16xf32>
        %add3A_685 = arith.constant 3 : i32
        %add3A_686 = arith.addi %mul3A_503, %add3A_685 : i32
        %get3A_687 = arith.index_cast %add3A_686 : i32 to index
        %get3A_688 = arith.constant 32 : index
        %get3A_689 = tpu.vector_load %arg9[%get3A_687, %get3A_688] {strides = array<i32>} : memref<200x128xf32, #tpu.memory_space<vmem>>, vector<1x16xf32>,
        %get3A_690 = vector.shape_cast %get3A_689 : vector<1x16xf32> to vector<16xf32>
        %add3A_691 = arith.addf %add3A_635, %get3A_690 : vector<16xf32>
        %add3A_692 = arith.constant 3 : i32
        %add3A_693 = arith.addi %mul3A_503, %add3A_692 : i32
        %get3A_694 = arith.index_cast %add3A_693 : i32 to index
        %get3A_695 = arith.constant 48 : index
        %get3A_696 = tpu.vector_load %arg9[%get3A_694, %get3A_695] {strides = array<i32>} : memref<200x128xf32, #tpu.memory_space<vmem>>, vector<1x16xf32>,
        %get3A_697 = vector.shape_cast %get3A_696 : vector<1x16xf32> to vector<16xf32>
        %add3A_698 = arith.addf %add3A_642, %get3A_697 : vector<16xf32>
        %add3A_699 = arith.constant 3 : i32
        %add3A_700 = arith.addi %mul3A_503, %add3A_699 : i32
        %get3A_701 = arith.index_cast %add3A_700 : i32 to index
        %get3A_702 = arith.constant 64 : index
        %get3A_703 = tpu.vector_load %arg9[%get3A_701, %get3A_702] {strides = array<i32>} : memref<200x128xf32, #tpu.memory_space<vmem>>, vector<1x16xf32>,
        %get3A_704 = vector.shape_cast %get3A_703 : vector<1x16xf32> to vector<16xf32>
        %add3A_705 = arith.addf %add3A_649, %get3A_704 : vector<16xf32>
        %add3A_706 = arith.constant 3 : i32
        %add3A_707 = arith.addi %mul3A_503, %add3A_706 : i32
        %get3A_708 = arith.index_cast %add3A_707 : i32 to index
        %get3A_709 = arith.constant 80 : index
        %get3A_710 = tpu.vector_load %arg9[%get3A_708, %get3A_709] {strides = array<i32>} : memref<200x128xf32, #tpu.memory_space<vmem>>, vector<1x16xf32>,
        %get3A_711 = vector.shape_cast %get3A_710 : vector<1x16xf32> to vector<16xf32>
        %add3A_712 = arith.addf %add3A_656, %get3A_711 : vector<16xf32>
        %add3A_713 = arith.constant 3 : i32
        %add3A_714 = arith.addi %mul3A_503, %add3A_713 : i32
        %get3A_715 = arith.index_cast %add3A_714 : i32 to index
        %get3A_716 = arith.constant 96 : index
        %get3A_717 = tpu.vector_load %arg9[%get3A_715, %get3A_716] {strides = array<i32>} : memref<200x128xf32, #tpu.memory_space<vmem>>, vector<1x16xf32>,
        %get3A_718 = vector.shape_cast %get3A_717 : vector<1x16xf32> to vector<16xf32>
        %add3A_719 = arith.addf %add3A_663, %get3A_718 : vector<16xf32>
        %add3A_720 = arith.constant 3 : i32
        %add3A_721 = arith.addi %mul3A_503, %add3A_720 : i32
        %get3A_722 = arith.index_cast %add3A_721 : i32 to index
        %get3A_723 = arith.constant 112 : index
        %get3A_724 = tpu.vector_load %arg9[%get3A_722, %get3A_723] {strides = array<i32>} : memref<200x128xf32, #tpu.memory_space<vmem>>, vector<1x16xf32>,
        %get3A_725 = vector.shape_cast %get3A_724 : vector<1x16xf32> to vector<16xf32>
        %add3A_726 = arith.addf %add3A_670, %get3A_725 : vector<16xf32>
        %add3A_727 = arith.constant 4 : i32
        %add3A_728 = arith.addi %mul3A_503, %add3A_727 : i32
        %get3A_729 = arith.index_cast %add3A_728 : i32 to index
        %get3A_730 = arith.constant 0 : index
        %get3A_731 = tpu.vector_load %arg9[%get3A_729, %get3A_730] {strides = array<i32>} : memref<200x128xf32, #tpu.memory_space<vmem>>, vector<1x16xf32>,
        %get3A_732 = vector.shape_cast %get3A_731 : vector<1x16xf32> to vector<16xf32>
        %add3A_733 = arith.addf %add3A_677, %get3A_732 : vector<16xf32>
        %add3A_734 = arith.constant 4 : i32
        %add3A_735 = arith.addi %mul3A_503, %add3A_734 : i32
        %get3A_736 = arith.index_cast %add3A_735 : i32 to index
        %get3A_737 = arith.constant 16 : index
        %get3A_738 = tpu.vector_load %arg9[%get3A_736, %get3A_737] {strides = array<i32>} : memref<200x128xf32, #tpu.memory_space<vmem>>, vector<1x16xf32>,
        %get3A_739 = vector.shape_cast %get3A_738 : vector<1x16xf32> to vector<16xf32>
        %add3A_740 = arith.addf %add3A_684, %get3A_739 : vector<16xf32>
        %add3A_741 = arith.constant 4 : i32
        %add3A_742 = arith.addi %mul3A_503, %add3A_741 : i32
        %get3A_743 = arith.index_cast %add3A_742 : i32 to index
        %get3A_744 = arith.constant 32 : index
        %get3A_745 = tpu.vector_load %arg9[%get3A_743, %get3A_744] {strides = array<i32>} : memref<200x128xf32, #tpu.memory_space<vmem>>, vector<1x16xf32>,
        %get3A_746 = vector.shape_cast %get3A_745 : vector<1x16xf32> to vector<16xf32>
        %add3A_747 = arith.addf %add3A_691, %get3A_746 : vector<16xf32>
        %add3A_748 = arith.constant 4 : i32
        %add3A_749 = arith.addi %mul3A_503, %add3A_748 : i32
        %get3A_750 = arith.index_cast %add3A_749 : i32 to index
        %get3A_751 = arith.constant 48 : index
        %get3A_752 = tpu.vector_load %arg9[%get3A_750, %get3A_751] {strides = array<i32>} : memref<200x128xf32, #tpu.memory_space<vmem>>, vector<1x16xf32>,
        %get3A_753 = vector.shape_cast %get3A_752 : vector<1x16xf32> to vector<16xf32>
        %add3A_754 = arith.addf %add3A_698, %get3A_753 : vector<16xf32>
        %add3A_755 = arith.constant 4 : i32
        %add3A_756 = arith.addi %mul3A_503, %add3A_755 : i32
        %get3A_757 = arith.index_cast %add3A_756 : i32 to index
        %get3A_758 = arith.constant 64 : index
        %get3A_759 = tpu.vector_load %arg9[%get3A_757, %get3A_758] {strides = array<i32>} : memref<200x128xf32, #tpu.memory_space<vmem>>, vector<1x16xf32>,
        %get3A_760 = vector.shape_cast %get3A_759 : vector<1x16xf32> to vector<16xf32>
        %add3A_761 = arith.addf %add3A_705, %get3A_760 : vector<16xf32>
        %add3A_762 = arith.constant 4 : i32
        %add3A_763 = arith.addi %mul3A_503, %add3A_762 : i32
        %get3A_764 = arith.index_cast %add3A_763 : i32 to index
        %get3A_765 = arith.constant 80 : index
        %get3A_766 = tpu.vector_load %arg9[%get3A_764, %get3A_765] {strides = array<i32>} : memref<200x128xf32, #tpu.memory_space<vmem>>, vector<1x16xf32>,
        %get3A_767 = vector.shape_cast %get3A_766 : vector<1x16xf32> to vector<16xf32>
        %add3A_768 = arith.addf %add3A_712, %get3A_767 : vector<16xf32>
        %add3A_769 = arith.constant 4 : i32
        %add3A_770 = arith.addi %mul3A_503, %add3A_769 : i32
        %get3A_771 = arith.index_cast %add3A_770 : i32 to index
        %get3A_772 = arith.constant 96 : index
        %get3A_773 = tpu.vector_load %arg9[%get3A_771, %get3A_772] {strides = array<i32>} : memref<200x128xf32, #tpu.memory_space<vmem>>, vector<1x16xf32>,
        %get3A_774 = vector.shape_cast %get3A_773 : vector<1x16xf32> to vector<16xf32>
        %add3A_775 = arith.addf %add3A_719, %get3A_774 : vector<16xf32>
        %add3A_776 = arith.constant 4 : i32
        %add3A_777 = arith.addi %mul3A_503, %add3A_776 : i32
        %get3A_778 = arith.index_cast %add3A_777 : i32 to index
        %get3A_779 = arith.constant 112 : index
        %get3A_780 = tpu.vector_load %arg9[%get3A_778, %get3A_779] {strides = array<i32>} : memref<200x128xf32, #tpu.memory_space<vmem>>, vector<1x16xf32>,
        %get3A_781 = vector.shape_cast %get3A_780 : vector<1x16xf32> to vector<16xf32>
        %add3A_782 = arith.addf %add3A_726, %get3A_781 : vector<16xf32>
        %add3A_783 = arith.constant 5 : i32
        %add3A_784 = arith.addi %mul3A_503, %add3A_783 : i32
        %get3A_785 = arith.index_cast %add3A_784 : i32 to index
        %get3A_786 = arith.constant 0 : index
        %get3A_787 = tpu.vector_load %arg9[%get3A_785, %get3A_786] {strides = array<i32>} : memref<200x128xf32, #tpu.memory_space<vmem>>, vector<1x16xf32>,
        %get3A_788 = vector.shape_cast %get3A_787 : vector<1x16xf32> to vector<16xf32>
        %add3A_789 = arith.addf %add3A_733, %get3A_788 : vector<16xf32>
        %add3A_790 = arith.constant 5 : i32
        %add3A_791 = arith.addi %mul3A_503, %add3A_790 : i32
        %get3A_792 = arith.index_cast %add3A_791 : i32 to index
        %get3A_793 = arith.constant 16 : index
        %get3A_794 = tpu.vector_load %arg9[%get3A_792, %get3A_793] {strides = array<i32>} : memref<200x128xf32, #tpu.memory_space<vmem>>, vector<1x16xf32>,
        %get3A_795 = vector.shape_cast %get3A_794 : vector<1x16xf32> to vector<16xf32>
        %add3A_796 = arith.addf %add3A_740, %get3A_795 : vector<16xf32>
        %add3A_797 = arith.constant 5 : i32
        %add3A_798 = arith.addi %mul3A_503, %add3A_797 : i32
        %get3A_799 = arith.index_cast %add3A_798 : i32 to index
        %get3A_800 = arith.constant 32 : index
        %get3A_801 = tpu.vector_load %arg9[%get3A_799, %get3A_800] {strides = array<i32>} : memref<200x128xf32, #tpu.memory_space<vmem>>, vector<1x16xf32>,
        %get3A_802 = vector.shape_cast %get3A_801 : vector<1x16xf32> to vector<16xf32>
        %add3A_803 = arith.addf %add3A_747, %get3A_802 : vector<16xf32>
        %add3A_804 = arith.constant 5 : i32
        %add3A_805 = arith.addi %mul3A_503, %add3A_804 : i32
        %get3A_806 = arith.index_cast %add3A_805 : i32 to index
        %get3A_807 = arith.constant 48 : index
        %get3A_808 = tpu.vector_load %arg9[%get3A_806, %get3A_807] {strides = array<i32>} : memref<200x128xf32, #tpu.memory_space<vmem>>, vector<1x16xf32>,
        %get3A_809 = vector.shape_cast %get3A_808 : vector<1x16xf32> to vector<16xf32>
        %add3A_810 = arith.addf %add3A_754, %get3A_809 : vector<16xf32>
        %add3A_811 = arith.constant 5 : i32
        %add3A_812 = arith.addi %mul3A_503, %add3A_811 : i32
        %get3A_813 = arith.index_cast %add3A_812 : i32 to index
        %get3A_814 = arith.constant 64 : index
        %get3A_815 = tpu.vector_load %arg9[%get3A_813, %get3A_814] {strides = array<i32>} : memref<200x128xf32, #tpu.memory_space<vmem>>, vector<1x16xf32>,
        %get3A_816 = vector.shape_cast %get3A_815 : vector<1x16xf32> to vector<16xf32>
        %add3A_817 = arith.addf %add3A_761, %get3A_816 : vector<16xf32>
        %add3A_818 = arith.constant 5 : i32
        %add3A_819 = arith.addi %mul3A_503, %add3A_818 : i32
        %get3A_820 = arith.index_cast %add3A_819 : i32 to index
        %get3A_821 = arith.constant 80 : index
        %get3A_822 = tpu.vector_load %arg9[%get3A_820, %get3A_821] {strides = array<i32>} : memref<200x128xf32, #tpu.memory_space<vmem>>, vector<1x16xf32>,
        %get3A_823 = vector.shape_cast %get3A_822 : vector<1x16xf32> to vector<16xf32>
        %add3A_824 = arith.addf %add3A_768, %get3A_823 : vector<16xf32>
        %add3A_825 = arith.constant 5 : i32
        %add3A_826 = arith.addi %mul3A_503, %add3A_825 : i32
        %get3A_827 = arith.index_cast %add3A_826 : i32 to index
        %get3A_828 = arith.constant 96 : index
        %get3A_829 = tpu.vector_load %arg9[%get3A_827, %get3A_828] {strides = array<i32>} : memref<200x128xf32, #tpu.memory_space<vmem>>, vector<1x16xf32>,
        %get3A_830 = vector.shape_cast %get3A_829 : vector<1x16xf32> to vector<16xf32>
        %add3A_831 = arith.addf %add3A_775, %get3A_830 : vector<16xf32>
        %add3A_832 = arith.constant 5 : i32
        %add3A_833 = arith.addi %mul3A_503, %add3A_832 : i32
        %get3A_834 = arith.index_cast %add3A_833 : i32 to index
        %get3A_835 = arith.constant 112 : index
        %get3A_836 = tpu.vector_load %arg9[%get3A_834, %get3A_835] {strides = array<i32>} : memref<200x128xf32, #tpu.memory_space<vmem>>, vector<1x16xf32>,
        %get3A_837 = vector.shape_cast %get3A_836 : vector<1x16xf32> to vector<16xf32>
        %add3A_838 = arith.addf %add3A_782, %get3A_837 : vector<16xf32>
        %add3A_839 = arith.constant 6 : i32
        %add3A_840 = arith.addi %mul3A_503, %add3A_839 : i32
        %get3A_841 = arith.index_cast %add3A_840 : i32 to index
        %get3A_842 = arith.constant 0 : index
        %get3A_843 = tpu.vector_load %arg9[%get3A_841, %get3A_842] {strides = array<i32>} : memref<200x128xf32, #tpu.memory_space<vmem>>, vector<1x16xf32>,
        %get3A_844 = vector.shape_cast %get3A_843 : vector<1x16xf32> to vector<16xf32>
        %add3A_845 = arith.addf %add3A_789, %get3A_844 : vector<16xf32>
        %add3A_846 = arith.constant 6 : i32
        %add3A_847 = arith.addi %mul3A_503, %add3A_846 : i32
        %get3A_848 = arith.index_cast %add3A_847 : i32 to index
        %get3A_849 = arith.constant 16 : index
        %get3A_850 = tpu.vector_load %arg9[%get3A_848, %get3A_849] {strides = array<i32>} : memref<200x128xf32, #tpu.memory_space<vmem>>, vector<1x16xf32>,
        %get3A_851 = vector.shape_cast %get3A_850 : vector<1x16xf32> to vector<16xf32>
        %add3A_852 = arith.addf %add3A_796, %get3A_851 : vector<16xf32>
        %add3A_853 = arith.constant 6 : i32
        %add3A_854 = arith.addi %mul3A_503, %add3A_853 : i32
        %get3A_855 = arith.index_cast %add3A_854 : i32 to index
        %get3A_856 = arith.constant 32 : index
        %get3A_857 = tpu.vector_load %arg9[%get3A_855, %get3A_856] {strides = array<i32>} : memref<200x128xf32, #tpu.memory_space<vmem>>, vector<1x16xf32>,
        %get3A_858 = vector.shape_cast %get3A_857 : vector<1x16xf32> to vector<16xf32>
        %add3A_859 = arith.addf %add3A_803, %get3A_858 : vector<16xf32>
        %add3A_860 = arith.constant 6 : i32
        %add3A_861 = arith.addi %mul3A_503, %add3A_860 : i32
        %get3A_862 = arith.index_cast %add3A_861 : i32 to index
        %get3A_863 = arith.constant 48 : index
        %get3A_864 = tpu.vector_load %arg9[%get3A_862, %get3A_863] {strides = array<i32>} : memref<200x128xf32, #tpu.memory_space<vmem>>, vector<1x16xf32>,
        %get3A_865 = vector.shape_cast %get3A_864 : vector<1x16xf32> to vector<16xf32>
        %add3A_866 = arith.addf %add3A_810, %get3A_865 : vector<16xf32>
        %add3A_867 = arith.constant 6 : i32
        %add3A_868 = arith.addi %mul3A_503, %add3A_867 : i32
        %get3A_869 = arith.index_cast %add3A_868 : i32 to index
        %get3A_870 = arith.constant 64 : index
        %get3A_871 = tpu.vector_load %arg9[%get3A_869, %get3A_870] {strides = array<i32>} : memref<200x128xf32, #tpu.memory_space<vmem>>, vector<1x16xf32>,
        %get3A_872 = vector.shape_cast %get3A_871 : vector<1x16xf32> to vector<16xf32>
        %add3A_873 = arith.addf %add3A_817, %get3A_872 : vector<16xf32>
        %add3A_874 = arith.constant 6 : i32
        %add3A_875 = arith.addi %mul3A_503, %add3A_874 : i32
        %get3A_876 = arith.index_cast %add3A_875 : i32 to index
        %get3A_877 = arith.constant 80 : index
        %get3A_878 = tpu.vector_load %arg9[%get3A_876, %get3A_877] {strides = array<i32>} : memref<200x128xf32, #tpu.memory_space<vmem>>, vector<1x16xf32>,
        %get3A_879 = vector.shape_cast %get3A_878 : vector<1x16xf32> to vector<16xf32>
        %add3A_880 = arith.addf %add3A_824, %get3A_879 : vector<16xf32>
        %add3A_881 = arith.constant 6 : i32
        %add3A_882 = arith.addi %mul3A_503, %add3A_881 : i32
        %get3A_883 = arith.index_cast %add3A_882 : i32 to index
        %get3A_884 = arith.constant 96 : index
        %get3A_885 = tpu.vector_load %arg9[%get3A_883, %get3A_884] {strides = array<i32>} : memref<200x128xf32, #tpu.memory_space<vmem>>, vector<1x16xf32>,
        %get3A_886 = vector.shape_cast %get3A_885 : vector<1x16xf32> to vector<16xf32>
        %add3A_887 = arith.addf %add3A_831, %get3A_886 : vector<16xf32>
        %add3A_888 = arith.constant 6 : i32
        %add3A_889 = arith.addi %mul3A_503, %add3A_888 : i32
        %get3A_890 = arith.index_cast %add3A_889 : i32 to index
        %get3A_891 = arith.constant 112 : index
        %get3A_892 = tpu.vector_load %arg9[%get3A_890, %get3A_891] {strides = array<i32>} : memref<200x128xf32, #tpu.memory_space<vmem>>, vector<1x16xf32>,
        %get3A_893 = vector.shape_cast %get3A_892 : vector<1x16xf32> to vector<16xf32>
        %add3A_894 = arith.addf %add3A_838, %get3A_893 : vector<16xf32>
        %add3A_895 = arith.constant 7 : i32
        %add3A_896 = arith.addi %mul3A_503, %add3A_895 : i32
        %get3A_897 = arith.index_cast %add3A_896 : i32 to index
        %get3A_898 = arith.constant 0 : index
        %get3A_899 = tpu.vector_load %arg9[%get3A_897, %get3A_898] {strides = array<i32>} : memref<200x128xf32, #tpu.memory_space<vmem>>, vector<1x16xf32>,
        %get3A_900 = vector.shape_cast %get3A_899 : vector<1x16xf32> to vector<16xf32>
        %add3A_901 = arith.addf %add3A_845, %get3A_900 : vector<16xf32>
        %add3A_902 = arith.constant 7 : i32
        %add3A_903 = arith.addi %mul3A_503, %add3A_902 : i32
        %get3A_904 = arith.index_cast %add3A_903 : i32 to index
        %get3A_905 = arith.constant 16 : index
        %get3A_906 = tpu.vector_load %arg9[%get3A_904, %get3A_905] {strides = array<i32>} : memref<200x128xf32, #tpu.memory_space<vmem>>, vector<1x16xf32>,
        %get3A_907 = vector.shape_cast %get3A_906 : vector<1x16xf32> to vector<16xf32>
        %add3A_908 = arith.addf %add3A_852, %get3A_907 : vector<16xf32>
        %add3A_909 = arith.constant 7 : i32
        %add3A_910 = arith.addi %mul3A_503, %add3A_909 : i32
        %get3A_911 = arith.index_cast %add3A_910 : i32 to index
        %get3A_912 = arith.constant 32 : index
        %get3A_913 = tpu.vector_load %arg9[%get3A_911, %get3A_912] {strides = array<i32>} : memref<200x128xf32, #tpu.memory_space<vmem>>, vector<1x16xf32>,
        %get3A_914 = vector.shape_cast %get3A_913 : vector<1x16xf32> to vector<16xf32>
        %add3A_915 = arith.addf %add3A_859, %get3A_914 : vector<16xf32>
        %add3A_916 = arith.constant 7 : i32
        %add3A_917 = arith.addi %mul3A_503, %add3A_916 : i32
        %get3A_918 = arith.index_cast %add3A_917 : i32 to index
        %get3A_919 = arith.constant 48 : index
        %get3A_920 = tpu.vector_load %arg9[%get3A_918, %get3A_919] {strides = array<i32>} : memref<200x128xf32, #tpu.memory_space<vmem>>, vector<1x16xf32>,
        %get3A_921 = vector.shape_cast %get3A_920 : vector<1x16xf32> to vector<16xf32>
        %add3A_922 = arith.addf %add3A_866, %get3A_921 : vector<16xf32>
        %add3A_923 = arith.constant 7 : i32
        %add3A_924 = arith.addi %mul3A_503, %add3A_923 : i32
        %get3A_925 = arith.index_cast %add3A_924 : i32 to index
        %get3A_926 = arith.constant 64 : index
        %get3A_927 = tpu.vector_load %arg9[%get3A_925, %get3A_926] {strides = array<i32>} : memref<200x128xf32, #tpu.memory_space<vmem>>, vector<1x16xf32>,
        %get3A_928 = vector.shape_cast %get3A_927 : vector<1x16xf32> to vector<16xf32>
        %add3A_929 = arith.addf %add3A_873, %get3A_928 : vector<16xf32>
        %add3A_930 = arith.constant 7 : i32
        %add3A_931 = arith.addi %mul3A_503, %add3A_930 : i32
        %get3A_932 = arith.index_cast %add3A_931 : i32 to index
        %get3A_933 = arith.constant 80 : index
        %get3A_934 = tpu.vector_load %arg9[%get3A_932, %get3A_933] {strides = array<i32>} : memref<200x128xf32, #tpu.memory_space<vmem>>, vector<1x16xf32>,
        %get3A_935 = vector.shape_cast %get3A_934 : vector<1x16xf32> to vector<16xf32>
        %add3A_936 = arith.addf %add3A_880, %get3A_935 : vector<16xf32>
        %add3A_937 = arith.constant 7 : i32
        %add3A_938 = arith.addi %mul3A_503, %add3A_937 : i32
        %get3A_939 = arith.index_cast %add3A_938 : i32 to index
        %get3A_940 = arith.constant 96 : index
        %get3A_941 = tpu.vector_load %arg9[%get3A_939, %get3A_940] {strides = array<i32>} : memref<200x128xf32, #tpu.memory_space<vmem>>, vector<1x16xf32>,
        %get3A_942 = vector.shape_cast %get3A_941 : vector<1x16xf32> to vector<16xf32>
        %add3A_943 = arith.addf %add3A_887, %get3A_942 : vector<16xf32>
        %add3A_944 = arith.constant 7 : i32
        %add3A_945 = arith.addi %mul3A_503, %add3A_944 : i32
        %get3A_946 = arith.index_cast %add3A_945 : i32 to index
        %get3A_947 = arith.constant 112 : index
        %get3A_948 = tpu.vector_load %arg9[%get3A_946, %get3A_947] {strides = array<i32>} : memref<200x128xf32, #tpu.memory_space<vmem>>, vector<1x16xf32>,
        %get3A_949 = vector.shape_cast %get3A_948 : vector<1x16xf32> to vector<16xf32>
        %add3A_950 = arith.addf %add3A_894, %get3A_949 : vector<16xf32>
        scf.yield %add3A_901, %add3A_908, %add3A_915, %add3A_922, %add3A_929, %add3A_936, %add3A_943, %add3A_950 : vector<16xf32>, vector<16xf32>, vector<16xf32>, vector<16xf32>, vector<16xf32>, vector<16xf32>, vector<16xf32>, vector<16xf32>
      }
      %scan3A_352 = arith.constant 25 : i32
      %swap3A_353 = arith.index_cast %add3A_294 : i32 to index
      %swap3A_354 = arith.constant 0 : index
      %swap3A_355 = tpu.vector_load %arg6[%swap3A_353, %swap3A_354] {strides = array<i32>} : memref<32x128xf32, #tpu.memory_space<vmem>>, vector<1x16xf32>,
      %swap3A_356 = vector.shape_cast %swap3A_355 : vector<1x16xf32> to vector<16xf32>
      %swap3A_357 = vector.shape_cast %scan3A_351#0 : vector<16xf32> to vector<1x16xf32>
      tpu.vector_store %arg6[%swap3A_353, %swap3A_354], %swap3A_357 {strides = array<i32>} : memref<32x128xf32, #tpu.memory_space<vmem>>, vector<1x16xf32>,
      %swap3A_358 = arith.index_cast %add3A_294 : i32 to index
      %swap3A_359 = arith.constant 16 : index
      %swap3A_360 = tpu.vector_load %arg6[%swap3A_358, %swap3A_359] {strides = array<i32>} : memref<32x128xf32, #tpu.memory_space<vmem>>, vector<1x16xf32>,
      %swap3A_361 = vector.shape_cast %swap3A_360 : vector<1x16xf32> to vector<16xf32>
      %swap3A_362 = vector.shape_cast %scan3A_351#1 : vector<16xf32> to vector<1x16xf32>
      tpu.vector_store %arg6[%swap3A_358, %swap3A_359], %swap3A_362 {strides = array<i32>} : memref<32x128xf32, #tpu.memory_space<vmem>>, vector<1x16xf32>,
      %swap3A_363 = arith.index_cast %add3A_294 : i32 to index
      %swap3A_364 = arith.constant 32 : index
      %swap3A_365 = tpu.vector_load %arg6[%swap3A_363, %swap3A_364] {strides = array<i32>} : memref<32x128xf32, #tpu.memory_space<vmem>>, vector<1x16xf32>,
      %swap3A_366 = vector.shape_cast %swap3A_365 : vector<1x16xf32> to vector<16xf32>
      %swap3A_367 = vector.shape_cast %scan3A_351#2 : vector<16xf32> to vector<1x16xf32>
      tpu.vector_store %arg6[%swap3A_363, %swap3A_364], %swap3A_367 {strides = array<i32>} : memref<32x128xf32, #tpu.memory_space<vmem>>, vector<1x16xf32>,
      %swap3A_368 = arith.index_cast %add3A_294 : i32 to index
      %swap3A_369 = arith.constant 48 : index
      %swap3A_370 = tpu.vector_load %arg6[%swap3A_368, %swap3A_369] {strides = array<i32>} : memref<32x128xf32, #tpu.memory_space<vmem>>, vector<1x16xf32>,
      %swap3A_371 = vector.shape_cast %swap3A_370 : vector<1x16xf32> to vector<16xf32>
      %swap3A_372 = vector.shape_cast %scan3A_351#3 : vector<16xf32> to vector<1x16xf32>
      tpu.vector_store %arg6[%swap3A_368, %swap3A_369], %swap3A_372 {strides = array<i32>} : memref<32x128xf32, #tpu.memory_space<vmem>>, vector<1x16xf32>,
      %swap3A_373 = arith.index_cast %add3A_294 : i32 to index
      %swap3A_374 = arith.constant 64 : index
      %swap3A_375 = tpu.vector_load %arg6[%swap3A_373, %swap3A_374] {strides = array<i32>} : memref<32x128xf32, #tpu.memory_space<vmem>>, vector<1x16xf32>,
      %swap3A_376 = vector.shape_cast %swap3A_375 : vector<1x16xf32> to vector<16xf32>
      %swap3A_377 = vector.shape_cast %scan3A_351#4 : vector<16xf32> to vector<1x16xf32>
      tpu.vector_store %arg6[%swap3A_373, %swap3A_374], %swap3A_377 {strides = array<i32>} : memref<32x128xf32, #tpu.memory_space<vmem>>, vector<1x16xf32>,
      %swap3A_378 = arith.index_cast %add3A_294 : i32 to index
      %swap3A_379 = arith.constant 80 : index
      %swap3A_380 = tpu.vector_load %arg6[%swap3A_378, %swap3A_379] {strides = array<i32>} : memref<32x128xf32, #tpu.memory_space<vmem>>, vector<1x16xf32>,
      %swap3A_381 = vector.shape_cast %swap3A_380 : vector<1x16xf32> to vector<16xf32>
      %swap3A_382 = vector.shape_cast %scan3A_351#5 : vector<16xf32> to vector<1x16xf32>
      tpu.vector_store %arg6[%swap3A_378, %swap3A_379], %swap3A_382 {strides = array<i32>} : memref<32x128xf32, #tpu.memory_space<vmem>>, vector<1x16xf32>,
      %swap3A_383 = arith.index_cast %add3A_294 : i32 to index
      %swap3A_384 = arith.constant 96 : index
      %swap3A_385 = tpu.vector_load %arg6[%swap3A_383, %swap3A_384] {strides = array<i32>} : memref<32x128xf32, #tpu.memory_space<vmem>>, vector<1x16xf32>,
      %swap3A_386 = vector.shape_cast %swap3A_385 : vector<1x16xf32> to vector<16xf32>
      %swap3A_387 = vector.shape_cast %scan3A_351#6 : vector<16xf32> to vector<1x16xf32>
      tpu.vector_store %arg6[%swap3A_383, %swap3A_384], %swap3A_387 {strides = array<i32>} : memref<32x128xf32, #tpu.memory_space<vmem>>, vector<1x16xf32>,
      %swap3A_388 = arith.index_cast %add3A_294 : i32 to index
      %swap3A_389 = arith.constant 112 : index
      %swap3A_390 = tpu.vector_load %arg6[%swap3A_388, %swap3A_389] {strides = array<i32>} : memref<32x128xf32, #tpu.memory_space<vmem>>, vector<1x16xf32>,
      %swap3A_391 = vector.shape_cast %swap3A_390 : vector<1x16xf32> to vector<16xf32>
      %swap3A_392 = vector.shape_cast %scan3A_351#7 : vector<16xf32> to vector<1x16xf32>
      tpu.vector_store %arg6[%swap3A_388, %swap3A_389], %swap3A_392 {strides = array<i32>} : memref<32x128xf32, #tpu.memory_space<vmem>>, vector<1x16xf32>,
      %add3A_393 = arith.constant 3 : i32
      %add3A_394 = arith.addi %mul3A_99, %add3A_393 : i32
      %add3A_395 = arith.constant 4 : i32
      %add3A_396 = arith.addi %add3A_394, %add3A_395 : i32
      %sub3A_397 = arith.constant 1 : i32
      %sub3A_398 = arith.subi %add3A_396, %sub3A_397 : i32
      %lt3A_399 = arith.constant 32 : i32
      %lt3A_400 = arith.cmpi slt, %sub3A_398, %lt3A_399 : i32
      %convert_element_type3A_401 = arith.extui %lt3A_400 : i1 to i32
      %cond3A_402 = arith.constant 0 : i32
      %cond3A_403 = arith.cmpi ne, %convert_element_type3A_401, %cond3A_402 : i32
      scf.if %cond3A_403 {
        %add3A_493 = arith.constant 4 : i32
        %add3A_494 = arith.addi %add3A_394, %add3A_493 : i32
        %sub3A_495 = arith.constant 1 : i32
        %sub3A_496 = arith.subi %add3A_494, %sub3A_495 : i32
        %dma_start3A_497 = arith.constant 0 : i32
        %dma_start3A_498 = arith.constant 0 : i32
        %dma_start3A_499 = tpu.memref_slice %arg9[%dma_start3A_497, %dma_start3A_498] : memref<200x128xf32, #tpu.memory_space<vmem>> -> memref<64x128xf32, #tpu.memory_space<vmem>>
        %dma_start3A_500 = arith.constant 0 : i32
        %dma_start3A_501 = tpu.memref_slice %arg5[%sub3A_496, %dma_start3A_500] : memref<32x200xi32, #tpu.memory_space<vmem>> -> memref<1x64xi32, #tpu.memory_space<vmem>>
        %dma_start3A_502 = tpu.memref_squeeze %dma_start3A_501 : memref<1x64xi32, #tpu.memory_space<vmem>> -> memref<64xi32, #tpu.memory_space<vmem>>
        %dma_start3A_503 = arith.constant 0 : i32
        %dma_start3A_504 = arith.constant 0 : i32
        %dma_start3A_505 = tpu.memref_slice %arg3[%dma_start3A_503, %dma_start3A_504] : memref<100000x128xf32, #tpu.memory_space<hbm>> -> memref<100000x128xf32, #tpu.memory_space<hbm>>
        tpu.enqueue_indirect_dma source(%dma_start3A_505 : memref<100000x128xf32, #tpu.memory_space<hbm>>) target(%dma_start3A_499 : memref<64x128xf32, #tpu.memory_space<vmem>>) offsets(%dma_start3A_502 : memref<64xi32, #tpu.memory_space<vmem>>) semaphore(%arg13 : memref<!tpu.dma_semaphore, #tpu.memory_space<semaphore_mem>>)
        %dma_start3A_506 = arith.constant 64 : i32
        %dma_start3A_507 = arith.constant 0 : i32
        %dma_start3A_508 = tpu.memref_slice %arg9[%dma_start3A_506, %dma_start3A_507] : memref<200x128xf32, #tpu.memory_space<vmem>> -> memref<64x128xf32, #tpu.memory_space<vmem>>
        %dma_start3A_509 = arith.constant 64 : i32
        %dma_start3A_510 = tpu.memref_slice %arg5[%sub3A_496, %dma_start3A_509] : memref<32x200xi32, #tpu.memory_space<vmem>> -> memref<1x64xi32, #tpu.memory_space<vmem>>
        %dma_start3A_511 = tpu.memref_squeeze %dma_start3A_510 : memref<1x64xi32, #tpu.memory_space<vmem>> -> memref<64xi32, #tpu.memory_space<vmem>>
        %dma_start3A_512 = arith.constant 0 : i32
        %dma_start3A_513 = arith.constant 0 : i32
        %dma_start3A_514 = tpu.memref_slice %arg3[%dma_start3A_512, %dma_start3A_513] : memref<100000x128xf32, #tpu.memory_space<hbm>> -> memref<100000x128xf32, #tpu.memory_space<hbm>>
        tpu.enqueue_indirect_dma source(%dma_start3A_514 : memref<100000x128xf32, #tpu.memory_space<hbm>>) target(%dma_start3A_508 : memref<64x128xf32, #tpu.memory_space<vmem>>) offsets(%dma_start3A_511 : memref<64xi32, #tpu.memory_space<vmem>>) semaphore(%arg13 : memref<!tpu.dma_semaphore, #tpu.memory_space<semaphore_mem>>)
        %dma_start3A_515 = arith.constant 128 : i32
        %dma_start3A_516 = arith.constant 0 : i32
        %dma_start3A_517 = tpu.memref_slice %arg9[%dma_start3A_515, %dma_start3A_516] : memref<200x128xf32, #tpu.memory_space<vmem>> -> memref<72x128xf32, #tpu.memory_space<vmem>>
        %dma_start3A_518 = arith.constant 128 : i32
        %dma_start3A_519 = tpu.memref_slice %arg5[%sub3A_496, %dma_start3A_518] : memref<32x200xi32, #tpu.memory_space<vmem>> -> memref<1x72xi32, #tpu.memory_space<vmem>>
        %dma_start3A_520 = tpu.memref_squeeze %dma_start3A_519 : memref<1x72xi32, #tpu.memory_space<vmem>> -> memref<72xi32, #tpu.memory_space<vmem>>
        %dma_start3A_521 = arith.constant 0 : i32
        %dma_start3A_522 = arith.constant 0 : i32
        %dma_start3A_523 = tpu.memref_slice %arg3[%dma_start3A_521, %dma_start3A_522] : memref<100000x128xf32, #tpu.memory_space<hbm>> -> memref<100000x128xf32, #tpu.memory_space<hbm>>
        tpu.enqueue_indirect_dma source(%dma_start3A_523 : memref<100000x128xf32, #tpu.memory_space<hbm>>) target(%dma_start3A_517 : memref<72x128xf32, #tpu.memory_space<vmem>>) offsets(%dma_start3A_520 : memref<72xi32, #tpu.memory_space<vmem>>) semaphore(%arg13 : memref<!tpu.dma_semaphore, #tpu.memory_space<semaphore_mem>>)
      } else {
      }
      %dma_wait3A_404 = arith.constant 0 : i32
      %dma_wait3A_405 = arith.constant 0 : i32
      %dma_wait3A_406 = tpu.memref_slice %arg10[%dma_wait3A_404, %dma_wait3A_405] : memref<200x128xf32, #tpu.memory_space<vmem>> -> memref<64x128xf32, #tpu.memory_space<vmem>>
      %dma_wait3A_407 = arith.constant 0 : i32
      %dma_wait3A_408 = tpu.memref_slice %arg5[%add3A_394, %dma_wait3A_407] : memref<32x200xi32, #tpu.memory_space<vmem>> -> memref<1x64xi32, #tpu.memory_space<vmem>>
      %dma_wait3A_409 = tpu.memref_squeeze %dma_wait3A_408 : memref<1x64xi32, #tpu.memory_space<vmem>> -> memref<64xi32, #tpu.memory_space<vmem>>
      %dma_wait3A_410 = arith.constant 0 : i32
      %dma_wait3A_411 = arith.constant 0 : i32
      %dma_wait3A_412 = tpu.memref_slice %arg3[%dma_wait3A_410, %dma_wait3A_411] : memref<100000x128xf32, #tpu.memory_space<hbm>> -> memref<100000x128xf32, #tpu.memory_space<hbm>>
      tpu.wait_indirect_dma semaphore(%arg14 : memref<!tpu.dma_semaphore, #tpu.memory_space<semaphore_mem>>) src(%dma_wait3A_412 : memref<100000x128xf32, #tpu.memory_space<hbm>>) dst(%dma_wait3A_406 : memref<64x128xf32, #tpu.memory_space<vmem>>)
      %dma_wait3A_413 = arith.constant 64 : i32
      %dma_wait3A_414 = arith.constant 0 : i32
      %dma_wait3A_415 = tpu.memref_slice %arg10[%dma_wait3A_413, %dma_wait3A_414] : memref<200x128xf32, #tpu.memory_space<vmem>> -> memref<64x128xf32, #tpu.memory_space<vmem>>
      %dma_wait3A_416 = arith.constant 64 : i32
      %dma_wait3A_417 = tpu.memref_slice %arg5[%add3A_394, %dma_wait3A_416] : memref<32x200xi32, #tpu.memory_space<vmem>> -> memref<1x64xi32, #tpu.memory_space<vmem>>
      %dma_wait3A_418 = tpu.memref_squeeze %dma_wait3A_417 : memref<1x64xi32, #tpu.memory_space<vmem>> -> memref<64xi32, #tpu.memory_space<vmem>>
      %dma_wait3A_419 = arith.constant 0 : i32
      %dma_wait3A_420 = arith.constant 0 : i32
      %dma_wait3A_421 = tpu.memref_slice %arg3[%dma_wait3A_419, %dma_wait3A_420] : memref<100000x128xf32, #tpu.memory_space<hbm>> -> memref<100000x128xf32, #tpu.memory_space<hbm>>
      tpu.wait_indirect_dma semaphore(%arg14 : memref<!tpu.dma_semaphore, #tpu.memory_space<semaphore_mem>>) src(%dma_wait3A_421 : memref<100000x128xf32, #tpu.memory_space<hbm>>) dst(%dma_wait3A_415 : memref<64x128xf32, #tpu.memory_space<vmem>>)
      %dma_wait3A_422 = arith.constant 128 : i32
      %dma_wait3A_423 = arith.constant 0 : i32
      %dma_wait3A_424 = tpu.memref_slice %arg10[%dma_wait3A_422, %dma_wait3A_423] : memref<200x128xf32, #tpu.memory_space<vmem>> -> memref<72x128xf32, #tpu.memory_space<vmem>>
      %dma_wait3A_425 = arith.constant 128 : i32
      %dma_wait3A_426 = tpu.memref_slice %arg5[%add3A_394, %dma_wait3A_425] : memref<32x200xi32, #tpu.memory_space<vmem>> -> memref<1x72xi32, #tpu.memory_space<vmem>>
      %dma_wait3A_427 = tpu.memref_squeeze %dma_wait3A_426 : memref<1x72xi32, #tpu.memory_space<vmem>> -> memref<72xi32, #tpu.memory_space<vmem>>
      %dma_wait3A_428 = arith.constant 0 : i32
      %dma_wait3A_429 = arith.constant 0 : i32
      %dma_wait3A_430 = tpu.memref_slice %arg3[%dma_wait3A_428, %dma_wait3A_429] : memref<100000x128xf32, #tpu.memory_space<hbm>> -> memref<100000x128xf32, #tpu.memory_space<hbm>>
      tpu.wait_indirect_dma semaphore(%arg14 : memref<!tpu.dma_semaphore, #tpu.memory_space<semaphore_mem>>) src(%dma_wait3A_430 : memref<100000x128xf32, #tpu.memory_space<hbm>>) dst(%dma_wait3A_424 : memref<72x128xf32, #tpu.memory_space<vmem>>)
      %broadcast_in_dim3A_431 = arith.constant 0.000000e+00 : f32
      %broadcast_in_dim3A_432 = vector.broadcast %broadcast_in_dim3A_431 : f32 to vector<16xf32>
      %broadcast_in_dim3A_433 = arith.constant 0.000000e+00 : f32
      %broadcast_in_dim3A_434 = vector.broadcast %broadcast_in_dim3A_433 : f32 to vector<16xf32>
      %broadcast_in_dim3A_435 = arith.constant 0.000000e+00 : f32
      %broadcast_in_dim3A_436 = vector.broadcast %broadcast_in_dim3A_435 : f32 to vector<16xf32>
      %broadcast_in_dim3A_437 = arith.constant 0.000000e+00 : f32
      %broadcast_in_dim3A_438 = vector.broadcast %broadcast_in_dim3A_437 : f32 to vector<16xf32>
      %broadcast_in_dim3A_439 = arith.constant 0.000000e+00 : f32
      %broadcast_in_dim3A_440 = vector.broadcast %broadcast_in_dim3A_439 : f32 to vector<16xf32>
      %broadcast_in_dim3A_441 = arith.constant 0.000000e+00 : f32
      %broadcast_in_dim3A_442 = vector.broadcast %broadcast_in_dim3A_441 : f32 to vector<16xf32>
      %broadcast_in_dim3A_443 = arith.constant 0.000000e+00 : f32
      %broadcast_in_dim3A_444 = vector.broadcast %broadcast_in_dim3A_443 : f32 to vector<16xf32>
      %broadcast_in_dim3A_445 = arith.constant 0.000000e+00 : f32
      %broadcast_in_dim3A_446 = vector.broadcast %broadcast_in_dim3A_445 : f32 to vector<16xf32>
      %scan3A_447 = arith.constant 0 : i32
      %scan3A_448 = arith.constant 25 : i32
      %scan3A_449 = arith.addi %scan3A_447, %scan3A_448 : i32
      %scan3A_450 = arith.constant 1 : i32
      %scan3A_451:8 = scf.for %scan3A_493 = %scan3A_447 to %scan3A_449 step %scan3A_450 iter_args(%scan3A_494 = %broadcast_in_dim3A_432, %scan3A_495 = %broadcast_in_dim3A_434, %scan3A_496 = %broadcast_in_dim3A_436, %scan3A_497 = %broadcast_in_dim3A_438, %scan3A_498 = %broadcast_in_dim3A_440, %scan3A_499 = %broadcast_in_dim3A_442, %scan3A_500 = %broadcast_in_dim3A_444, %scan3A_501 = %broadcast_in_dim3A_446) -> (vector<16xf32>, vector<16xf32>, vector<16xf32>, vector<16xf32>, vector<16xf32>, vector<16xf32>, vector<16xf32>, vector<16xf32>)  : i32 {
        %mul3A_502 = arith.constant 8 : i32
        %mul3A_503 = arith.muli %scan3A_493, %mul3A_502 : i32
        %add3A_504 = arith.constant 0 : i32
        %add3A_505 = arith.addi %mul3A_503, %add3A_504 : i32
        %get3A = arith.index_cast %add3A_505 : i32 to index
        %get3A_506 = arith.constant 0 : index
        %get3A_507 = tpu.vector_load %arg10[%get3A, %get3A_506] {strides = array<i32>} : memref<200x128xf32, #tpu.memory_space<vmem>>, vector<1x16xf32>,
        %get3A_508 = vector.shape_cast %get3A_507 : vector<1x16xf32> to vector<16xf32>
        %add3A_509 = arith.addf %scan3A_494, %get3A_508 : vector<16xf32>
        %add3A_510 = arith.constant 0 : i32
        %add3A_511 = arith.addi %mul3A_503, %add3A_510 : i32
        %get3A_512 = arith.index_cast %add3A_511 : i32 to index
        %get3A_513 = arith.constant 16 : index
        %get3A_514 = tpu.vector_load %arg10[%get3A_512, %get3A_513] {strides = array<i32>} : memref<200x128xf32, #tpu.memory_space<vmem>>, vector<1x16xf32>,
        %get3A_515 = vector.shape_cast %get3A_514 : vector<1x16xf32> to vector<16xf32>
        %add3A_516 = arith.addf %scan3A_495, %get3A_515 : vector<16xf32>
        %add3A_517 = arith.constant 0 : i32
        %add3A_518 = arith.addi %mul3A_503, %add3A_517 : i32
        %get3A_519 = arith.index_cast %add3A_518 : i32 to index
        %get3A_520 = arith.constant 32 : index
        %get3A_521 = tpu.vector_load %arg10[%get3A_519, %get3A_520] {strides = array<i32>} : memref<200x128xf32, #tpu.memory_space<vmem>>, vector<1x16xf32>,
        %get3A_522 = vector.shape_cast %get3A_521 : vector<1x16xf32> to vector<16xf32>
        %add3A_523 = arith.addf %scan3A_496, %get3A_522 : vector<16xf32>
        %add3A_524 = arith.constant 0 : i32
        %add3A_525 = arith.addi %mul3A_503, %add3A_524 : i32
        %get3A_526 = arith.index_cast %add3A_525 : i32 to index
        %get3A_527 = arith.constant 48 : index
        %get3A_528 = tpu.vector_load %arg10[%get3A_526, %get3A_527] {strides = array<i32>} : memref<200x128xf32, #tpu.memory_space<vmem>>, vector<1x16xf32>,
        %get3A_529 = vector.shape_cast %get3A_528 : vector<1x16xf32> to vector<16xf32>
        %add3A_530 = arith.addf %scan3A_497, %get3A_529 : vector<16xf32>
        %add3A_531 = arith.constant 0 : i32
        %add3A_532 = arith.addi %mul3A_503, %add3A_531 : i32
        %get3A_533 = arith.index_cast %add3A_532 : i32 to index
        %get3A_534 = arith.constant 64 : index
        %get3A_535 = tpu.vector_load %arg10[%get3A_533, %get3A_534] {strides = array<i32>} : memref<200x128xf32, #tpu.memory_space<vmem>>, vector<1x16xf32>,
        %get3A_536 = vector.shape_cast %get3A_535 : vector<1x16xf32> to vector<16xf32>
        %add3A_537 = arith.addf %scan3A_498, %get3A_536 : vector<16xf32>
        %add3A_538 = arith.constant 0 : i32
        %add3A_539 = arith.addi %mul3A_503, %add3A_538 : i32
        %get3A_540 = arith.index_cast %add3A_539 : i32 to index
        %get3A_541 = arith.constant 80 : index
        %get3A_542 = tpu.vector_load %arg10[%get3A_540, %get3A_541] {strides = array<i32>} : memref<200x128xf32, #tpu.memory_space<vmem>>, vector<1x16xf32>,
        %get3A_543 = vector.shape_cast %get3A_542 : vector<1x16xf32> to vector<16xf32>
        %add3A_544 = arith.addf %scan3A_499, %get3A_543 : vector<16xf32>
        %add3A_545 = arith.constant 0 : i32
        %add3A_546 = arith.addi %mul3A_503, %add3A_545 : i32
        %get3A_547 = arith.index_cast %add3A_546 : i32 to index
        %get3A_548 = arith.constant 96 : index
        %get3A_549 = tpu.vector_load %arg10[%get3A_547, %get3A_548] {strides = array<i32>} : memref<200x128xf32, #tpu.memory_space<vmem>>, vector<1x16xf32>,
        %get3A_550 = vector.shape_cast %get3A_549 : vector<1x16xf32> to vector<16xf32>
        %add3A_551 = arith.addf %scan3A_500, %get3A_550 : vector<16xf32>
        %add3A_552 = arith.constant 0 : i32
        %add3A_553 = arith.addi %mul3A_503, %add3A_552 : i32
        %get3A_554 = arith.index_cast %add3A_553 : i32 to index
        %get3A_555 = arith.constant 112 : index
        %get3A_556 = tpu.vector_load %arg10[%get3A_554, %get3A_555] {strides = array<i32>} : memref<200x128xf32, #tpu.memory_space<vmem>>, vector<1x16xf32>,
        %get3A_557 = vector.shape_cast %get3A_556 : vector<1x16xf32> to vector<16xf32>
        %add3A_558 = arith.addf %scan3A_501, %get3A_557 : vector<16xf32>
        %add3A_559 = arith.constant 1 : i32
        %add3A_560 = arith.addi %mul3A_503, %add3A_559 : i32
        %get3A_561 = arith.index_cast %add3A_560 : i32 to index
        %get3A_562 = arith.constant 0 : index
        %get3A_563 = tpu.vector_load %arg10[%get3A_561, %get3A_562] {strides = array<i32>} : memref<200x128xf32, #tpu.memory_space<vmem>>, vector<1x16xf32>,
        %get3A_564 = vector.shape_cast %get3A_563 : vector<1x16xf32> to vector<16xf32>
        %add3A_565 = arith.addf %add3A_509, %get3A_564 : vector<16xf32>
        %add3A_566 = arith.constant 1 : i32
        %add3A_567 = arith.addi %mul3A_503, %add3A_566 : i32
        %get3A_568 = arith.index_cast %add3A_567 : i32 to index
        %get3A_569 = arith.constant 16 : index
        %get3A_570 = tpu.vector_load %arg10[%get3A_568, %get3A_569] {strides = array<i32>} : memref<200x128xf32, #tpu.memory_space<vmem>>, vector<1x16xf32>,
        %get3A_571 = vector.shape_cast %get3A_570 : vector<1x16xf32> to vector<16xf32>
        %add3A_572 = arith.addf %add3A_516, %get3A_571 : vector<16xf32>
        %add3A_573 = arith.constant 1 : i32
        %add3A_574 = arith.addi %mul3A_503, %add3A_573 : i32
        %get3A_575 = arith.index_cast %add3A_574 : i32 to index
        %get3A_576 = arith.constant 32 : index
        %get3A_577 = tpu.vector_load %arg10[%get3A_575, %get3A_576] {strides = array<i32>} : memref<200x128xf32, #tpu.memory_space<vmem>>, vector<1x16xf32>,
        %get3A_578 = vector.shape_cast %get3A_577 : vector<1x16xf32> to vector<16xf32>
        %add3A_579 = arith.addf %add3A_523, %get3A_578 : vector<16xf32>
        %add3A_580 = arith.constant 1 : i32
        %add3A_581 = arith.addi %mul3A_503, %add3A_580 : i32
        %get3A_582 = arith.index_cast %add3A_581 : i32 to index
        %get3A_583 = arith.constant 48 : index
        %get3A_584 = tpu.vector_load %arg10[%get3A_582, %get3A_583] {strides = array<i32>} : memref<200x128xf32, #tpu.memory_space<vmem>>, vector<1x16xf32>,
        %get3A_585 = vector.shape_cast %get3A_584 : vector<1x16xf32> to vector<16xf32>
        %add3A_586 = arith.addf %add3A_530, %get3A_585 : vector<16xf32>
        %add3A_587 = arith.constant 1 : i32
        %add3A_588 = arith.addi %mul3A_503, %add3A_587 : i32
        %get3A_589 = arith.index_cast %add3A_588 : i32 to index
        %get3A_590 = arith.constant 64 : index
        %get3A_591 = tpu.vector_load %arg10[%get3A_589, %get3A_590] {strides = array<i32>} : memref<200x128xf32, #tpu.memory_space<vmem>>, vector<1x16xf32>,
        %get3A_592 = vector.shape_cast %get3A_591 : vector<1x16xf32> to vector<16xf32>
        %add3A_593 = arith.addf %add3A_537, %get3A_592 : vector<16xf32>
        %add3A_594 = arith.constant 1 : i32
        %add3A_595 = arith.addi %mul3A_503, %add3A_594 : i32
        %get3A_596 = arith.index_cast %add3A_595 : i32 to index
        %get3A_597 = arith.constant 80 : index
        %get3A_598 = tpu.vector_load %arg10[%get3A_596, %get3A_597] {strides = array<i32>} : memref<200x128xf32, #tpu.memory_space<vmem>>, vector<1x16xf32>,
        %get3A_599 = vector.shape_cast %get3A_598 : vector<1x16xf32> to vector<16xf32>
        %add3A_600 = arith.addf %add3A_544, %get3A_599 : vector<16xf32>
        %add3A_601 = arith.constant 1 : i32
        %add3A_602 = arith.addi %mul3A_503, %add3A_601 : i32
        %get3A_603 = arith.index_cast %add3A_602 : i32 to index
        %get3A_604 = arith.constant 96 : index
        %get3A_605 = tpu.vector_load %arg10[%get3A_603, %get3A_604] {strides = array<i32>} : memref<200x128xf32, #tpu.memory_space<vmem>>, vector<1x16xf32>,
        %get3A_606 = vector.shape_cast %get3A_605 : vector<1x16xf32> to vector<16xf32>
        %add3A_607 = arith.addf %add3A_551, %get3A_606 : vector<16xf32>
        %add3A_608 = arith.constant 1 : i32
        %add3A_609 = arith.addi %mul3A_503, %add3A_608 : i32
        %get3A_610 = arith.index_cast %add3A_609 : i32 to index
        %get3A_611 = arith.constant 112 : index
        %get3A_612 = tpu.vector_load %arg10[%get3A_610, %get3A_611] {strides = array<i32>} : memref<200x128xf32, #tpu.memory_space<vmem>>, vector<1x16xf32>,
        %get3A_613 = vector.shape_cast %get3A_612 : vector<1x16xf32> to vector<16xf32>
        %add3A_614 = arith.addf %add3A_558, %get3A_613 : vector<16xf32>
        %add3A_615 = arith.constant 2 : i32
        %add3A_616 = arith.addi %mul3A_503, %add3A_615 : i32
        %get3A_617 = arith.index_cast %add3A_616 : i32 to index
        %get3A_618 = arith.constant 0 : index
        %get3A_619 = tpu.vector_load %arg10[%get3A_617, %get3A_618] {strides = array<i32>} : memref<200x128xf32, #tpu.memory_space<vmem>>, vector<1x16xf32>,
        %get3A_620 = vector.shape_cast %get3A_619 : vector<1x16xf32> to vector<16xf32>
        %add3A_621 = arith.addf %add3A_565, %get3A_620 : vector<16xf32>
        %add3A_622 = arith.constant 2 : i32
        %add3A_623 = arith.addi %mul3A_503, %add3A_622 : i32
        %get3A_624 = arith.index_cast %add3A_623 : i32 to index
        %get3A_625 = arith.constant 16 : index
        %get3A_626 = tpu.vector_load %arg10[%get3A_624, %get3A_625] {strides = array<i32>} : memref<200x128xf32, #tpu.memory_space<vmem>>, vector<1x16xf32>,
        %get3A_627 = vector.shape_cast %get3A_626 : vector<1x16xf32> to vector<16xf32>
        %add3A_628 = arith.addf %add3A_572, %get3A_627 : vector<16xf32>
        %add3A_629 = arith.constant 2 : i32
        %add3A_630 = arith.addi %mul3A_503, %add3A_629 : i32
        %get3A_631 = arith.index_cast %add3A_630 : i32 to index
        %get3A_632 = arith.constant 32 : index
        %get3A_633 = tpu.vector_load %arg10[%get3A_631, %get3A_632] {strides = array<i32>} : memref<200x128xf32, #tpu.memory_space<vmem>>, vector<1x16xf32>,
        %get3A_634 = vector.shape_cast %get3A_633 : vector<1x16xf32> to vector<16xf32>
        %add3A_635 = arith.addf %add3A_579, %get3A_634 : vector<16xf32>
        %add3A_636 = arith.constant 2 : i32
        %add3A_637 = arith.addi %mul3A_503, %add3A_636 : i32
        %get3A_638 = arith.index_cast %add3A_637 : i32 to index
        %get3A_639 = arith.constant 48 : index
        %get3A_640 = tpu.vector_load %arg10[%get3A_638, %get3A_639] {strides = array<i32>} : memref<200x128xf32, #tpu.memory_space<vmem>>, vector<1x16xf32>,
        %get3A_641 = vector.shape_cast %get3A_640 : vector<1x16xf32> to vector<16xf32>
        %add3A_642 = arith.addf %add3A_586, %get3A_641 : vector<16xf32>
        %add3A_643 = arith.constant 2 : i32
        %add3A_644 = arith.addi %mul3A_503, %add3A_643 : i32
        %get3A_645 = arith.index_cast %add3A_644 : i32 to index
        %get3A_646 = arith.constant 64 : index
        %get3A_647 = tpu.vector_load %arg10[%get3A_645, %get3A_646] {strides = array<i32>} : memref<200x128xf32, #tpu.memory_space<vmem>>, vector<1x16xf32>,
        %get3A_648 = vector.shape_cast %get3A_647 : vector<1x16xf32> to vector<16xf32>
        %add3A_649 = arith.addf %add3A_593, %get3A_648 : vector<16xf32>
        %add3A_650 = arith.constant 2 : i32
        %add3A_651 = arith.addi %mul3A_503, %add3A_650 : i32
        %get3A_652 = arith.index_cast %add3A_651 : i32 to index
        %get3A_653 = arith.constant 80 : index
        %get3A_654 = tpu.vector_load %arg10[%get3A_652, %get3A_653] {strides = array<i32>} : memref<200x128xf32, #tpu.memory_space<vmem>>, vector<1x16xf32>,
        %get3A_655 = vector.shape_cast %get3A_654 : vector<1x16xf32> to vector<16xf32>
        %add3A_656 = arith.addf %add3A_600, %get3A_655 : vector<16xf32>
        %add3A_657 = arith.constant 2 : i32
        %add3A_658 = arith.addi %mul3A_503, %add3A_657 : i32
        %get3A_659 = arith.index_cast %add3A_658 : i32 to index
        %get3A_660 = arith.constant 96 : index
        %get3A_661 = tpu.vector_load %arg10[%get3A_659, %get3A_660] {strides = array<i32>} : memref<200x128xf32, #tpu.memory_space<vmem>>, vector<1x16xf32>,
        %get3A_662 = vector.shape_cast %get3A_661 : vector<1x16xf32> to vector<16xf32>
        %add3A_663 = arith.addf %add3A_607, %get3A_662 : vector<16xf32>
        %add3A_664 = arith.constant 2 : i32
        %add3A_665 = arith.addi %mul3A_503, %add3A_664 : i32
        %get3A_666 = arith.index_cast %add3A_665 : i32 to index
        %get3A_667 = arith.constant 112 : index
        %get3A_668 = tpu.vector_load %arg10[%get3A_666, %get3A_667] {strides = array<i32>} : memref<200x128xf32, #tpu.memory_space<vmem>>, vector<1x16xf32>,
        %get3A_669 = vector.shape_cast %get3A_668 : vector<1x16xf32> to vector<16xf32>
        %add3A_670 = arith.addf %add3A_614, %get3A_669 : vector<16xf32>
        %add3A_671 = arith.constant 3 : i32
        %add3A_672 = arith.addi %mul3A_503, %add3A_671 : i32
        %get3A_673 = arith.index_cast %add3A_672 : i32 to index
        %get3A_674 = arith.constant 0 : index
        %get3A_675 = tpu.vector_load %arg10[%get3A_673, %get3A_674] {strides = array<i32>} : memref<200x128xf32, #tpu.memory_space<vmem>>, vector<1x16xf32>,
        %get3A_676 = vector.shape_cast %get3A_675 : vector<1x16xf32> to vector<16xf32>
        %add3A_677 = arith.addf %add3A_621, %get3A_676 : vector<16xf32>
        %add3A_678 = arith.constant 3 : i32
        %add3A_679 = arith.addi %mul3A_503, %add3A_678 : i32
        %get3A_680 = arith.index_cast %add3A_679 : i32 to index
        %get3A_681 = arith.constant 16 : index
        %get3A_682 = tpu.vector_load %arg10[%get3A_680, %get3A_681] {strides = array<i32>} : memref<200x128xf32, #tpu.memory_space<vmem>>, vector<1x16xf32>,
        %get3A_683 = vector.shape_cast %get3A_682 : vector<1x16xf32> to vector<16xf32>
        %add3A_684 = arith.addf %add3A_628, %get3A_683 : vector<16xf32>
        %add3A_685 = arith.constant 3 : i32
        %add3A_686 = arith.addi %mul3A_503, %add3A_685 : i32
        %get3A_687 = arith.index_cast %add3A_686 : i32 to index
        %get3A_688 = arith.constant 32 : index
        %get3A_689 = tpu.vector_load %arg10[%get3A_687, %get3A_688] {strides = array<i32>} : memref<200x128xf32, #tpu.memory_space<vmem>>, vector<1x16xf32>,
        %get3A_690 = vector.shape_cast %get3A_689 : vector<1x16xf32> to vector<16xf32>
        %add3A_691 = arith.addf %add3A_635, %get3A_690 : vector<16xf32>
        %add3A_692 = arith.constant 3 : i32
        %add3A_693 = arith.addi %mul3A_503, %add3A_692 : i32
        %get3A_694 = arith.index_cast %add3A_693 : i32 to index
        %get3A_695 = arith.constant 48 : index
        %get3A_696 = tpu.vector_load %arg10[%get3A_694, %get3A_695] {strides = array<i32>} : memref<200x128xf32, #tpu.memory_space<vmem>>, vector<1x16xf32>,
        %get3A_697 = vector.shape_cast %get3A_696 : vector<1x16xf32> to vector<16xf32>
        %add3A_698 = arith.addf %add3A_642, %get3A_697 : vector<16xf32>
        %add3A_699 = arith.constant 3 : i32
        %add3A_700 = arith.addi %mul3A_503, %add3A_699 : i32
        %get3A_701 = arith.index_cast %add3A_700 : i32 to index
        %get3A_702 = arith.constant 64 : index
        %get3A_703 = tpu.vector_load %arg10[%get3A_701, %get3A_702] {strides = array<i32>} : memref<200x128xf32, #tpu.memory_space<vmem>>, vector<1x16xf32>,
        %get3A_704 = vector.shape_cast %get3A_703 : vector<1x16xf32> to vector<16xf32>
        %add3A_705 = arith.addf %add3A_649, %get3A_704 : vector<16xf32>
        %add3A_706 = arith.constant 3 : i32
        %add3A_707 = arith.addi %mul3A_503, %add3A_706 : i32
        %get3A_708 = arith.index_cast %add3A_707 : i32 to index
        %get3A_709 = arith.constant 80 : index
        %get3A_710 = tpu.vector_load %arg10[%get3A_708, %get3A_709] {strides = array<i32>} : memref<200x128xf32, #tpu.memory_space<vmem>>, vector<1x16xf32>,
        %get3A_711 = vector.shape_cast %get3A_710 : vector<1x16xf32> to vector<16xf32>
        %add3A_712 = arith.addf %add3A_656, %get3A_711 : vector<16xf32>
        %add3A_713 = arith.constant 3 : i32
        %add3A_714 = arith.addi %mul3A_503, %add3A_713 : i32
        %get3A_715 = arith.index_cast %add3A_714 : i32 to index
        %get3A_716 = arith.constant 96 : index
        %get3A_717 = tpu.vector_load %arg10[%get3A_715, %get3A_716] {strides = array<i32>} : memref<200x128xf32, #tpu.memory_space<vmem>>, vector<1x16xf32>,
        %get3A_718 = vector.shape_cast %get3A_717 : vector<1x16xf32> to vector<16xf32>
        %add3A_719 = arith.addf %add3A_663, %get3A_718 : vector<16xf32>
        %add3A_720 = arith.constant 3 : i32
        %add3A_721 = arith.addi %mul3A_503, %add3A_720 : i32
        %get3A_722 = arith.index_cast %add3A_721 : i32 to index
        %get3A_723 = arith.constant 112 : index
        %get3A_724 = tpu.vector_load %arg10[%get3A_722, %get3A_723] {strides = array<i32>} : memref<200x128xf32, #tpu.memory_space<vmem>>, vector<1x16xf32>,
        %get3A_725 = vector.shape_cast %get3A_724 : vector<1x16xf32> to vector<16xf32>
        %add3A_726 = arith.addf %add3A_670, %get3A_725 : vector<16xf32>
        %add3A_727 = arith.constant 4 : i32
        %add3A_728 = arith.addi %mul3A_503, %add3A_727 : i32
        %get3A_729 = arith.index_cast %add3A_728 : i32 to index
        %get3A_730 = arith.constant 0 : index
        %get3A_731 = tpu.vector_load %arg10[%get3A_729, %get3A_730] {strides = array<i32>} : memref<200x128xf32, #tpu.memory_space<vmem>>, vector<1x16xf32>,
        %get3A_732 = vector.shape_cast %get3A_731 : vector<1x16xf32> to vector<16xf32>
        %add3A_733 = arith.addf %add3A_677, %get3A_732 : vector<16xf32>
        %add3A_734 = arith.constant 4 : i32
        %add3A_735 = arith.addi %mul3A_503, %add3A_734 : i32
        %get3A_736 = arith.index_cast %add3A_735 : i32 to index
        %get3A_737 = arith.constant 16 : index
        %get3A_738 = tpu.vector_load %arg10[%get3A_736, %get3A_737] {strides = array<i32>} : memref<200x128xf32, #tpu.memory_space<vmem>>, vector<1x16xf32>,
        %get3A_739 = vector.shape_cast %get3A_738 : vector<1x16xf32> to vector<16xf32>
        %add3A_740 = arith.addf %add3A_684, %get3A_739 : vector<16xf32>
        %add3A_741 = arith.constant 4 : i32
        %add3A_742 = arith.addi %mul3A_503, %add3A_741 : i32
        %get3A_743 = arith.index_cast %add3A_742 : i32 to index
        %get3A_744 = arith.constant 32 : index
        %get3A_745 = tpu.vector_load %arg10[%get3A_743, %get3A_744] {strides = array<i32>} : memref<200x128xf32, #tpu.memory_space<vmem>>, vector<1x16xf32>,
        %get3A_746 = vector.shape_cast %get3A_745 : vector<1x16xf32> to vector<16xf32>
        %add3A_747 = arith.addf %add3A_691, %get3A_746 : vector<16xf32>
        %add3A_748 = arith.constant 4 : i32
        %add3A_749 = arith.addi %mul3A_503, %add3A_748 : i32
        %get3A_750 = arith.index_cast %add3A_749 : i32 to index
        %get3A_751 = arith.constant 48 : index
        %get3A_752 = tpu.vector_load %arg10[%get3A_750, %get3A_751] {strides = array<i32>} : memref<200x128xf32, #tpu.memory_space<vmem>>, vector<1x16xf32>,
        %get3A_753 = vector.shape_cast %get3A_752 : vector<1x16xf32> to vector<16xf32>
        %add3A_754 = arith.addf %add3A_698, %get3A_753 : vector<16xf32>
        %add3A_755 = arith.constant 4 : i32
        %add3A_756 = arith.addi %mul3A_503, %add3A_755 : i32
        %get3A_757 = arith.index_cast %add3A_756 : i32 to index
        %get3A_758 = arith.constant 64 : index
        %get3A_759 = tpu.vector_load %arg10[%get3A_757, %get3A_758] {strides = array<i32>} : memref<200x128xf32, #tpu.memory_space<vmem>>, vector<1x16xf32>,
        %get3A_760 = vector.shape_cast %get3A_759 : vector<1x16xf32> to vector<16xf32>
        %add3A_761 = arith.addf %add3A_705, %get3A_760 : vector<16xf32>
        %add3A_762 = arith.constant 4 : i32
        %add3A_763 = arith.addi %mul3A_503, %add3A_762 : i32
        %get3A_764 = arith.index_cast %add3A_763 : i32 to index
        %get3A_765 = arith.constant 80 : index
        %get3A_766 = tpu.vector_load %arg10[%get3A_764, %get3A_765] {strides = array<i32>} : memref<200x128xf32, #tpu.memory_space<vmem>>, vector<1x16xf32>,
        %get3A_767 = vector.shape_cast %get3A_766 : vector<1x16xf32> to vector<16xf32>
        %add3A_768 = arith.addf %add3A_712, %get3A_767 : vector<16xf32>
        %add3A_769 = arith.constant 4 : i32
        %add3A_770 = arith.addi %mul3A_503, %add3A_769 : i32
        %get3A_771 = arith.index_cast %add3A_770 : i32 to index
        %get3A_772 = arith.constant 96 : index
        %get3A_773 = tpu.vector_load %arg10[%get3A_771, %get3A_772] {strides = array<i32>} : memref<200x128xf32, #tpu.memory_space<vmem>>, vector<1x16xf32>,
        %get3A_774 = vector.shape_cast %get3A_773 : vector<1x16xf32> to vector<16xf32>
        %add3A_775 = arith.addf %add3A_719, %get3A_774 : vector<16xf32>
        %add3A_776 = arith.constant 4 : i32
        %add3A_777 = arith.addi %mul3A_503, %add3A_776 : i32
        %get3A_778 = arith.index_cast %add3A_777 : i32 to index
        %get3A_779 = arith.constant 112 : index
        %get3A_780 = tpu.vector_load %arg10[%get3A_778, %get3A_779] {strides = array<i32>} : memref<200x128xf32, #tpu.memory_space<vmem>>, vector<1x16xf32>,
        %get3A_781 = vector.shape_cast %get3A_780 : vector<1x16xf32> to vector<16xf32>
        %add3A_782 = arith.addf %add3A_726, %get3A_781 : vector<16xf32>
        %add3A_783 = arith.constant 5 : i32
        %add3A_784 = arith.addi %mul3A_503, %add3A_783 : i32
        %get3A_785 = arith.index_cast %add3A_784 : i32 to index
        %get3A_786 = arith.constant 0 : index
        %get3A_787 = tpu.vector_load %arg10[%get3A_785, %get3A_786] {strides = array<i32>} : memref<200x128xf32, #tpu.memory_space<vmem>>, vector<1x16xf32>,
        %get3A_788 = vector.shape_cast %get3A_787 : vector<1x16xf32> to vector<16xf32>
        %add3A_789 = arith.addf %add3A_733, %get3A_788 : vector<16xf32>
        %add3A_790 = arith.constant 5 : i32
        %add3A_791 = arith.addi %mul3A_503, %add3A_790 : i32
        %get3A_792 = arith.index_cast %add3A_791 : i32 to index
        %get3A_793 = arith.constant 16 : index
        %get3A_794 = tpu.vector_load %arg10[%get3A_792, %get3A_793] {strides = array<i32>} : memref<200x128xf32, #tpu.memory_space<vmem>>, vector<1x16xf32>,
        %get3A_795 = vector.shape_cast %get3A_794 : vector<1x16xf32> to vector<16xf32>
        %add3A_796 = arith.addf %add3A_740, %get3A_795 : vector<16xf32>
        %add3A_797 = arith.constant 5 : i32
        %add3A_798 = arith.addi %mul3A_503, %add3A_797 : i32
        %get3A_799 = arith.index_cast %add3A_798 : i32 to index
        %get3A_800 = arith.constant 32 : index
        %get3A_801 = tpu.vector_load %arg10[%get3A_799, %get3A_800] {strides = array<i32>} : memref<200x128xf32, #tpu.memory_space<vmem>>, vector<1x16xf32>,
        %get3A_802 = vector.shape_cast %get3A_801 : vector<1x16xf32> to vector<16xf32>
        %add3A_803 = arith.addf %add3A_747, %get3A_802 : vector<16xf32>
        %add3A_804 = arith.constant 5 : i32
        %add3A_805 = arith.addi %mul3A_503, %add3A_804 : i32
        %get3A_806 = arith.index_cast %add3A_805 : i32 to index
        %get3A_807 = arith.constant 48 : index
        %get3A_808 = tpu.vector_load %arg10[%get3A_806, %get3A_807] {strides = array<i32>} : memref<200x128xf32, #tpu.memory_space<vmem>>, vector<1x16xf32>,
        %get3A_809 = vector.shape_cast %get3A_808 : vector<1x16xf32> to vector<16xf32>
        %add3A_810 = arith.addf %add3A_754, %get3A_809 : vector<16xf32>
        %add3A_811 = arith.constant 5 : i32
        %add3A_812 = arith.addi %mul3A_503, %add3A_811 : i32
        %get3A_813 = arith.index_cast %add3A_812 : i32 to index
        %get3A_814 = arith.constant 64 : index
        %get3A_815 = tpu.vector_load %arg10[%get3A_813, %get3A_814] {strides = array<i32>} : memref<200x128xf32, #tpu.memory_space<vmem>>, vector<1x16xf32>,
        %get3A_816 = vector.shape_cast %get3A_815 : vector<1x16xf32> to vector<16xf32>
        %add3A_817 = arith.addf %add3A_761, %get3A_816 : vector<16xf32>
        %add3A_818 = arith.constant 5 : i32
        %add3A_819 = arith.addi %mul3A_503, %add3A_818 : i32
        %get3A_820 = arith.index_cast %add3A_819 : i32 to index
        %get3A_821 = arith.constant 80 : index
        %get3A_822 = tpu.vector_load %arg10[%get3A_820, %get3A_821] {strides = array<i32>} : memref<200x128xf32, #tpu.memory_space<vmem>>, vector<1x16xf32>,
        %get3A_823 = vector.shape_cast %get3A_822 : vector<1x16xf32> to vector<16xf32>
        %add3A_824 = arith.addf %add3A_768, %get3A_823 : vector<16xf32>
        %add3A_825 = arith.constant 5 : i32
        %add3A_826 = arith.addi %mul3A_503, %add3A_825 : i32
        %get3A_827 = arith.index_cast %add3A_826 : i32 to index
        %get3A_828 = arith.constant 96 : index
        %get3A_829 = tpu.vector_load %arg10[%get3A_827, %get3A_828] {strides = array<i32>} : memref<200x128xf32, #tpu.memory_space<vmem>>, vector<1x16xf32>,
        %get3A_830 = vector.shape_cast %get3A_829 : vector<1x16xf32> to vector<16xf32>
        %add3A_831 = arith.addf %add3A_775, %get3A_830 : vector<16xf32>
        %add3A_832 = arith.constant 5 : i32
        %add3A_833 = arith.addi %mul3A_503, %add3A_832 : i32
        %get3A_834 = arith.index_cast %add3A_833 : i32 to index
        %get3A_835 = arith.constant 112 : index
        %get3A_836 = tpu.vector_load %arg10[%get3A_834, %get3A_835] {strides = array<i32>} : memref<200x128xf32, #tpu.memory_space<vmem>>, vector<1x16xf32>,
        %get3A_837 = vector.shape_cast %get3A_836 : vector<1x16xf32> to vector<16xf32>
        %add3A_838 = arith.addf %add3A_782, %get3A_837 : vector<16xf32>
        %add3A_839 = arith.constant 6 : i32
        %add3A_840 = arith.addi %mul3A_503, %add3A_839 : i32
        %get3A_841 = arith.index_cast %add3A_840 : i32 to index
        %get3A_842 = arith.constant 0 : index
        %get3A_843 = tpu.vector_load %arg10[%get3A_841, %get3A_842] {strides = array<i32>} : memref<200x128xf32, #tpu.memory_space<vmem>>, vector<1x16xf32>,
        %get3A_844 = vector.shape_cast %get3A_843 : vector<1x16xf32> to vector<16xf32>
        %add3A_845 = arith.addf %add3A_789, %get3A_844 : vector<16xf32>
        %add3A_846 = arith.constant 6 : i32
        %add3A_847 = arith.addi %mul3A_503, %add3A_846 : i32
        %get3A_848 = arith.index_cast %add3A_847 : i32 to index
        %get3A_849 = arith.constant 16 : index
        %get3A_850 = tpu.vector_load %arg10[%get3A_848, %get3A_849] {strides = array<i32>} : memref<200x128xf32, #tpu.memory_space<vmem>>, vector<1x16xf32>,
        %get3A_851 = vector.shape_cast %get3A_850 : vector<1x16xf32> to vector<16xf32>
        %add3A_852 = arith.addf %add3A_796, %get3A_851 : vector<16xf32>
        %add3A_853 = arith.constant 6 : i32
        %add3A_854 = arith.addi %mul3A_503, %add3A_853 : i32
        %get3A_855 = arith.index_cast %add3A_854 : i32 to index
        %get3A_856 = arith.constant 32 : index
        %get3A_857 = tpu.vector_load %arg10[%get3A_855, %get3A_856] {strides = array<i32>} : memref<200x128xf32, #tpu.memory_space<vmem>>, vector<1x16xf32>,
        %get3A_858 = vector.shape_cast %get3A_857 : vector<1x16xf32> to vector<16xf32>
        %add3A_859 = arith.addf %add3A_803, %get3A_858 : vector<16xf32>
        %add3A_860 = arith.constant 6 : i32
        %add3A_861 = arith.addi %mul3A_503, %add3A_860 : i32
        %get3A_862 = arith.index_cast %add3A_861 : i32 to index
        %get3A_863 = arith.constant 48 : index
        %get3A_864 = tpu.vector_load %arg10[%get3A_862, %get3A_863] {strides = array<i32>} : memref<200x128xf32, #tpu.memory_space<vmem>>, vector<1x16xf32>,
        %get3A_865 = vector.shape_cast %get3A_864 : vector<1x16xf32> to vector<16xf32>
        %add3A_866 = arith.addf %add3A_810, %get3A_865 : vector<16xf32>
        %add3A_867 = arith.constant 6 : i32
        %add3A_868 = arith.addi %mul3A_503, %add3A_867 : i32
        %get3A_869 = arith.index_cast %add3A_868 : i32 to index
        %get3A_870 = arith.constant 64 : index
        %get3A_871 = tpu.vector_load %arg10[%get3A_869, %get3A_870] {strides = array<i32>} : memref<200x128xf32, #tpu.memory_space<vmem>>, vector<1x16xf32>,
        %get3A_872 = vector.shape_cast %get3A_871 : vector<1x16xf32> to vector<16xf32>
        %add3A_873 = arith.addf %add3A_817, %get3A_872 : vector<16xf32>
        %add3A_874 = arith.constant 6 : i32
        %add3A_875 = arith.addi %mul3A_503, %add3A_874 : i32
        %get3A_876 = arith.index_cast %add3A_875 : i32 to index
        %get3A_877 = arith.constant 80 : index
        %get3A_878 = tpu.vector_load %arg10[%get3A_876, %get3A_877] {strides = array<i32>} : memref<200x128xf32, #tpu.memory_space<vmem>>, vector<1x16xf32>,
        %get3A_879 = vector.shape_cast %get3A_878 : vector<1x16xf32> to vector<16xf32>
        %add3A_880 = arith.addf %add3A_824, %get3A_879 : vector<16xf32>
        %add3A_881 = arith.constant 6 : i32
        %add3A_882 = arith.addi %mul3A_503, %add3A_881 : i32
        %get3A_883 = arith.index_cast %add3A_882 : i32 to index
        %get3A_884 = arith.constant 96 : index
        %get3A_885 = tpu.vector_load %arg10[%get3A_883, %get3A_884] {strides = array<i32>} : memref<200x128xf32, #tpu.memory_space<vmem>>, vector<1x16xf32>,
        %get3A_886 = vector.shape_cast %get3A_885 : vector<1x16xf32> to vector<16xf32>
        %add3A_887 = arith.addf %add3A_831, %get3A_886 : vector<16xf32>
        %add3A_888 = arith.constant 6 : i32
        %add3A_889 = arith.addi %mul3A_503, %add3A_888 : i32
        %get3A_890 = arith.index_cast %add3A_889 : i32 to index
        %get3A_891 = arith.constant 112 : index
        %get3A_892 = tpu.vector_load %arg10[%get3A_890, %get3A_891] {strides = array<i32>} : memref<200x128xf32, #tpu.memory_space<vmem>>, vector<1x16xf32>,
        %get3A_893 = vector.shape_cast %get3A_892 : vector<1x16xf32> to vector<16xf32>
        %add3A_894 = arith.addf %add3A_838, %get3A_893 : vector<16xf32>
        %add3A_895 = arith.constant 7 : i32
        %add3A_896 = arith.addi %mul3A_503, %add3A_895 : i32
        %get3A_897 = arith.index_cast %add3A_896 : i32 to index
        %get3A_898 = arith.constant 0 : index
        %get3A_899 = tpu.vector_load %arg10[%get3A_897, %get3A_898] {strides = array<i32>} : memref<200x128xf32, #tpu.memory_space<vmem>>, vector<1x16xf32>,
        %get3A_900 = vector.shape_cast %get3A_899 : vector<1x16xf32> to vector<16xf32>
        %add3A_901 = arith.addf %add3A_845, %get3A_900 : vector<16xf32>
        %add3A_902 = arith.constant 7 : i32
        %add3A_903 = arith.addi %mul3A_503, %add3A_902 : i32
        %get3A_904 = arith.index_cast %add3A_903 : i32 to index
        %get3A_905 = arith.constant 16 : index
        %get3A_906 = tpu.vector_load %arg10[%get3A_904, %get3A_905] {strides = array<i32>} : memref<200x128xf32, #tpu.memory_space<vmem>>, vector<1x16xf32>,
        %get3A_907 = vector.shape_cast %get3A_906 : vector<1x16xf32> to vector<16xf32>
        %add3A_908 = arith.addf %add3A_852, %get3A_907 : vector<16xf32>
        %add3A_909 = arith.constant 7 : i32
        %add3A_910 = arith.addi %mul3A_503, %add3A_909 : i32
        %get3A_911 = arith.index_cast %add3A_910 : i32 to index
        %get3A_912 = arith.constant 32 : index
        %get3A_913 = tpu.vector_load %arg10[%get3A_911, %get3A_912] {strides = array<i32>} : memref<200x128xf32, #tpu.memory_space<vmem>>, vector<1x16xf32>,
        %get3A_914 = vector.shape_cast %get3A_913 : vector<1x16xf32> to vector<16xf32>
        %add3A_915 = arith.addf %add3A_859, %get3A_914 : vector<16xf32>
        %add3A_916 = arith.constant 7 : i32
        %add3A_917 = arith.addi %mul3A_503, %add3A_916 : i32
        %get3A_918 = arith.index_cast %add3A_917 : i32 to index
        %get3A_919 = arith.constant 48 : index
        %get3A_920 = tpu.vector_load %arg10[%get3A_918, %get3A_919] {strides = array<i32>} : memref<200x128xf32, #tpu.memory_space<vmem>>, vector<1x16xf32>,
        %get3A_921 = vector.shape_cast %get3A_920 : vector<1x16xf32> to vector<16xf32>
        %add3A_922 = arith.addf %add3A_866, %get3A_921 : vector<16xf32>
        %add3A_923 = arith.constant 7 : i32
        %add3A_924 = arith.addi %mul3A_503, %add3A_923 : i32
        %get3A_925 = arith.index_cast %add3A_924 : i32 to index
        %get3A_926 = arith.constant 64 : index
        %get3A_927 = tpu.vector_load %arg10[%get3A_925, %get3A_926] {strides = array<i32>} : memref<200x128xf32, #tpu.memory_space<vmem>>, vector<1x16xf32>,
        %get3A_928 = vector.shape_cast %get3A_927 : vector<1x16xf32> to vector<16xf32>
        %add3A_929 = arith.addf %add3A_873, %get3A_928 : vector<16xf32>
        %add3A_930 = arith.constant 7 : i32
        %add3A_931 = arith.addi %mul3A_503, %add3A_930 : i32
        %get3A_932 = arith.index_cast %add3A_931 : i32 to index
        %get3A_933 = arith.constant 80 : index
        %get3A_934 = tpu.vector_load %arg10[%get3A_932, %get3A_933] {strides = array<i32>} : memref<200x128xf32, #tpu.memory_space<vmem>>, vector<1x16xf32>,
        %get3A_935 = vector.shape_cast %get3A_934 : vector<1x16xf32> to vector<16xf32>
        %add3A_936 = arith.addf %add3A_880, %get3A_935 : vector<16xf32>
        %add3A_937 = arith.constant 7 : i32
        %add3A_938 = arith.addi %mul3A_503, %add3A_937 : i32
        %get3A_939 = arith.index_cast %add3A_938 : i32 to index
        %get3A_940 = arith.constant 96 : index
        %get3A_941 = tpu.vector_load %arg10[%get3A_939, %get3A_940] {strides = array<i32>} : memref<200x128xf32, #tpu.memory_space<vmem>>, vector<1x16xf32>,
        %get3A_942 = vector.shape_cast %get3A_941 : vector<1x16xf32> to vector<16xf32>
        %add3A_943 = arith.addf %add3A_887, %get3A_942 : vector<16xf32>
        %add3A_944 = arith.constant 7 : i32
        %add3A_945 = arith.addi %mul3A_503, %add3A_944 : i32
        %get3A_946 = arith.index_cast %add3A_945 : i32 to index
        %get3A_947 = arith.constant 112 : index
        %get3A_948 = tpu.vector_load %arg10[%get3A_946, %get3A_947] {strides = array<i32>} : memref<200x128xf32, #tpu.memory_space<vmem>>, vector<1x16xf32>,
        %get3A_949 = vector.shape_cast %get3A_948 : vector<1x16xf32> to vector<16xf32>
        %add3A_950 = arith.addf %add3A_894, %get3A_949 : vector<16xf32>
        scf.yield %add3A_901, %add3A_908, %add3A_915, %add3A_922, %add3A_929, %add3A_936, %add3A_943, %add3A_950 : vector<16xf32>, vector<16xf32>, vector<16xf32>, vector<16xf32>, vector<16xf32>, vector<16xf32>, vector<16xf32>, vector<16xf32>
      }
      %scan3A_452 = arith.constant 25 : i32
      %swap3A_453 = arith.index_cast %add3A_394 : i32 to index
      %swap3A_454 = arith.constant 0 : index
      %swap3A_455 = tpu.vector_load %arg6[%swap3A_453, %swap3A_454] {strides = array<i32>} : memref<32x128xf32, #tpu.memory_space<vmem>>, vector<1x16xf32>,
      %swap3A_456 = vector.shape_cast %swap3A_455 : vector<1x16xf32> to vector<16xf32>
      %swap3A_457 = vector.shape_cast %scan3A_451#0 : vector<16xf32> to vector<1x16xf32>
      tpu.vector_store %arg6[%swap3A_453, %swap3A_454], %swap3A_457 {strides = array<i32>} : memref<32x128xf32, #tpu.memory_space<vmem>>, vector<1x16xf32>,
      %swap3A_458 = arith.index_cast %add3A_394 : i32 to index
      %swap3A_459 = arith.constant 16 : index
      %swap3A_460 = tpu.vector_load %arg6[%swap3A_458, %swap3A_459] {strides = array<i32>} : memref<32x128xf32, #tpu.memory_space<vmem>>, vector<1x16xf32>,
      %swap3A_461 = vector.shape_cast %swap3A_460 : vector<1x16xf32> to vector<16xf32>
      %swap3A_462 = vector.shape_cast %scan3A_451#1 : vector<16xf32> to vector<1x16xf32>
      tpu.vector_store %arg6[%swap3A_458, %swap3A_459], %swap3A_462 {strides = array<i32>} : memref<32x128xf32, #tpu.memory_space<vmem>>, vector<1x16xf32>,
      %swap3A_463 = arith.index_cast %add3A_394 : i32 to index
      %swap3A_464 = arith.constant 32 : index
      %swap3A_465 = tpu.vector_load %arg6[%swap3A_463, %swap3A_464] {strides = array<i32>} : memref<32x128xf32, #tpu.memory_space<vmem>>, vector<1x16xf32>,
      %swap3A_466 = vector.shape_cast %swap3A_465 : vector<1x16xf32> to vector<16xf32>
      %swap3A_467 = vector.shape_cast %scan3A_451#2 : vector<16xf32> to vector<1x16xf32>
      tpu.vector_store %arg6[%swap3A_463, %swap3A_464], %swap3A_467 {strides = array<i32>} : memref<32x128xf32, #tpu.memory_space<vmem>>, vector<1x16xf32>,
      %swap3A_468 = arith.index_cast %add3A_394 : i32 to index
      %swap3A_469 = arith.constant 48 : index
      %swap3A_470 = tpu.vector_load %arg6[%swap3A_468, %swap3A_469] {strides = array<i32>} : memref<32x128xf32, #tpu.memory_space<vmem>>, vector<1x16xf32>,
      %swap3A_471 = vector.shape_cast %swap3A_470 : vector<1x16xf32> to vector<16xf32>
      %swap3A_472 = vector.shape_cast %scan3A_451#3 : vector<16xf32> to vector<1x16xf32>
      tpu.vector_store %arg6[%swap3A_468, %swap3A_469], %swap3A_472 {strides = array<i32>} : memref<32x128xf32, #tpu.memory_space<vmem>>, vector<1x16xf32>,
      %swap3A_473 = arith.index_cast %add3A_394 : i32 to index
      %swap3A_474 = arith.constant 64 : index
      %swap3A_475 = tpu.vector_load %arg6[%swap3A_473, %swap3A_474] {strides = array<i32>} : memref<32x128xf32, #tpu.memory_space<vmem>>, vector<1x16xf32>,
      %swap3A_476 = vector.shape_cast %swap3A_475 : vector<1x16xf32> to vector<16xf32>
      %swap3A_477 = vector.shape_cast %scan3A_451#4 : vector<16xf32> to vector<1x16xf32>
      tpu.vector_store %arg6[%swap3A_473, %swap3A_474], %swap3A_477 {strides = array<i32>} : memref<32x128xf32, #tpu.memory_space<vmem>>, vector<1x16xf32>,
      %swap3A_478 = arith.index_cast %add3A_394 : i32 to index
      %swap3A_479 = arith.constant 80 : index
      %swap3A_480 = tpu.vector_load %arg6[%swap3A_478, %swap3A_479] {strides = array<i32>} : memref<32x128xf32, #tpu.memory_space<vmem>>, vector<1x16xf32>,
      %swap3A_481 = vector.shape_cast %swap3A_480 : vector<1x16xf32> to vector<16xf32>
      %swap3A_482 = vector.shape_cast %scan3A_451#5 : vector<16xf32> to vector<1x16xf32>
      tpu.vector_store %arg6[%swap3A_478, %swap3A_479], %swap3A_482 {strides = array<i32>} : memref<32x128xf32, #tpu.memory_space<vmem>>, vector<1x16xf32>,
      %swap3A_483 = arith.index_cast %add3A_394 : i32 to index
      %swap3A_484 = arith.constant 96 : index
      %swap3A_485 = tpu.vector_load %arg6[%swap3A_483, %swap3A_484] {strides = array<i32>} : memref<32x128xf32, #tpu.memory_space<vmem>>, vector<1x16xf32>,
      %swap3A_486 = vector.shape_cast %swap3A_485 : vector<1x16xf32> to vector<16xf32>
      %swap3A_487 = vector.shape_cast %scan3A_451#6 : vector<16xf32> to vector<1x16xf32>
      tpu.vector_store %arg6[%swap3A_483, %swap3A_484], %swap3A_487 {strides = array<i32>} : memref<32x128xf32, #tpu.memory_space<vmem>>, vector<1x16xf32>,
      %swap3A_488 = arith.index_cast %add3A_394 : i32 to index
      %swap3A_489 = arith.constant 112 : index
      %swap3A_490 = tpu.vector_load %arg6[%swap3A_488, %swap3A_489] {strides = array<i32>} : memref<32x128xf32, #tpu.memory_space<vmem>>, vector<1x16xf32>,
      %swap3A_491 = vector.shape_cast %swap3A_490 : vector<1x16xf32> to vector<16xf32>
      %swap3A_492 = vector.shape_cast %scan3A_451#7 : vector<16xf32> to vector<1x16xf32>
      tpu.vector_store %arg6[%swap3A_488, %swap3A_489], %swap3A_492 {strides = array<i32>} : memref<32x128xf32, #tpu.memory_space<vmem>>, vector<1x16xf32>,
    }
    %scan3A_96 = arith.constant 8 : i32
    "tpu.region"() ({
      %run_scoped3A = tpu.sem_alloc : memref<!tpu.dma_semaphore, #tpu.memory_space<semaphore_mem>>
      %dma_start3A_97 = arith.constant 0 : i32
      %dma_start3A_98 = tpu.memref_slice %arg4[%mul3A_2, %dma_start3A_97] : memref<1024x128xf32, #tpu.memory_space<hbm>> -> memref<32x128xf32, #tpu.memory_space<hbm>>
      %dma_start3A_99 = arith.constant 0 : i32
      %dma_start3A_100 = tpu.memref_slice %arg4[%mul3A_2, %dma_start3A_99] : memref<1024x128xf32, #tpu.memory_space<hbm>> -> memref<32x128xf32, #tpu.memory_space<hbm>>
      tpu.enqueue_dma source(%arg6 : memref<32x128xf32, #tpu.memory_space<vmem>>) target(%dma_start3A_100 : memref<32x128xf32, #tpu.memory_space<hbm>>) target_semaphore(%run_scoped3A : memref<!tpu.dma_semaphore, #tpu.memory_space<semaphore_mem>>)
      %dma_wait3A = arith.constant 0 : i32
      %dma_wait3A_101 = tpu.memref_slice %arg4[%mul3A_2, %dma_wait3A] : memref<1024x128xf32, #tpu.memory_space<hbm>> -> memref<32x128xf32, #tpu.memory_space<hbm>>
      %dma_wait3A_102 = arith.constant 0 : i32
      %dma_wait3A_103 = tpu.memref_slice %arg4[%mul3A_2, %dma_wait3A_102] : memref<1024x128xf32, #tpu.memory_space<hbm>> -> memref<32x128xf32, #tpu.memory_space<hbm>>
      tpu.wait_dma2 semaphore(%run_scoped3A : memref<!tpu.dma_semaphore, #tpu.memory_space<semaphore_mem>>) src(%arg6 : memref<32x128xf32, #tpu.memory_space<vmem>>) dst(%dma_wait3A_103 : memref<32x128xf32, #tpu.memory_space<hbm>>)
      tpu.yield
    }) : () -> ()
    return
  }
}

</mosaic_0001>

<sc_bundles>
// kernel: _pooled_sum.3.cloned.1.call-start
scs
__scs_entry_jumppad:
0x0: {  	(pc) =	sbr.rel $0x88, $3  }
0x1: {  	(tag) =	ssettag $0x0;
	lr =	simm.s32 $0x1  }
0x2: {  	[smem:$0x3F9F] =	sst lr;
	_ =	strace $0xD0000000  }
0x3: {  	_ = 	snop  }
0x4: {  	_ = 	snop  }
0x5: {  	_ = 	snop  }
0x6: {  	_ = 	snop  }
0x7: {  	_ = 	snop  }
__scs_overlays_trampoline_lowered:
0x8: {  	[smem:$0x3FAE] =	sst s0  }
0x9: {  	[smem:$0x3FAF] =	sst s1  }
0xa: {  	[smem:$0x3FB0] =	sst s2  }
0xb: {  	[smem:$0x3FB1] =	sst s3  }
0xc: {  	[smem:$0x3FB2] =	sst s4  }
0xd: {  	[smem:$0x3FB3] =	sst s5  }
0xe: {  	[smem:$0x3FB4] =	sst s6  }
0xf: {  	[smem:$0x3FB5] =	sst s7  }
0x10: {  	[smem:$0x3FB6] =	sst s8  }
0x11: {  	[smem:$0x3FB7] =	sst s9;
	s0 =	simm.s32 @!p0 $0x0  }
0x12: {  	s1 =	sld [smem:$0x3F9D];
	s0 =	simm.s32 @p0 $0x1  }
0x13: {  	[smem:$0x3FB8] =	sst s0;
	s0 =	simm.s32 @!p1 $0x0  }
0x14: {  	s2 =	sld [smem:$0x3F9C];
	s0 =	simm.s32 @p1 $0x1  }
0x15: {  	[smem:$0x3FB9] =	sst s0;
	s0 =	simm.s32 @!p2 $0x0  }
0x16: {  	s3 =	sld [smem:$0x3FDB];
	s0 =	simm.s32 @p2 $0x1  }
0x17: {  	s4 =	simm.s32 $0x1BF5;
	[smem:$0x3FBB] =	sst s0  }
0x18: {  	s0 =	sld [smem:$0x3F9E];
	_ =	swait.ge [sflag:s4], $0x0  }
0x19: {  	s7 =	sld [smem:$0x3F9F]  }
0x1a: {  	s8 =	sadd.s32 $0xFFFFE003, lr  }
0x1b: {  	s9 =	sadd.s32 $0xFFFFFEF7, lr;
	s5 =	simm.s32 $0xFFFFFFFF;
	p2 =	slt.u32 s8, $0xFFFFF086  }
0x1c: {  	p1 =	slt.u32 s9, $0xF7A;
	s5 =	simm.s32 @!p2 $0x0  }
0x1d: {  	s5 =	simm.s32 @p1 $0x1;
	p0 =	seq.s32 s7, s2  }
0x1e: {  	s7 =	smul.u32 @!p0 $0xF7A, s2;
	p2 =	seq.s32 @!p0 s5, $0x0  }
0x1f: {  	s9 =	smul.u32 $0xF7A, s1;
	s8 =	simm.s32 @!p0 $0x1BF5;
	p2 =	por !p2, p0  }
0x20: {  	[sflag:s8] =	ssyncset.s32 @!p0 $0xFFFFF086;
	s6 =	sadd.s32 @!p0 s3, s7;
	s7 =	simm.s32 @!p0 $0x108  }
0x21: {  	s3 =	sadd.s32 s3, s9;
	s6 =	sadd.s32 @!p0 $0x88, s6;
	s7 =	simm.s32 @p2 $0x1082  }
0x22: {  	[simem:s7], [sflag:s8] =	dma.local @!p0 [hbm:s6], $0xF7A  }
0x23: {  	s9 =	sor.u32 $0xD0000000, s2;
	s6 =	simm.s32 $0x108;
	_ =	swait.ge @!p0 [sflag:s8], $0x0  }
0x24: {  	s3 =	sadd.s32 $0x88, s3;
	s6 =	simm.s32 @!p1 $0x1082;
	[sflag:s4] =	ssyncset.s32 $0xFFFFF086  }
0x25: {  	[simem:s6], [sflag:s4] =	dma.local [hbm:s3], $0xF7A  }
0x26: {  	[smem:$0x3F9F] =	sst s1;
	(tag) =	ssettag s2;
	_ =	strace s9  }
0x27: {  	s1 =	sld [smem:$0x3FAF]  }
0x28: {  	s2 =	sld [smem:$0x3FB0]  }
0x29: {  	s4 =	sld [smem:$0x3FB2]  }
0x2a: {  	p0 =	seq.s32 s5, $0x0;
	s5 =	sld [smem:$0x3FB3]  }
0x2b: {  	s6 =	sld [smem:$0x3FB4]  }
0x2c: {  	s7 =	sld [smem:$0x3FB5]  }
0x2d: {  	s3 =	simm.s32 $0x108;
	s8 =	sld [smem:$0x3FB6]  }
0x2e: {  	s3 =	simm.s32 @!p0 $0x1082;
	s9 =	sld [smem:$0x3FB7]  }
0x2f: {  	lr =	sadd.s32 s0, s3;
	s0 =	sld [smem:$0x3FAE]  }
0x30: {  	s3 =	sld [smem:$0x3FB1]  }
0x31: {  	[smem:$0x3FBA] =	sst s10  }
0x32: {  	s10 =	sld [smem:$0x3FB8];
	_ =	sdelay $0x3  }
0x33: {  	p0 =	seq.s32 s10, $0x1;
	s10 =	sld [smem:$0x3FBA];
	_ =	sdelay $0x3  }
0x34: {  	[smem:$0x3FBA] =	sst s10  }
0x35: {  	s10 =	sld [smem:$0x3FB9];
	_ =	sdelay $0x3  }
0x36: {  	p1 =	seq.s32 s10, $0x1;
	s10 =	sld [smem:$0x3FBA];
	_ =	sdelay $0x3  }
0x37: {  	[smem:$0x3FBA] =	sst s10  }
0x38: {  	s10 =	sld [smem:$0x3FBB]  }
0x39: {  	_ = 	snop;
	(pc) =	sbr.ind lr, $3  }
0x3a: {  	_ = 	snop  }
0x3b: {  	_ = 	snop  }
0x3c: {  	p2 =	seq.s32 s10, $0x1;
	s10 =	sld [smem:$0x3FBA]  }
0x3d: {  	_ =	shalt  }
0x3e: {  	_ =	shalt  }
0x3f: {  	_ =	shalt  }
0x40: {  	_ =	shalt  }
0x41: {  	_ =	shalt  }
0x42: {  	_ =	shalt  }
0x43: {  	_ =	shalt  }
0x44: {  	_ =	shalt  }
0x45: {  	_ =	shalt  }
0x46: {  	_ =	shalt  }
0x47: {  	_ =	shalt  }
0x48: {  	_ =	shalt  }
0x49: {  	_ =	shalt  }
0x4a: {  	_ =	shalt  }
0x4b: {  	_ =	shalt  }
0x4c: {  	_ =	shalt  }
0x4d: {  	_ =	shalt  }
0x4e: {  	_ =	shalt  }
0x4f: {  	_ =	shalt  }
0x50: {  	_ =	shalt  }
0x51: {  	_ =	shalt  }
0x52: {  	_ =	shalt  }
0x53: {  	_ =	shalt  }
0x54: {  	_ =	shalt  }
0x55: {  	_ =	shalt  }
0x56: {  	_ =	shalt  }
0x57: {  	_ =	shalt  }
0x58: {  	_ =	shalt  }
0x59: {  	_ =	shalt  }
0x5a: {  	_ =	shalt  }
0x5b: {  	_ =	shalt  }
0x5c: {  	_ =	shalt  }
0x5d: {  	_ =	shalt  }
0x5e: {  	_ =	shalt  }
0x5f: {  	_ =	shalt  }
0x60: {  	_ =	shalt  }
0x61: {  	_ =	shalt  }
0x62: {  	_ =	shalt  }
0x63: {  	_ =	shalt  }
0x64: {  	_ =	shalt  }
0x65: {  	_ =	shalt  }
0x66: {  	_ =	shalt  }
0x67: {  	_ =	shalt  }
0x68: {  	_ =	shalt  }
0x69: {  	_ =	shalt  }
0x6a: {  	_ =	shalt  }
0x6b: {  	_ =	shalt  }
0x6c: {  	_ =	shalt  }
0x6d: {  	_ =	shalt  }
0x6e: {  	_ =	shalt  }
0x6f: {  	_ =	shalt  }
0x70: {  	_ =	shalt  }
0x71: {  	_ =	shalt  }
0x72: {  	_ =	shalt  }
0x73: {  	_ =	shalt  }
0x74: {  	_ =	shalt  }
0x75: {  	_ =	shalt  }
0x76: {  	_ =	shalt  }
0x77: {  	_ =	shalt  }
0x78: {  	_ =	shalt  }
0x79: {  	_ =	shalt  }
0x7a: {  	_ =	shalt  }
0x7b: {  	_ =	shalt  }
0x7c: {  	_ =	shalt  }
0x7d: {  	_ =	shalt  }
0x7e: {  	_ =	shalt  }
0x7f: {  	_ =	shalt  }
0x80: {  	_ =	shalt  }
0x81: {  	_ =	shalt  }
0x82: {  	_ =	shalt  }
0x83: {  	_ =	shalt  }
0x84: {  	_ =	shalt  }
0x85: {  	_ =	shalt  }
0x86: {  	_ =	shalt  }
0x87: {  	_ =	shalt  }
.Lfunc_end0:
.L_simem_size_0:
called_computation_lowered:
.L_overlay_start_0:
0x88: {  	s2 =	sld [smem:$0x3FD9]  }
0x89: {  	s3 =	sld [smem:$0x3FFE];
	_ =	sdelay $0x1  }
0x8a: {  	s1 =	srdreg.scid  }
0x8b: {  	s0 =	sand.u32 $0x1, s1  }
0x8c: {  	s17 =	sshll.u32 s0, $0xA;
	s2 =	sadd.s32 s3, s2  }
0x8d: {  	s2 =	sadd.s32 s2, s17  }
0x8e: {  	[smem:$0x3FC6] =	sst s2  }
0x8f: {  	_ = 	snop  }
0x90: {  	s2 =	sld [smem:$0x3FC8]  }
0x91: {  	s18 =	sld [smem:$0x3FD0];
	(tm) =	ssettm $0x1  }
0x92: {  	s4 =	sld [smem:$0x3FFB];
	_ =	sdelay $0x3  }
0x93: {  	_ =	strace s4  }
0x94: {  	s4 =	sld [smem:$0x3FFC];
	_ =	sdelay $0x3  }
0x95: {  	_ =	strace s4  }
0x96: {  	s4 =	sld [smem:$0x3FFD];
	_ =	sdelay $0x3  }
0x97: {  	_ =	strace s4  }
0x98: {  	_ =	strace $0x8FFFFFFF  }
0x99: {  	s19 =	sld [smem:$0x3FDB];
	_ =	sdelay $0x1  }
0x9a: {  	s5 =	simm.s32 $_scs_section_size  }
0x9b: {  	s6 =	simm.s32 $_size__tile_overlayer_lowered;
	s7 =	simm.s32 $_tile_overlayer_lowered  }
0x9c: {  	s22 =	simm.s32 $0x1BFF;
	s21 =	sshll.u32 s7, $0x1;
	s4 =	sadd.s32 s5, s19  }
0x9d: {  	s8 =	simm.s32 $0x0;
	s20 =	sshll.u32 s6, $0x1;
	s6 =	sadd.s32 s21, s4  }
0x9e: {  	[timem:s8], [sflag:s22] =	dma.local [hbm:s6], s20  }
0x9f: {  	_ =	swait.ge [sflag:s22], s20  }
0xa0: {  	s5 =	ssub.s32 $0x0, s20;
	[sflag:s22] =	ssyncset.done $0x0  }
0xa1: {  	[sflag:s22] =	ssyncadd.s32 s5;
	_ =	sdelay $0x1  }
0xa2: {  	s23 =	simm.s32 $0x1B8B  }
0xa3: {  	_ =	swait.ge [sflag:s23], $0x1  }
0xa4: {  	[sflag:s23] =	ssyncset.done $0x0  }
0xa5: {  	s25 =	simm.s32 $0x1B8E;
	s24 =	sld [smem:$0x3FFE];
	[sflag:s23] =	ssyncadd.s32 $0xFFFFFFFF  }
0xa6: {  	s26 =	simm.s32 $execute0_lowered;
	[smem:$0x3FD2] =	sst s25  }
0xa7: {  	s6 =	sshll.u32 s26, $0x1;
	_ =	strace $0x80000046;
	[dreg:$0x1] =	wrdreg $0xFFFFFFFF  }
0xa8: {  	s28 =	simm.s32 $_size_execute0_lowered;
	s4 =	sadd.s32 s4, s6;
	[dreg:$0x0] =	wrdreg $0x0  }
0xa9: {  	s6 =	sshll.u32 s28, $0x1;
	[dreg:$0x2] =	wrdreg s4  }
0xaa: {  	[dreg:$0x3] =	wrdreg s6  }
0xab: {  	[dreg:$0x4] =	wrdreg $0xC0  }
0xac: {  	_ =	task [dreg:s8], $0x5FFFF  }
0xad: {  	[dreg:$0x1] =	wrdreg $0xFFFFFFFF  }
0xae: {  	[dreg:$0x0] =	wrdreg $0x60  }
0xaf: {  	[dreg:$0x2] =	wrdreg s24  }
0xb0: {  	[dreg:$0x3] =	wrdreg s2  }
0xb1: {  	[dreg:$0x4] =	wrdreg s18  }
0xb2: {  	[dreg:$0x5] =	wrdreg $0x9  }
0xb3: {  	_ =	task.clear_ibuf [dreg:s8], $0x6FFFF;
	_ =	strace $0x90000046  }
0xb4: {  	s29 =	simm.s32 $0x9;
	_ =	strace $0x80000048  }
0xb5: {  	_ =	swait.ge [sflag:s29], $0x1  }
0xb6: {  	[sflag:s29] =	ssyncadd.s32 $0xFFFFFFFF  }
0xb7: {  	_ =	strace $0x90000048  }
0xb8: {  	_ =	sfence  }
0xb9: {  	s30 =	sld [smem:$0x0];
	_ =	sdelay $0x2  }
0xba: {  	s31 =	sshll.u32 s1, $0xD;
	s1 =	sshrl.u32 s1, $0x2  }
0xbb: {  	s3 =	sand.u32 $0x4000, s31;
	s1 =	sadd.s32 s1, s30  }
0xbc: {  	s0 =	sor.u32 s3, s0;
	s1 =	sshll.u32 s1, $0x11  }
0xbd: {  	s0 =	sor.u32 s1, s0  }
0xbe: {  	s0 =	sadd.s32 $0x8F2B, s0  }
0xbf: {  	[sflag:s0] =	ssyncadd.remote.s32 $0x1  }
0xc0: {  	_ =	sfence.sel $0xFFFF  }
0xc1: {  	[dreg:$0x0] =	wrdreg $0xFFFFFFFF;
	(pc) =	sbr.abs _section_cstart, $3  }
0xc2: {  	[dreg:$0x1] =	wrdreg $0xFFFFFFFF  }
0xc3: {  	_ =	task.clear_ibuf [dreg:s8], $0x2FFFF;
	_ =	strace $0x9FFFFFFF  }
0xc4: {  	(tm) =	ssettm $0x7FFFFFFF  }
0xc5: {  	_ =	shalt  }
tec
execute0_lowered:
.L_overlay_start_1:
0x0: {  	(tag) =	ssettag $0x1  }
0x1: {  	s0 =	rddreg [dreg:$0x0]  }
0x2: {  	s1 =	srdreg.scid;
	s2 =	rddreg [dreg:$0x1]  }
0x3: {  	s3 =	stileid.u32;
	s5 =	rddreg [dreg:$0x2]  }
0x4: {  	s7 =	simm.s32 $0x5;
	s8 =	simm.s32 $0x40;
	s11 =	simm.s32 $0x48  }
0x5: {  	s21 =	simm.s32 $0xF800;
	s22 =	simm.s32 $0x140;
	s23 =	simm.s32 $0x11800  }
0x6: {  	s24 =	simm.s32 $0x500;
	s28 =	simm.s32 $0x17C00;
	s29 =	simm.s32 $0x19C00  }
0x7: {  	s30 =	simm.s32 $0x1;
	s31 =	simm.s32 $0x2;
	s9 =	simm.s32 $0x2000  }
0x8: {  	s10 =	simm.s32 $0x0;
	s1 =	sand.u32 $0x1, s1;
	s4 =	sshll.u32 s3, $0x6  }
0x9: {  	s3 =	simm.s32 $0x0;
	s6 =	sshll.u32 s1, $0x5;
	s1 =	ssub.s32 $0x2, s1  }
0xa: {  	[smem:$0x7FF] =	sst s3;
	s6 =	sor.u32 s6, s4;
	s25 =	sshrl.u32 s1, $0x1  }
0xb: {  	_ =	strace $0x80000047;
	s4 =	sshll.u32 s6, $0x5;
	s1 =	ssub.s32 s1, s25  }
0xc: {  	s26 =	sshll.u32 s6, $0x4;
	s25 =	simm.s32 $0x13800;
	s0 =	sadd.s32 s4, s0  }
0xd: {  	s5 =	sadd.s32 s5, s26;
	s6 =	smax.u32 s1, $0x1;
	s26 =	simm.s32 $0x15C00  }
0xe: {  	s1 =	simm.s32 $0x3;
	s4 =	sadd.s32 $0x400, s0;
	s0 =	simm.s32 $0x4  }
.LBB2_1:
0xf: {  	[tilespmem:s3], [sflag:$0x5] =	stream.linear.gather [hbm4b:s4+s3], $0x2000, $0x38;
	[tilespmem:$0x1C000] =	vst v63  }
0x10: {  	_ =	swait.ge [sflag:s7], $0x2000  }
0x11: {  	[sflag:s7] =	ssyncset.done $0x0  }
0x12: {  	s12 =	simm.s32 $0x3000;
	[sflag:s7] =	ssyncadd.s32 $0xFFFFE000  }
0x13: {  	[tilespmem:s12], [sflag:$0x1] =	stream.indirect.gather [hbm4b:s2+s8], $0x80, s3, s8, $0xb8;
	[tilespmem:$0x1C000] =	vst v63  }
0x14: {  	s19 =	simm.s32 $0x5000  }
0x15: {  	[tilespmem:s19], [sflag:$0x1] =	stream.indirect.gather [hbm4b:s2+s8], $0x80, s8, s8, $0xb8;
	[tilespmem:$0x1C000] =	vst v63  }
0x16: {  	s20 =	simm.s32 $0x400;
	s13 =	simm.s32 $0x7000  }
0x17: {  	[tilespmem:s13], [sflag:$0x1] =	stream.indirect.gather [hbm4b:s2+s11], $0x80, s20, s11, $0xb8;
	[tilespmem:$0x1C000] =	vst v63  }
0x18: {  	s14 =	simm.s32 $0x80;
	s15 =	simm.s32 $0x9400  }
0x19: {  	[tilespmem:s15], [sflag:$0x2] =	stream.indirect.gather [hbm4b:s2+s8], $0x80, s14, s8, $0xb8;
	[tilespmem:$0x1C000] =	vst v63  }
0x1a: {  	s16 =	simm.s32 $0xC0;
	s17 =	simm.s32 $0xB400  }
0x1b: {  	[tilespmem:s17], [sflag:$0x2] =	stream.indirect.gather [hbm4b:s2+s8], $0x80, s16, s8, $0xb8;
	[tilespmem:$0x1C000] =	vst v63  }
0x1c: {  	s18 =	simm.s32 $0x480;
	s19 =	simm.s32 $0xD400  }
0x1d: {  	[tilespmem:s19], [sflag:$0x2] =	stream.indirect.gather [hbm4b:s2+s11], $0x80, s18, s11, $0xb8;
	[tilespmem:$0x1C000] =	vst v63  }
0x1e: {  	s20 =	simm.s32 $0x100  }
0x1f: {  	[tilespmem:s21], [sflag:$0x3] =	stream.indirect.gather [hbm4b:s2+s8], $0x80, s20, s8, $0xb8;
	[tilespmem:$0x1C000] =	vst v63  }
0x20: {  	_ = 	snop  }
0x21: {  	[tilespmem:s23], [sflag:$0x3] =	stream.indirect.gather [hbm4b:s2+s8], $0x80, s22, s8, $0xb8;
	[tilespmem:$0x1C000] =	vst v63  }
0x22: {  	s12 =	simm.s32 $0x0  }
0x23: {  	[tilespmem:s25], [sflag:$0x3] =	stream.indirect.gather [hbm4b:s2+s11], $0x80, s24, s11, $0xb8;
	[tilespmem:$0x1C000] =	vst v63  }
.LBB2_2:
0x24: {  	s14 =	sshll.u32 s12, $0x9  }
0x25: {  	s15 =	sshll.u32 s12, $0xA;
	s13 =	sor.u32 $0x180, s14  }
0x26: {  	s16 =	sand.u32 $0x1800, s15;
	s17 =	sand.u32 $0x380, s13  }
0x27: {  	s16 =	sor.u32 s17, s16  }
0x28: {  	[tilespmem:s26], [sflag:$0x4] =	stream.indirect.gather [hbm4b:s2+s8], $0x80, s16, s8, $0xb8;
	[tilespmem:$0x1C000] =	vst v63  }
0x29: {  	s15 =	sor.u32 s17, s15;
	s16 =	sor.u32 $0x40, s16  }
0x2a: {  	[tilespmem:s28], [sflag:$0x4] =	stream.indirect.gather [hbm4b:s2+s8], $0x80, s16, s8, $0xb8;
	[tilespmem:$0x1C000] =	vst v63  }
0x2b: {  	s15 =	sor.u32 $0x400, s15  }
0x2c: {  	[tilespmem:s29], [sflag:$0x4] =	stream.indirect.gather [hbm4b:s2+s11], $0x80, s15, s11, $0xb8;
	[tilespmem:$0x1C000] =	vst v63  }
0x2d: {  	_ =	swait.ge [sflag:s30], $0x2000  }
0x2e: {  	[sflag:s30] =	ssyncset.done $0x0  }
0x2f: {  	[sflag:s30] =	ssyncadd.s32 $0xFFFFE000  }
0x30: {  	_ =	swait.ge [sflag:s30], $0x2000  }
0x31: {  	[sflag:s30] =	ssyncset.done $0x0  }
0x32: {  	[sflag:s30] =	ssyncadd.s32 $0xFFFFE000  }
0x33: {  	_ =	swait.ge [sflag:s30], $0x2400  }
0x34: {  	[sflag:s30] =	ssyncset.done $0x0  }
0x35: {  	s15 =	simm.s32 $0x0;
	[sflag:s30] =	ssyncadd.s32 $0xFFFFDC00  }
0x36: {  	v6 =	vld [tilespmem:s15+$0x3380]  }
0x37: {  	v7 =	vld [tilespmem:s15+$0x3390]  }
0x38: {  	v8 =	vld [tilespmem:s15+$0x33A0]  }
0x39: {  	v9 =	vld [tilespmem:s15+$0x33B0]  }
0x3a: {  	v0 =	vld [tilespmem:s15+$0x33C0]  }
0x3b: {  	v1 =	vld [tilespmem:s15+$0x33D0]  }
0x3c: {  	v14 =	vld [tilespmem:s15+$0x3300]  }
0x3d: {  	v16 =	vld [tilespmem:s15+$0x3310]  }
0x3e: {  	v13 =	vld [tilespmem:s15+$0x3320]  }
0x3f: {  	v15 =	vld [tilespmem:s15+$0x3330]  }
0x40: {  	v3 =	vld [tilespmem:s15+$0x3340]  }
0x41: {  	v2 =	vld [tilespmem:s15+$0x3350]  }
0x42: {  	v17 =	vld [tilespmem:s15+$0x3280]  }
0x43: {  	v18 =	vld [tilespmem:s15+$0x3290]  }
0x44: {  	v19 =	vld [tilespmem:s15+$0x32A0]  }
0x45: {  	v24 =	vld [tilespmem:s15+$0x32B0]  }
0x46: {  	v4 =	vld [tilespmem:s15+$0x32C0]  }
0x47: {  	v5 =	vld [tilespmem:s15+$0x32D0]  }
0x48: {  	v21 =	vld [tilespmem:s15+$0x3200]  }
0x49: {  	v22 =	vld [tilespmem:s15+$0x3210]  }
0x4a: {  	v23 =	vld [tilespmem:s15+$0x3220]  }
0x4b: {  	v30 =	vld [tilespmem:s15+$0x3230]  }
0x4c: {  	v10 =	vld [tilespmem:s15+$0x3240]  }
0x4d: {  	v27 =	vld [tilespmem:s15+$0x3180]  }
0x4e: {  	v28 =	vld [tilespmem:s15+$0x3190]  }
0x4f: {  	v25 =	vld [tilespmem:s15+$0x3100]  }
0x50: {  	v26 =	vld [tilespmem:s15+$0x3110]  }
0x51: {  	v11 =	vld [tilespmem:s15+$0x3080]  }
0x52: {  	v20 =	vld [tilespmem:s15+$0x3090]  }
0x53: {  	v29 =	vld [tilespmem:s15+$0x3000]  }
0x54: {  	v31 =	vld [tilespmem:s15+$0x3010]  }
0x55: {  	v32 =	vld [tilespmem:s15+$0x3020]  }
0x56: {  	v33 =	vld [tilespmem:s15+$0x3030]  }
0x57: {  	v34 =	vld [tilespmem:s15+$0x30A0]  }
0x58: {  	v35 =	vld [tilespmem:s15+$0x30B0]  }
0x59: {  	v12 =	vimm.f32 $0.0e+00;
	v36 =	vld [tilespmem:s15+$0x3120]  }
0x5a: {  	v37 =	vld [tilespmem:s15+$0x3130];
	v29 =	vadd.f32 v29, v12;
	v31 =	vadd.f32 v31, v12  }
0x5b: {  	v38 =	vld [tilespmem:s15+$0x31A0];
	v32 =	vadd.f32 v32, v12;
	v33 =	vadd.f32 v33, v12  }
0x5c: {  	v39 =	vld [tilespmem:s15+$0x31B0];
	v29 =	vadd.f32 v11, v29;
	v31 =	vadd.f32 v20, v31  }
0x5d: {  	v11 =	vld [tilespmem:s15+$0x3250];
	v32 =	vadd.f32 v34, v32;
	v33 =	vadd.f32 v35, v33  }
0x5e: {  	v20 =	vld [tilespmem:s15+$0x31C0];
	v29 =	vadd.f32 v25, v29;
	v31 =	vadd.f32 v26, v31  }
0x5f: {  	v25 =	vld [tilespmem:s15+$0x31D0];
	v32 =	vadd.f32 v36, v32;
	v33 =	vadd.f32 v37, v33  }
0x60: {  	v26 =	vld [tilespmem:s15+$0x3140];
	v29 =	vadd.f32 v27, v29;
	v31 =	vadd.f32 v28, v31  }
0x61: {  	v27 =	vld [tilespmem:s15+$0x3150];
	v32 =	vadd.f32 v38, v32;
	v33 =	vadd.f32 v39, v33  }
0x62: {  	v28 =	vld [tilespmem:s15+$0x30C0];
	v21 =	vadd.f32 v21, v29;
	v22 =	vadd.f32 v22, v31  }
0x63: {  	v29 =	vld [tilespmem:s15+$0x30D0];
	v23 =	vadd.f32 v23, v32;
	v63 =	vadd.f32 v30, v33  }
0x64: {  	v30 =	vld [tilespmem:s15+$0x3040];
	v21 =	vadd.f32 v17, v21;
	v22 =	vadd.f32 v18, v22  }
0x65: {  	v31 =	vld [tilespmem:s15+$0x3050];
	v23 =	vadd.f32 v19, v23;
	v24 =	vadd.f32 v24, v63  }
0x66: {  	s16 =	simm.s32 $0x1000;
	v32 =	vld [tilespmem:s15+$0x3060];
	v19 =	vimm.f32 $0.0e+00;
	v18 =	vimm.f32 $0.0e+00;
	v17 =	vimm.f32 $0.0e+00  }
.LBB2_3:
0x67: {  	p0 =	sne.s32 s16, $0x18000;
	v33 =	vld [tilespmem:s15+$0x3070];
	v14 =	vadd.f32 v14, v21;
	v16 =	vadd.f32 v16, v22  }
0x68: {  	v34 =	vld [tilespmem:s15+$0x30E0];
	v13 =	vadd.f32 v13, v23;
	v15 =	vadd.f32 v15, v24  }
0x69: {  	v35 =	vld [tilespmem:s15+$0x30F0];
	v21 =	vadd.f32 v6, v14;
	v22 =	vadd.f32 v7, v16  }
0x6a: {  	v6 =	vld [tilespmem:s15+$0x3160];
	v23 =	vadd.f32 v8, v13;
	v24 =	vadd.f32 v9, v15  }
0x6b: {  	v7 =	vadd.f32 v30, v12;
	v8 =	vadd.f32 v31, v19;
	v9 =	vld [tilespmem:s15+$0x3170]  }
0x6c: {  	v12 =	vadd.f32 v32, v18;
	v13 =	vadd.f32 v33, v17;
	v14 =	vld [tilespmem:s15+$0x31E0]  }
0x6d: {  	v7 =	vadd.f32 v28, v7;
	v8 =	vadd.f32 v29, v8;
	v15 =	vld [tilespmem:s15+$0x31F0]  }
0x6e: {  	v12 =	vadd.f32 v34, v12;
	v13 =	vadd.f32 v35, v13;
	v16 =	vld [tilespmem:s15+$0x3260]  }
0x6f: {  	v7 =	vadd.f32 v26, v7;
	v8 =	vadd.f32 v27, v8;
	v17 =	vld [tilespmem:s15+$0x3270]  }
0x70: {  	v6 =	vadd.f32 v6, v12;
	v9 =	vadd.f32 v9, v13;
	v12 =	vld [tilespmem:s15+$0x32E0]  }
0x71: {  	v7 =	vadd.f32 v20, v7;
	v8 =	vadd.f32 v25, v8;
	v13 =	vld [tilespmem:s15+$0x32F0]  }
0x72: {  	v6 =	vadd.f32 v14, v6;
	v9 =	vadd.f32 v15, v9;
	v14 =	vld [tilespmem:s15+$0x3360]  }
0x73: {  	v7 =	vadd.f32 v10, v7;
	v8 =	vadd.f32 v11, v8;
	v10 =	vld [tilespmem:s15+$0x3370]  }
0x74: {  	v11 =	vadd.f32 v16, v6;
	v9 =	vadd.f32 v17, v9;
	v15 =	vld [tilespmem:s15+$0x33E0]  }
0x75: {  	v4 =	vadd.f32 v4, v7;
	v5 =	vadd.f32 v5, v8;
	v16 =	vld [tilespmem:s15+$0x33F0];
	s15 =	sshra.s32 s16, $0x2  }
0x76: {  	v11 =	vadd.f32 v12, v11;
	v6 =	vld [tilespmem:s15+$0x3380];
	v9 =	vadd.f32 v13, v9  }
0x77: {  	v3 =	vadd.f32 v3, v4;
	v2 =	vadd.f32 v2, v5;
	v7 =	vld [tilespmem:s15+$0x3390]  }
0x78: {  	v4 =	vadd.f32 v14, v11;
	v8 =	vld [tilespmem:s15+$0x33A0];
	v5 =	vadd.f32 v10, v9  }
0x79: {  	v12 =	vadd.f32 v0, v3;
	v19 =	vadd.f32 v1, v2;
	v9 =	vld [tilespmem:s15+$0x33B0]  }
0x7a: {  	v18 =	vadd.f32 v15, v4;
	v0 =	vld [tilespmem:s15+$0x33C0];
	v17 =	vadd.f32 v16, v5  }
0x7b: {  	v1 =	vld [tilespmem:s15+$0x33D0]  }
0x7c: {  	v14 =	vld [tilespmem:s15+$0x3300]  }
0x7d: {  	v16 =	vld [tilespmem:s15+$0x3310]  }
0x7e: {  	v13 =	vld [tilespmem:s15+$0x3320]  }
0x7f: {  	v15 =	vld [tilespmem:s15+$0x3330]  }
0x80: {  	v3 =	vld [tilespmem:s15+$0x3340]  }
0x81: {  	v2 =	vld [tilespmem:s15+$0x3350]  }
0x82: {  	v32 =	vld [tilespmem:s15+$0x3280]  }
0x83: {  	v33 =	vld [tilespmem:s15+$0x3290]  }
0x84: {  	v34 =	vld [tilespmem:s15+$0x32A0]  }
0x85: {  	v35 =	vld [tilespmem:s15+$0x32B0]  }
0x86: {  	v4 =	vld [tilespmem:s15+$0x32C0]  }
0x87: {  	v5 =	vld [tilespmem:s15+$0x32D0]  }
0x88: {  	v30 =	vld [tilespmem:s15+$0x3200]  }
0x89: {  	v31 =	vld [tilespmem:s15+$0x3210]  }
0x8a: {  	v36 =	vld [tilespmem:s15+$0x3220]  }
0x8b: {  	v37 =	vld [tilespmem:s15+$0x3230]  }
0x8c: {  	v10 =	vld [tilespmem:s15+$0x3240]  }
0x8d: {  	v11 =	vld [tilespmem:s15+$0x3250]  }
0x8e: {  	v28 =	vld [tilespmem:s15+$0x3180]  }
0x8f: {  	v29 =	vld [tilespmem:s15+$0x3190]  }
0x90: {  	v25 =	vld [tilespmem:s15+$0x3100]  }
0x91: {  	v26 =	vld [tilespmem:s15+$0x3110]  }
0x92: {  	v20 =	vld [tilespmem:s15+$0x3080]  }
0x93: {  	v27 =	vld [tilespmem:s15+$0x3090]  }
0x94: {  	v38 =	vld [tilespmem:s15+$0x3000]  }
0x95: {  	v39 =	vld [tilespmem:s15+$0x3010]  }
0x96: {  	v40 =	vld [tilespmem:s15+$0x3020]  }
0x97: {  	v41 =	vld [tilespmem:s15+$0x3030]  }
0x98: {  	v42 =	vld [tilespmem:s15+$0x30A0]  }
0x99: {  	v43 =	vld [tilespmem:s15+$0x30B0]  }
0x9a: {  	v44 =	vld [tilespmem:s15+$0x3120]  }
0x9b: {  	v21 =	vadd.f32 v38, v21;
	v22 =	vadd.f32 v39, v22;
	v38 =	vld [tilespmem:s15+$0x3130]  }
0x9c: {  	v23 =	vadd.f32 v40, v23;
	v24 =	vadd.f32 v41, v24;
	v39 =	vld [tilespmem:s15+$0x31A0]  }
0x9d: {  	v21 =	vadd.f32 v20, v21;
	v22 =	vadd.f32 v27, v22;
	v40 =	vld [tilespmem:s15+$0x31B0]  }
0x9e: {  	v23 =	vadd.f32 v42, v23;
	v24 =	vadd.f32 v43, v24;
	v20 =	vld [tilespmem:s15+$0x31C0]  }
0x9f: {  	v21 =	vadd.f32 v25, v21;
	v22 =	vadd.f32 v26, v22;
	v25 =	vld [tilespmem:s15+$0x31D0]  }
0xa0: {  	v23 =	vadd.f32 v44, v23;
	v24 =	vadd.f32 v38, v24;
	v26 =	vld [tilespmem:s15+$0x3140]  }
0xa1: {  	v21 =	vadd.f32 v28, v21;
	v22 =	vadd.f32 v29, v22;
	v27 =	vld [tilespmem:s15+$0x3150]  }
.Ltmp0:
0xa2: {  	v23 =	vadd.f32 v39, v23;
	v28 =	vld [tilespmem:s15+$0x30C0];
	v24 =	vadd.f32 v40, v24;
	(pc) =	sbr.rel @p0 .LBB2_3-.Ltmp0, $4  }
0xa3: {  	v21 =	vadd.f32 v30, v21;
	v22 =	vadd.f32 v31, v22;
	v29 =	vld [tilespmem:s15+$0x30D0]  }
0xa4: {  	v23 =	vadd.f32 v36, v23;
	v30 =	vld [tilespmem:s15+$0x3040];
	v24 =	vadd.f32 v37, v24  }
0xa5: {  	v21 =	vadd.f32 v32, v21;
	v22 =	vadd.f32 v33, v22;
	v31 =	vld [tilespmem:s15+$0x3050]  }
0xa6: {  	s16 =	sadd.s32 $0x1000, s16;
	v23 =	vadd.f32 v34, v23;
	v32 =	vld [tilespmem:s15+$0x3060];
	v24 =	vadd.f32 v35, v24  }
0xa7: {  	v14 =	vadd.f32 v14, v21;
	v16 =	vadd.f32 v16, v22  }
0xa8: {  	v33 =	vld [tilespmem:s15+$0x3070];
	v13 =	vadd.f32 v13, v23;
	v15 =	vadd.f32 v15, v24  }
0xa9: {  	v21 =	vld [tilespmem:s15+$0x30E0];
	v6 =	vadd.f32 v6, v14;
	v7 =	vadd.f32 v7, v16  }
0xaa: {  	v22 =	vld [tilespmem:s15+$0x30F0];
	v12 =	vadd.f32 v30, v12;
	v8 =	vadd.f32 v8, v13  }
0xab: {  	v14 =	vld [tilespmem:s15+$0x3160];
	v9 =	vadd.f32 v9, v15;
	v13 =	vadd.f32 v31, v19  }
0xac: {  	v15 =	vld [tilespmem:s15+$0x3170];
	v16 =	vadd.f32 v32, v18;
	v12 =	vadd.f32 v28, v12  }
0xad: {  	v18 =	vld [tilespmem:s15+$0x31E0];
	v17 =	vadd.f32 v33, v17;
	v13 =	vadd.f32 v29, v13  }
0xae: {  	v19 =	vld [tilespmem:s15+$0x31F0];
	v16 =	vadd.f32 v21, v16;
	v12 =	vadd.f32 v26, v12  }
0xaf: {  	v21 =	vld [tilespmem:s15+$0x3260];
	v17 =	vadd.f32 v22, v17;
	v13 =	vadd.f32 v27, v13  }
0xb0: {  	v22 =	vld [tilespmem:s15+$0x3270];
	v14 =	vadd.f32 v14, v16;
	v12 =	vadd.f32 v20, v12  }
0xb1: {  	v16 =	vld [tilespmem:s15+$0x32E0];
	v15 =	vadd.f32 v15, v17;
	v13 =	vadd.f32 v25, v13  }
0xb2: {  	v17 =	vld [tilespmem:s15+$0x32F0];
	v14 =	vadd.f32 v18, v14;
	v10 =	vadd.f32 v10, v12  }
0xb3: {  	v18 =	vld [tilespmem:s15+$0x3360];
	v12 =	vadd.f32 v19, v15;
	v11 =	vadd.f32 v11, v13  }
0xb4: {  	v13 =	vld [tilespmem:s15+$0x3370];
	v14 =	vadd.f32 v21, v14;
	v4 =	vadd.f32 v4, v10  }
0xb5: {  	s14 =	sand.u32 $0x3FFFFE00, s14;
	v15 =	vld [tilespmem:s15+$0x33E0];
	v10 =	vadd.f32 v22, v12;
	v5 =	vadd.f32 v5, v11  }
0xb6: {  	v11 =	vld [tilespmem:s15+$0x33F0];
	[tilespmem:s14+$0x2000] =	vst v6;
	v12 =	vadd.f32 v16, v14;
	v3 =	vadd.f32 v3, v4  }
0xb7: {  	[tilespmem:s14+$0x2010] =	vst v7;
	v4 =	vadd.f32 v17, v10;
	v2 =	vadd.f32 v2, v5  }
0xb8: {  	[tilespmem:s14+$0x2020] =	vst v8;
	v5 =	vadd.f32 v18, v12;
	v0 =	vadd.f32 v0, v3  }
0xb9: {  	p0 =	seq.s32 s12, $0x7;
	s15 =	sshll.u32 s12, $0x2;
	[tilespmem:s14+$0x2030] =	vst v9;
	v3 =	vadd.f32 v13, v4;
	v1 =	vadd.f32 v1, v2  }
0xba: {  	s16 =	sadd.s32 @!p0 $0x4, s15;
	v2 =	vadd.f32 v15, v5;
	[tilespmem:s14+$0x2040] =	vst v0  }
0xbb: {  	s17 =	sshll.u32 @!p0 s16, $0x8;
	s16 =	sshll.u32 @!p0 s16, $0x7;
	v0 =	vadd.f32 v11, v3;
	[tilespmem:s14+$0x2050] =	vst v1  }
0xbc: {  	s18 =	sand.u32 @!p0 $0x3800, s17;
	s16 =	sand.u32 @!p0 $0x200, s16;
	[tilespmem:s14+$0x2060] =	vst v2  }
0xbd: {  	s19 =	simm.s32 @!p0 $0x40;
	s20 =	simm.s32 @!p0 $0x3000;
	s18 =	sor.u32 @!p0 s16, s18;
	[tilespmem:s14+$0x2070] =	vst v0  }
0xbe: {  	[tilespmem:s20], [sflag:$0x1] =	stream.indirect.gather @!p0 [hbm4b:s2+s19], $0x80, s18, s19, $0xb8;
	[tilespmem:$0x1C000] =	vst v63  }
0xbf: {  	s16 =	sor.u32 @!p0 s16, s17;
	s18 =	sor.u32 @!p0 $0x40, s18;
	s20 =	simm.s32 @!p0 $0x5000  }
0xc0: {  	[tilespmem:s20], [sflag:$0x1] =	stream.indirect.gather @!p0 [hbm4b:s2+s19], $0x80, s18, s19, $0xb8;
	[tilespmem:$0x1C000] =	vst v63  }
0xc1: {  	s17 =	simm.s32 @!p0 $0x48;
	s16 =	sor.u32 @!p0 $0x400, s16;
	s18 =	simm.s32 @!p0 $0x7000  }
0xc2: {  	[tilespmem:s18], [sflag:$0x1] =	stream.indirect.gather @!p0 [hbm4b:s2+s17], $0x80, s16, s17, $0xb8;
	[tilespmem:$0x1C000] =	vst v63  }
0xc3: {  	_ =	swait.ge [sflag:s31], $0x2000  }
0xc4: {  	[sflag:s31] =	ssyncset.done $0x0  }
0xc5: {  	[sflag:s31] =	ssyncadd.s32 $0xFFFFE000  }
0xc6: {  	_ =	swait.ge [sflag:s31], $0x2000  }
0xc7: {  	[sflag:s31] =	ssyncset.done $0x0  }
0xc8: {  	[sflag:s31] =	ssyncadd.s32 $0xFFFFE000  }
0xc9: {  	_ =	swait.ge [sflag:s31], $0x2400  }
0xca: {  	[sflag:s31] =	ssyncset.done $0x0  }
0xcb: {  	s16 =	simm.s32 $0x0;
	[sflag:s31] =	ssyncadd.s32 $0xFFFFDC00  }
0xcc: {  	v6 =	vld [tilespmem:s16+$0x9780]  }
0xcd: {  	v7 =	vld [tilespmem:s16+$0x9790]  }
0xce: {  	v8 =	vld [tilespmem:s16+$0x97A0]  }
0xcf: {  	v9 =	vld [tilespmem:s16+$0x97B0]  }
0xd0: {  	v0 =	vld [tilespmem:s16+$0x97C0]  }
0xd1: {  	v1 =	vld [tilespmem:s16+$0x97D0]  }
0xd2: {  	v14 =	vld [tilespmem:s16+$0x9700]  }
0xd3: {  	v16 =	vld [tilespmem:s16+$0x9710]  }
0xd4: {  	v13 =	vld [tilespmem:s16+$0x9720]  }
0xd5: {  	v15 =	vld [tilespmem:s16+$0x9730]  }
0xd6: {  	v3 =	vld [tilespmem:s16+$0x9740]  }
0xd7: {  	v2 =	vld [tilespmem:s16+$0x9750]  }
0xd8: {  	v17 =	vld [tilespmem:s16+$0x9680]  }
0xd9: {  	v18 =	vld [tilespmem:s16+$0x9690]  }
0xda: {  	v19 =	vld [tilespmem:s16+$0x96A0]  }
0xdb: {  	v24 =	vld [tilespmem:s16+$0x96B0]  }
0xdc: {  	v4 =	vld [tilespmem:s16+$0x96C0]  }
0xdd: {  	v5 =	vld [tilespmem:s16+$0x96D0]  }
0xde: {  	v21 =	vld [tilespmem:s16+$0x9600]  }
0xdf: {  	v22 =	vld [tilespmem:s16+$0x9610]  }
0xe0: {  	v23 =	vld [tilespmem:s16+$0x9620]  }
0xe1: {  	v30 =	vld [tilespmem:s16+$0x9630]  }
0xe2: {  	v10 =	vld [tilespmem:s16+$0x9640]  }
0xe3: {  	v27 =	vld [tilespmem:s16+$0x9580]  }
0xe4: {  	v28 =	vld [tilespmem:s16+$0x9590]  }
0xe5: {  	v25 =	vld [tilespmem:s16+$0x9500]  }
0xe6: {  	v26 =	vld [tilespmem:s16+$0x9510]  }
0xe7: {  	v11 =	vld [tilespmem:s16+$0x9480]  }
0xe8: {  	v20 =	vld [tilespmem:s16+$0x9490]  }
0xe9: {  	v29 =	vld [tilespmem:s16+$0x9400]  }
0xea: {  	v31 =	vld [tilespmem:s16+$0x9410]  }
0xeb: {  	v61 =	vld [tilespmem:s16+$0x9420]  }
0xec: {  	v62 =	vld [tilespmem:s16+$0x9430]  }
0xed: {  	v34 =	vld [tilespmem:s16+$0x94A0]  }
0xee: {  	v35 =	vld [tilespmem:s16+$0x94B0]  }
0xef: {  	v12 =	vimm.f32 $0.0e+00;
	v36 =	vld [tilespmem:s16+$0x9520]  }
0xf0: {  	v37 =	vld [tilespmem:s16+$0x9530];
	v29 =	vadd.f32 v29, v12;
	v31 =	vadd.f32 v31, v12  }
0xf1: {  	v38 =	vld [tilespmem:s16+$0x95A0];
	v32 =	vadd.f32 v61, v12;
	v33 =	vadd.f32 v62, v12  }
0xf2: {  	v39 =	vld [tilespmem:s16+$0x95B0];
	v29 =	vadd.f32 v11, v29;
	v31 =	vadd.f32 v20, v31  }
0xf3: {  	v11 =	vld [tilespmem:s16+$0x9650];
	v32 =	vadd.f32 v34, v32;
	v33 =	vadd.f32 v35, v33  }
0xf4: {  	v20 =	vld [tilespmem:s16+$0x95C0];
	v29 =	vadd.f32 v25, v29;
	v31 =	vadd.f32 v26, v31  }
0xf5: {  	v25 =	vld [tilespmem:s16+$0x95D0];
	v32 =	vadd.f32 v36, v32;
	v33 =	vadd.f32 v37, v33  }
0xf6: {  	v26 =	vld [tilespmem:s16+$0x9540];
	v29 =	vadd.f32 v27, v29;
	v31 =	vadd.f32 v28, v31  }
0xf7: {  	v27 =	vld [tilespmem:s16+$0x9550];
	v32 =	vadd.f32 v38, v32;
	v33 =	vadd.f32 v39, v33  }
0xf8: {  	v28 =	vld [tilespmem:s16+$0x94C0];
	v21 =	vadd.f32 v21, v29;
	v22 =	vadd.f32 v22, v31  }
0xf9: {  	v29 =	vld [tilespmem:s16+$0x94D0];
	v23 =	vadd.f32 v23, v32;
	v63 =	vadd.f32 v30, v33  }
0xfa: {  	v30 =	vld [tilespmem:s16+$0x9440];
	v21 =	vadd.f32 v17, v21;
	v22 =	vadd.f32 v18, v22  }
0xfb: {  	v31 =	vld [tilespmem:s16+$0x9450];
	v23 =	vadd.f32 v19, v23;
	v24 =	vadd.f32 v24, v63  }
0xfc: {  	s17 =	simm.s32 $0x1000;
	v32 =	vld [tilespmem:s16+$0x9460];
	v19 =	vimm.f32 $0.0e+00;
	v18 =	vimm.f32 $0.0e+00;
	v17 =	vimm.f32 $0.0e+00  }
.LBB2_5:
0xfd: {  	p1 =	sne.s32 s17, $0x18000;
	v33 =	vld [tilespmem:s16+$0x9470];
	v14 =	vadd.f32 v14, v21;
	v16 =	vadd.f32 v16, v22  }
0xfe: {  	v34 =	vld [tilespmem:s16+$0x94E0];
	v13 =	vadd.f32 v13, v23;
	v15 =	vadd.f32 v15, v24  }
0xff: {  	v35 =	vld [tilespmem:s16+$0x94F0];
	v21 =	vadd.f32 v6, v14;
	v22 =	vadd.f32 v7, v16  }
0x100: {  	v6 =	vld [tilespmem:s16+$0x9560];
	v23 =	vadd.f32 v8, v13;
	v24 =	vadd.f32 v9, v15  }
0x101: {  	v7 =	vadd.f32 v30, v12;
	v8 =	vadd.f32 v31, v19;
	v9 =	vld [tilespmem:s16+$0x9570]  }
0x102: {  	v12 =	vadd.f32 v32, v18;
	v13 =	vadd.f32 v33, v17;
	v14 =	vld [tilespmem:s16+$0x95E0]  }
0x103: {  	v7 =	vadd.f32 v28, v7;
	v8 =	vadd.f32 v29, v8;
	v15 =	vld [tilespmem:s16+$0x95F0]  }
0x104: {  	v12 =	vadd.f32 v34, v12;
	v13 =	vadd.f32 v35, v13;
	v16 =	vld [tilespmem:s16+$0x9660]  }
0x105: {  	v7 =	vadd.f32 v26, v7;
	v8 =	vadd.f32 v27, v8;
	v17 =	vld [tilespmem:s16+$0x9670]  }
0x106: {  	v6 =	vadd.f32 v6, v12;
	v9 =	vadd.f32 v9, v13;
	v12 =	vld [tilespmem:s16+$0x96E0]  }
0x107: {  	v7 =	vadd.f32 v20, v7;
	v8 =	vadd.f32 v25, v8;
	v13 =	vld [tilespmem:s16+$0x96F0]  }
0x108: {  	v6 =	vadd.f32 v14, v6;
	v9 =	vadd.f32 v15, v9;
	v14 =	vld [tilespmem:s16+$0x9760]  }
0x109: {  	v7 =	vadd.f32 v10, v7;
	v8 =	vadd.f32 v11, v8;
	v10 =	vld [tilespmem:s16+$0x9770]  }
0x10a: {  	v11 =	vadd.f32 v16, v6;
	v9 =	vadd.f32 v17, v9;
	v15 =	vld [tilespmem:s16+$0x97E0]  }
0x10b: {  	v4 =	vadd.f32 v4, v7;
	v5 =	vadd.f32 v5, v8;
	v16 =	vld [tilespmem:s16+$0x97F0];
	s16 =	sshra.s32 s17, $0x2  }
0x10c: {  	v11 =	vadd.f32 v12, v11;
	v6 =	vld [tilespmem:s16+$0x9780];
	v9 =	vadd.f32 v13, v9  }
0x10d: {  	v3 =	vadd.f32 v3, v4;
	v2 =	vadd.f32 v2, v5;
	v7 =	vld [tilespmem:s16+$0x9790]  }
0x10e: {  	v4 =	vadd.f32 v14, v11;
	v8 =	vld [tilespmem:s16+$0x97A0];
	v5 =	vadd.f32 v10, v9  }
0x10f: {  	v12 =	vadd.f32 v0, v3;
	v19 =	vadd.f32 v1, v2;
	v9 =	vld [tilespmem:s16+$0x97B0]  }
0x110: {  	v18 =	vadd.f32 v15, v4;
	v0 =	vld [tilespmem:s16+$0x97C0];
	v17 =	vadd.f32 v16, v5  }
0x111: {  	v1 =	vld [tilespmem:s16+$0x97D0]  }
0x112: {  	v14 =	vld [tilespmem:s16+$0x9700]  }
0x113: {  	v16 =	vld [tilespmem:s16+$0x9710]  }
0x114: {  	v13 =	vld [tilespmem:s16+$0x9720]  }
0x115: {  	v15 =	vld [tilespmem:s16+$0x9730]  }
0x116: {  	v3 =	vld [tilespmem:s16+$0x9740]  }
0x117: {  	v2 =	vld [tilespmem:s16+$0x9750]  }
0x118: {  	v32 =	vld [tilespmem:s16+$0x9680]  }
0x119: {  	v33 =	vld [tilespmem:s16+$0x9690]  }
0x11a: {  	v34 =	vld [tilespmem:s16+$0x96A0]  }
0x11b: {  	v35 =	vld [tilespmem:s16+$0x96B0]  }
0x11c: {  	v4 =	vld [tilespmem:s16+$0x96C0]  }
0x11d: {  	v5 =	vld [tilespmem:s16+$0x96D0]  }
0x11e: {  	v30 =	vld [tilespmem:s16+$0x9600]  }
0x11f: {  	v31 =	vld [tilespmem:s16+$0x9610]  }
0x120: {  	v36 =	vld [tilespmem:s16+$0x9620]  }
0x121: {  	v37 =	vld [tilespmem:s16+$0x9630]  }
0x122: {  	v10 =	vld [tilespmem:s16+$0x9640]  }
0x123: {  	v11 =	vld [tilespmem:s16+$0x9650]  }
0x124: {  	v28 =	vld [tilespmem:s16+$0x9580]  }
0x125: {  	v29 =	vld [tilespmem:s16+$0x9590]  }
0x126: {  	v25 =	vld [tilespmem:s16+$0x9500]  }
0x127: {  	v26 =	vld [tilespmem:s16+$0x9510]  }
0x128: {  	v20 =	vld [tilespmem:s16+$0x9480]  }
0x129: {  	v27 =	vld [tilespmem:s16+$0x9490]  }
0x12a: {  	v38 =	vld [tilespmem:s16+$0x9400]  }
0x12b: {  	v39 =	vld [tilespmem:s16+$0x9410]  }
0x12c: {  	v40 =	vld [tilespmem:s16+$0x9420]  }
0x12d: {  	v41 =	vld [tilespmem:s16+$0x9430]  }
0x12e: {  	v42 =	vld [tilespmem:s16+$0x94A0]  }
0x12f: {  	v43 =	vld [tilespmem:s16+$0x94B0]  }
0x130: {  	v44 =	vld [tilespmem:s16+$0x9520]  }
0x131: {  	v21 =	vadd.f32 v38, v21;
	v22 =	vadd.f32 v39, v22;
	v38 =	vld [tilespmem:s16+$0x9530]  }
0x132: {  	v23 =	vadd.f32 v40, v23;
	v24 =	vadd.f32 v41, v24;
	v39 =	vld [tilespmem:s16+$0x95A0]  }
0x133: {  	v21 =	vadd.f32 v20, v21;
	v22 =	vadd.f32 v27, v22;
	v40 =	vld [tilespmem:s16+$0x95B0]  }
0x134: {  	v23 =	vadd.f32 v42, v23;
	v24 =	vadd.f32 v43, v24;
	v20 =	vld [tilespmem:s16+$0x95C0]  }
0x135: {  	v21 =	vadd.f32 v25, v21;
	v22 =	vadd.f32 v26, v22;
	v25 =	vld [tilespmem:s16+$0x95D0]  }
0x136: {  	v23 =	vadd.f32 v44, v23;
	v24 =	vadd.f32 v38, v24;
	v26 =	vld [tilespmem:s16+$0x9540]  }
0x137: {  	v21 =	vadd.f32 v28, v21;
	v22 =	vadd.f32 v29, v22;
	v27 =	vld [tilespmem:s16+$0x9550]  }
.Ltmp1:
0x138: {  	v23 =	vadd.f32 v39, v23;
	v28 =	vld [tilespmem:s16+$0x94C0];
	v24 =	vadd.f32 v40, v24;
	(pc) =	sbr.rel @p1 .LBB2_5-.Ltmp1, $4  }
0x139: {  	v21 =	vadd.f32 v30, v21;
	v22 =	vadd.f32 v31, v22;
	v29 =	vld [tilespmem:s16+$0x94D0]  }
0x13a: {  	v23 =	vadd.f32 v36, v23;
	v30 =	vld [tilespmem:s16+$0x9440];
	v24 =	vadd.f32 v37, v24  }
0x13b: {  	v21 =	vadd.f32 v32, v21;
	v22 =	vadd.f32 v33, v22;
	v31 =	vld [tilespmem:s16+$0x9450]  }
0x13c: {  	s17 =	sadd.s32 $0x1000, s17;
	v23 =	vadd.f32 v34, v23;
	v32 =	vld [tilespmem:s16+$0x9460];
	v24 =	vadd.f32 v35, v24  }
0x13d: {  	v14 =	vadd.f32 v14, v21;
	v16 =	vadd.f32 v16, v22  }
0x13e: {  	v33 =	vld [tilespmem:s16+$0x9470];
	v13 =	vadd.f32 v13, v23;
	v15 =	vadd.f32 v15, v24  }
0x13f: {  	v21 =	vld [tilespmem:s16+$0x94E0];
	v6 =	vadd.f32 v6, v14;
	v7 =	vadd.f32 v7, v16  }
0x140: {  	v22 =	vld [tilespmem:s16+$0x94F0];
	v12 =	vadd.f32 v30, v12;
	v8 =	vadd.f32 v8, v13  }
0x141: {  	v14 =	vld [tilespmem:s16+$0x9560];
	v9 =	vadd.f32 v9, v15;
	v13 =	vadd.f32 v31, v19  }
0x142: {  	v15 =	vld [tilespmem:s16+$0x9570];
	v16 =	vadd.f32 v32, v18;
	v12 =	vadd.f32 v28, v12  }
0x143: {  	v18 =	vld [tilespmem:s16+$0x95E0];
	v17 =	vadd.f32 v33, v17;
	v13 =	vadd.f32 v29, v13  }
0x144: {  	v19 =	vld [tilespmem:s16+$0x95F0];
	v16 =	vadd.f32 v21, v16;
	v12 =	vadd.f32 v26, v12  }
0x145: {  	v21 =	vld [tilespmem:s16+$0x9660];
	v17 =	vadd.f32 v22, v17;
	v13 =	vadd.f32 v27, v13  }
0x146: {  	v22 =	vld [tilespmem:s16+$0x9670];
	v14 =	vadd.f32 v14, v16;
	v12 =	vadd.f32 v20, v12  }
0x147: {  	v16 =	vld [tilespmem:s16+$0x96E0];
	v15 =	vadd.f32 v15, v17;
	v13 =	vadd.f32 v25, v13  }
0x148: {  	v17 =	vld [tilespmem:s16+$0x96F0];
	v14 =	vadd.f32 v18, v14;
	v10 =	vadd.f32 v10, v12  }
0x149: {  	v18 =	vld [tilespmem:s16+$0x9760];
	v12 =	vadd.f32 v19, v15;
	v11 =	vadd.f32 v11, v13  }
0x14a: {  	v13 =	vld [tilespmem:s16+$0x9770];
	v14 =	vadd.f32 v21, v14;
	v4 =	vadd.f32 v4, v10  }
0x14b: {  	v15 =	vld [tilespmem:s16+$0x97E0];
	v10 =	vadd.f32 v22, v12;
	v5 =	vadd.f32 v5, v11  }
0x14c: {  	v11 =	vld [tilespmem:s16+$0x97F0];
	[tilespmem:s14+$0x2080] =	vst v6;
	v12 =	vadd.f32 v16, v14;
	v3 =	vadd.f32 v3, v4  }
0x14d: {  	[tilespmem:s14+$0x2090] =	vst v7;
	v4 =	vadd.f32 v17, v10;
	v2 =	vadd.f32 v2, v5  }
0x14e: {  	[tilespmem:s14+$0x20A0] =	vst v8;
	v5 =	vadd.f32 v18, v12;
	v0 =	vadd.f32 v0, v3  }
0x14f: {  	[tilespmem:s14+$0x20B0] =	vst v9;
	v3 =	vadd.f32 v13, v4;
	v1 =	vadd.f32 v1, v2  }
0x150: {  	s16 =	sadd.s32 @!p0 $0x5, s15;
	v2 =	vadd.f32 v15, v5;
	[tilespmem:s14+$0x20C0] =	vst v0  }
0x151: {  	s17 =	sshll.u32 @!p0 s16, $0x8;
	s16 =	sshll.u32 @!p0 s16, $0x7;
	v0 =	vadd.f32 v11, v3;
	[tilespmem:s14+$0x20D0] =	vst v1  }
0x152: {  	s17 =	sand.u32 @!p0 $0x3800, s17;
	s16 =	sand.u32 @!p0 $0x280, s16;
	[tilespmem:s14+$0x20E0] =	vst v2  }
0x153: {  	s18 =	simm.s32 @!p0 $0x9400;
	s16 =	sor.u32 @!p0 s16, s17;
	s17 =	simm.s32 @!p0 $0x40;
	[tilespmem:s14+$0x20F0] =	vst v0  }
0x154: {  	[tilespmem:s18], [sflag:$0x2] =	stream.indirect.gather @!p0 [hbm4b:s2+s17], $0x80, s16, s17, $0xb8;
	[tilespmem:$0x1C000] =	vst v63  }
0x155: {  	s19 =	simm.s32 @!p0 $0xB400;
	s18 =	sor.u32 @!p0 $0x40, s16  }
0x156: {  	[tilespmem:s19], [sflag:$0x2] =	stream.indirect.gather @!p0 [hbm4b:s2+s17], $0x80, s18, s17, $0xb8;
	[tilespmem:$0x1C000] =	vst v63  }
0x157: {  	s16 =	sor.u32 @!p0 $0x400, s16;
	s17 =	simm.s32 @!p0 $0x48;
	s18 =	simm.s32 @!p0 $0xD400  }
0x158: {  	[tilespmem:s18], [sflag:$0x2] =	stream.indirect.gather @!p0 [hbm4b:s2+s17], $0x80, s16, s17, $0xb8;
	[tilespmem:$0x1C000] =	vst v63  }
0x159: {  	_ =	swait.ge [sflag:s1], $0x2000  }
0x15a: {  	[sflag:s1] =	ssyncset.done $0x0  }
0x15b: {  	[sflag:s1] =	ssyncadd.s32 $0xFFFFE000  }
0x15c: {  	_ =	swait.ge [sflag:s1], $0x2000  }
0x15d: {  	[sflag:s1] =	ssyncset.done $0x0  }
0x15e: {  	[sflag:s1] =	ssyncadd.s32 $0xFFFFE000  }
0x15f: {  	_ =	swait.ge [sflag:s1], $0x2400  }
0x160: {  	[sflag:s1] =	ssyncset.done $0x0  }
0x161: {  	s16 =	simm.s32 $0x0;
	[sflag:s1] =	ssyncadd.s32 $0xFFFFDC00  }
0x162: {  	v6 =	vld [tilespmem:s16+$0xFB80]  }
0x163: {  	v7 =	vld [tilespmem:s16+$0xFB90]  }
0x164: {  	v8 =	vld [tilespmem:s16+$0xFBA0]  }
0x165: {  	v9 =	vld [tilespmem:s16+$0xFBB0]  }
0x166: {  	v0 =	vld [tilespmem:s16+$0xFBC0]  }
0x167: {  	v1 =	vld [tilespmem:s16+$0xFBD0]  }
0x168: {  	v14 =	vld [tilespmem:s16+$0xFB00]  }
0x169: {  	v16 =	vld [tilespmem:s16+$0xFB10]  }
0x16a: {  	v13 =	vld [tilespmem:s16+$0xFB20]  }
0x16b: {  	v15 =	vld [tilespmem:s16+$0xFB30]  }
0x16c: {  	v3 =	vld [tilespmem:s16+$0xFB40]  }
0x16d: {  	v2 =	vld [tilespmem:s16+$0xFB50]  }
0x16e: {  	v17 =	vld [tilespmem:s16+$0xFA80]  }
0x16f: {  	v18 =	vld [tilespmem:s16+$0xFA90]  }
0x170: {  	v19 =	vld [tilespmem:s16+$0xFAA0]  }
0x171: {  	v24 =	vld [tilespmem:s16+$0xFAB0]  }
0x172: {  	v4 =	vld [tilespmem:s16+$0xFAC0]  }
0x173: {  	v5 =	vld [tilespmem:s16+$0xFAD0]  }
0x174: {  	v21 =	vld [tilespmem:s16+$0xFA00]  }
0x175: {  	v22 =	vld [tilespmem:s16+$0xFA10]  }
0x176: {  	v23 =	vld [tilespmem:s16+$0xFA20]  }
0x177: {  	v30 =	vld [tilespmem:s16+$0xFA30]  }
0x178: {  	v10 =	vld [tilespmem:s16+$0xFA40]  }
0x179: {  	v27 =	vld [tilespmem:s16+$0xF980]  }
0x17a: {  	v28 =	vld [tilespmem:s16+$0xF990]  }
0x17b: {  	v25 =	vld [tilespmem:s16+$0xF900]  }
0x17c: {  	v26 =	vld [tilespmem:s16+$0xF910]  }
0x17d: {  	v11 =	vld [tilespmem:s16+$0xF880]  }
0x17e: {  	v20 =	vld [tilespmem:s16+$0xF890]  }
0x17f: {  	v29 =	vld [tilespmem:s16+$0xF800]  }
0x180: {  	v31 =	vld [tilespmem:s16+$0xF810]  }
0x181: {  	v61 =	vld [tilespmem:s16+$0xF820]  }
0x182: {  	v62 =	vld [tilespmem:s16+$0xF830]  }
0x183: {  	v34 =	vld [tilespmem:s16+$0xF8A0]  }
0x184: {  	v35 =	vld [tilespmem:s16+$0xF8B0]  }
0x185: {  	v12 =	vimm.f32 $0.0e+00;
	v36 =	vld [tilespmem:s16+$0xF920]  }
0x186: {  	v37 =	vld [tilespmem:s16+$0xF930];
	v29 =	vadd.f32 v29, v12;
	v31 =	vadd.f32 v31, v12  }
0x187: {  	v38 =	vld [tilespmem:s16+$0xF9A0];
	v32 =	vadd.f32 v61, v12;
	v33 =	vadd.f32 v62, v12  }
0x188: {  	v39 =	vld [tilespmem:s16+$0xF9B0];
	v29 =	vadd.f32 v11, v29;
	v31 =	vadd.f32 v20, v31  }
0x189: {  	v11 =	vld [tilespmem:s16+$0xFA50];
	v32 =	vadd.f32 v34, v32;
	v33 =	vadd.f32 v35, v33  }
0x18a: {  	v20 =	vld [tilespmem:s16+$0xF9C0];
	v29 =	vadd.f32 v25, v29;
	v31 =	vadd.f32 v26, v31  }
0x18b: {  	v25 =	vld [tilespmem:s16+$0xF9D0];
	v32 =	vadd.f32 v36, v32;
	v33 =	vadd.f32 v37, v33  }
0x18c: {  	v26 =	vld [tilespmem:s16+$0xF940];
	v29 =	vadd.f32 v27, v29;
	v31 =	vadd.f32 v28, v31  }
0x18d: {  	v27 =	vld [tilespmem:s16+$0xF950];
	v32 =	vadd.f32 v38, v32;
	v33 =	vadd.f32 v39, v33  }
0x18e: {  	v28 =	vld [tilespmem:s16+$0xF8C0];
	v21 =	vadd.f32 v21, v29;
	v22 =	vadd.f32 v22, v31  }
0x18f: {  	v29 =	vld [tilespmem:s16+$0xF8D0];
	v23 =	vadd.f32 v23, v32;
	v63 =	vadd.f32 v30, v33  }
0x190: {  	v30 =	vld [tilespmem:s16+$0xF840];
	v21 =	vadd.f32 v17, v21;
	v22 =	vadd.f32 v18, v22  }
0x191: {  	v31 =	vld [tilespmem:s16+$0xF850];
	v23 =	vadd.f32 v19, v23;
	v24 =	vadd.f32 v24, v63  }
0x192: {  	s17 =	simm.s32 $0x1000;
	v32 =	vld [tilespmem:s16+$0xF860];
	v19 =	vimm.f32 $0.0e+00;
	v18 =	vimm.f32 $0.0e+00;
	v17 =	vimm.f32 $0.0e+00  }
.LBB2_7:
0x193: {  	p1 =	sne.s32 s17, $0x18000;
	v33 =	vld [tilespmem:s16+$0xF870];
	v14 =	vadd.f32 v14, v21;
	v16 =	vadd.f32 v16, v22  }
0x194: {  	v34 =	vld [tilespmem:s16+$0xF8E0];
	v13 =	vadd.f32 v13, v23;
	v15 =	vadd.f32 v15, v24  }
0x195: {  	v35 =	vld [tilespmem:s16+$0xF8F0];
	v21 =	vadd.f32 v6, v14;
	v22 =	vadd.f32 v7, v16  }
0x196: {  	v6 =	vld [tilespmem:s16+$0xF960];
	v23 =	vadd.f32 v8, v13;
	v24 =	vadd.f32 v9, v15  }
0x197: {  	v7 =	vadd.f32 v30, v12;
	v8 =	vadd.f32 v31, v19;
	v9 =	vld [tilespmem:s16+$0xF970]  }
0x198: {  	v12 =	vadd.f32 v32, v18;
	v13 =	vadd.f32 v33, v17;
	v14 =	vld [tilespmem:s16+$0xF9E0]  }
0x199: {  	v7 =	vadd.f32 v28, v7;
	v8 =	vadd.f32 v29, v8;
	v15 =	vld [tilespmem:s16+$0xF9F0]  }
0x19a: {  	v12 =	vadd.f32 v34, v12;
	v13 =	vadd.f32 v35, v13;
	v16 =	vld [tilespmem:s16+$0xFA60]  }
0x19b: {  	v7 =	vadd.f32 v26, v7;
	v8 =	vadd.f32 v27, v8;
	v17 =	vld [tilespmem:s16+$0xFA70]  }
0x19c: {  	v6 =	vadd.f32 v6, v12;
	v9 =	vadd.f32 v9, v13;
	v12 =	vld [tilespmem:s16+$0xFAE0]  }
0x19d: {  	v7 =	vadd.f32 v20, v7;
	v8 =	vadd.f32 v25, v8;
	v13 =	vld [tilespmem:s16+$0xFAF0]  }
0x19e: {  	v6 =	vadd.f32 v14, v6;
	v9 =	vadd.f32 v15, v9;
	v14 =	vld [tilespmem:s16+$0xFB60]  }
0x19f: {  	v7 =	vadd.f32 v10, v7;
	v8 =	vadd.f32 v11, v8;
	v10 =	vld [tilespmem:s16+$0xFB70]  }
0x1a0: {  	v11 =	vadd.f32 v16, v6;
	v9 =	vadd.f32 v17, v9;
	v15 =	vld [tilespmem:s16+$0xFBE0]  }
0x1a1: {  	v4 =	vadd.f32 v4, v7;
	v5 =	vadd.f32 v5, v8;
	v16 =	vld [tilespmem:s16+$0xFBF0];
	s16 =	sshra.s32 s17, $0x2  }
0x1a2: {  	v11 =	vadd.f32 v12, v11;
	v6 =	vld [tilespmem:s16+$0xFB80];
	v9 =	vadd.f32 v13, v9  }
0x1a3: {  	v3 =	vadd.f32 v3, v4;
	v2 =	vadd.f32 v2, v5;
	v7 =	vld [tilespmem:s16+$0xFB90]  }
0x1a4: {  	v4 =	vadd.f32 v14, v11;
	v8 =	vld [tilespmem:s16+$0xFBA0];
	v5 =	vadd.f32 v10, v9  }
0x1a5: {  	v12 =	vadd.f32 v0, v3;
	v19 =	vadd.f32 v1, v2;
	v9 =	vld [tilespmem:s16+$0xFBB0]  }
0x1a6: {  	v18 =	vadd.f32 v15, v4;
	v0 =	vld [tilespmem:s16+$0xFBC0];
	v17 =	vadd.f32 v16, v5  }
0x1a7: {  	v1 =	vld [tilespmem:s16+$0xFBD0]  }
0x1a8: {  	v14 =	vld [tilespmem:s16+$0xFB00]  }
0x1a9: {  	v16 =	vld [tilespmem:s16+$0xFB10]  }
0x1aa: {  	v13 =	vld [tilespmem:s16+$0xFB20]  }
0x1ab: {  	v15 =	vld [tilespmem:s16+$0xFB30]  }
0x1ac: {  	v3 =	vld [tilespmem:s16+$0xFB40]  }
0x1ad: {  	v2 =	vld [tilespmem:s16+$0xFB50]  }
0x1ae: {  	v32 =	vld [tilespmem:s16+$0xFA80]  }
0x1af: {  	v33 =	vld [tilespmem:s16+$0xFA90]  }
0x1b0: {  	v34 =	vld [tilespmem:s16+$0xFAA0]  }
0x1b1: {  	v35 =	vld [tilespmem:s16+$0xFAB0]  }
0x1b2: {  	v4 =	vld [tilespmem:s16+$0xFAC0]  }
0x1b3: {  	v5 =	vld [tilespmem:s16+$0xFAD0]  }
0x1b4: {  	v30 =	vld [tilespmem:s16+$0xFA00]  }
0x1b5: {  	v31 =	vld [tilespmem:s16+$0xFA10]  }
0x1b6: {  	v36 =	vld [tilespmem:s16+$0xFA20]  }
0x1b7: {  	v37 =	vld [tilespmem:s16+$0xFA30]  }
0x1b8: {  	v10 =	vld [tilespmem:s16+$0xFA40]  }
0x1b9: {  	v11 =	vld [tilespmem:s16+$0xFA50]  }
0x1ba: {  	v28 =	vld [tilespmem:s16+$0xF980]  }
0x1bb: {  	v29 =	vld [tilespmem:s16+$0xF990]  }
0x1bc: {  	v25 =	vld [tilespmem:s16+$0xF900]  }
0x1bd: {  	v26 =	vld [tilespmem:s16+$0xF910]  }
0x1be: {  	v20 =	vld [tilespmem:s16+$0xF880]  }
0x1bf: {  	v27 =	vld [tilespmem:s16+$0xF890]  }
0x1c0: {  	v38 =	vld [tilespmem:s16+$0xF800]  }
0x1c1: {  	v39 =	vld [tilespmem:s16+$0xF810]  }
0x1c2: {  	v40 =	vld [tilespmem:s16+$0xF820]  }
0x1c3: {  	v41 =	vld [tilespmem:s16+$0xF830]  }
0x1c4: {  	v42 =	vld [tilespmem:s16+$0xF8A0]  }
0x1c5: {  	v43 =	vld [tilespmem:s16+$0xF8B0]  }
0x1c6: {  	v44 =	vld [tilespmem:s16+$0xF920]  }
0x1c7: {  	v21 =	vadd.f32 v38, v21;
	v22 =	vadd.f32 v39, v22;
	v38 =	vld [tilespmem:s16+$0xF930]  }
0x1c8: {  	v23 =	vadd.f32 v40, v23;
	v24 =	vadd.f32 v41, v24;
	v39 =	vld [tilespmem:s16+$0xF9A0]  }
0x1c9: {  	v21 =	vadd.f32 v20, v21;
	v22 =	vadd.f32 v27, v22;
	v40 =	vld [tilespmem:s16+$0xF9B0]  }
0x1ca: {  	v23 =	vadd.f32 v42, v23;
	v24 =	vadd.f32 v43, v24;
	v20 =	vld [tilespmem:s16+$0xF9C0]  }
0x1cb: {  	v21 =	vadd.f32 v25, v21;
	v22 =	vadd.f32 v26, v22;
	v25 =	vld [tilespmem:s16+$0xF9D0]  }
0x1cc: {  	v23 =	vadd.f32 v44, v23;
	v24 =	vadd.f32 v38, v24;
	v26 =	vld [tilespmem:s16+$0xF940]  }
0x1cd: {  	v21 =	vadd.f32 v28, v21;
	v22 =	vadd.f32 v29, v22;
	v27 =	vld [tilespmem:s16+$0xF950]  }
.Ltmp2:
0x1ce: {  	v23 =	vadd.f32 v39, v23;
	v28 =	vld [tilespmem:s16+$0xF8C0];
	v24 =	vadd.f32 v40, v24;
	(pc) =	sbr.rel @p1 .LBB2_7-.Ltmp2, $4  }
0x1cf: {  	v21 =	vadd.f32 v30, v21;
	v22 =	vadd.f32 v31, v22;
	v29 =	vld [tilespmem:s16+$0xF8D0]  }
0x1d0: {  	v23 =	vadd.f32 v36, v23;
	v30 =	vld [tilespmem:s16+$0xF840];
	v24 =	vadd.f32 v37, v24  }
0x1d1: {  	v21 =	vadd.f32 v32, v21;
	v22 =	vadd.f32 v33, v22;
	v31 =	vld [tilespmem:s16+$0xF850]  }
0x1d2: {  	s17 =	sadd.s32 $0x1000, s17;
	v23 =	vadd.f32 v34, v23;
	v32 =	vld [tilespmem:s16+$0xF860];
	v24 =	vadd.f32 v35, v24  }
0x1d3: {  	v14 =	vadd.f32 v14, v21;
	v16 =	vadd.f32 v16, v22  }
0x1d4: {  	v33 =	vld [tilespmem:s16+$0xF870];
	v13 =	vadd.f32 v13, v23;
	v15 =	vadd.f32 v15, v24  }
0x1d5: {  	v21 =	vld [tilespmem:s16+$0xF8E0];
	v6 =	vadd.f32 v6, v14;
	v7 =	vadd.f32 v7, v16  }
0x1d6: {  	v22 =	vld [tilespmem:s16+$0xF8F0];
	v12 =	vadd.f32 v30, v12;
	v8 =	vadd.f32 v8, v13  }
0x1d7: {  	v14 =	vld [tilespmem:s16+$0xF960];
	v9 =	vadd.f32 v9, v15;
	v13 =	vadd.f32 v31, v19  }
0x1d8: {  	v15 =	vld [tilespmem:s16+$0xF970];
	v16 =	vadd.f32 v32, v18;
	v12 =	vadd.f32 v28, v12  }
0x1d9: {  	v18 =	vld [tilespmem:s16+$0xF9E0];
	v17 =	vadd.f32 v33, v17;
	v13 =	vadd.f32 v29, v13  }
0x1da: {  	v19 =	vld [tilespmem:s16+$0xF9F0];
	v16 =	vadd.f32 v21, v16;
	v12 =	vadd.f32 v26, v12  }
0x1db: {  	v21 =	vld [tilespmem:s16+$0xFA60];
	v17 =	vadd.f32 v22, v17;
	v13 =	vadd.f32 v27, v13  }
0x1dc: {  	v22 =	vld [tilespmem:s16+$0xFA70];
	v14 =	vadd.f32 v14, v16;
	v12 =	vadd.f32 v20, v12  }
0x1dd: {  	v16 =	vld [tilespmem:s16+$0xFAE0];
	v15 =	vadd.f32 v15, v17;
	v13 =	vadd.f32 v25, v13  }
0x1de: {  	v17 =	vld [tilespmem:s16+$0xFAF0];
	v14 =	vadd.f32 v18, v14;
	v10 =	vadd.f32 v10, v12  }
0x1df: {  	v18 =	vld [tilespmem:s16+$0xFB60];
	v12 =	vadd.f32 v19, v15;
	v11 =	vadd.f32 v11, v13  }
0x1e0: {  	v13 =	vld [tilespmem:s16+$0xFB70];
	v14 =	vadd.f32 v21, v14;
	v4 =	vadd.f32 v4, v10  }
0x1e1: {  	v15 =	vld [tilespmem:s16+$0xFBE0];
	v10 =	vadd.f32 v22, v12;
	v5 =	vadd.f32 v5, v11  }
0x1e2: {  	v11 =	vld [tilespmem:s16+$0xFBF0];
	[tilespmem:s14+$0x2100] =	vst v6;
	v12 =	vadd.f32 v16, v14;
	v3 =	vadd.f32 v3, v4  }
0x1e3: {  	[tilespmem:s14+$0x2110] =	vst v7;
	v4 =	vadd.f32 v17, v10;
	v2 =	vadd.f32 v2, v5  }
0x1e4: {  	[tilespmem:s14+$0x2120] =	vst v8;
	v5 =	vadd.f32 v18, v12;
	v0 =	vadd.f32 v0, v3  }
0x1e5: {  	[tilespmem:s14+$0x2130] =	vst v9;
	v3 =	vadd.f32 v13, v4;
	v1 =	vadd.f32 v1, v2  }
0x1e6: {  	s15 =	sadd.s32 @!p0 $0x6, s15;
	v2 =	vadd.f32 v15, v5;
	[tilespmem:s14+$0x2140] =	vst v0  }
0x1e7: {  	s16 =	sshll.u32 @!p0 s15, $0x8;
	s15 =	sshll.u32 @!p0 s15, $0x7;
	v0 =	vadd.f32 v11, v3;
	[tilespmem:s14+$0x2150] =	vst v1  }
0x1e8: {  	s16 =	sand.u32 @!p0 $0x3800, s16;
	s15 =	sand.u32 @!p0 $0x300, s15;
	[tilespmem:s14+$0x2160] =	vst v2  }
0x1e9: {  	[tilespmem:s14+$0x2170] =	vst v0;
	s14 =	sor.u32 @!p0 s15, s16;
	s15 =	simm.s32 @!p0 $0x40;
	s16 =	simm.s32 @!p0 $0xF800  }
0x1ea: {  	[tilespmem:s16], [sflag:$0x3] =	stream.indirect.gather @!p0 [hbm4b:s2+s15], $0x80, s14, s15, $0xb8;
	[tilespmem:$0x1C000] =	vst v63  }
0x1eb: {  	s17 =	simm.s32 @!p0 $0x11800;
	s16 =	sor.u32 @!p0 $0x40, s14  }
0x1ec: {  	[tilespmem:s17], [sflag:$0x3] =	stream.indirect.gather @!p0 [hbm4b:s2+s15], $0x80, s16, s15, $0xb8;
	[tilespmem:$0x1C000] =	vst v63  }
0x1ed: {  	s14 =	sor.u32 @!p0 $0x400, s14;
	s15 =	simm.s32 @!p0 $0x48;
	s16 =	simm.s32 @!p0 $0x13800  }
0x1ee: {  	[tilespmem:s16], [sflag:$0x3] =	stream.indirect.gather @!p0 [hbm4b:s2+s15], $0x80, s14, s15, $0xb8;
	[tilespmem:$0x1C000] =	vst v63  }
0x1ef: {  	_ =	swait.ge [sflag:s0], $0x2000  }
0x1f0: {  	[sflag:s0] =	ssyncset.done $0x0  }
0x1f1: {  	[sflag:s0] =	ssyncadd.s32 $0xFFFFE000  }
0x1f2: {  	_ =	swait.ge [sflag:s0], $0x2000  }
0x1f3: {  	[sflag:s0] =	ssyncset.done $0x0  }
0x1f4: {  	[sflag:s0] =	ssyncadd.s32 $0xFFFFE000  }
0x1f5: {  	_ =	swait.ge [sflag:s0], $0x2400  }
0x1f6: {  	[sflag:s0] =	ssyncset.done $0x0  }
0x1f7: {  	s14 =	simm.s32 $0x0;
	[sflag:s0] =	ssyncadd.s32 $0xFFFFDC00  }
0x1f8: {  	v6 =	vld [tilespmem:s14+$0x15F80]  }
0x1f9: {  	v7 =	vld [tilespmem:s14+$0x15F90]  }
0x1fa: {  	v8 =	vld [tilespmem:s14+$0x15FA0]  }
0x1fb: {  	v9 =	vld [tilespmem:s14+$0x15FB0]  }
0x1fc: {  	v0 =	vld [tilespmem:s14+$0x15FC0]  }
0x1fd: {  	v1 =	vld [tilespmem:s14+$0x15FD0]  }
0x1fe: {  	v14 =	vld [tilespmem:s14+$0x15F00]  }
0x1ff: {  	v16 =	vld [tilespmem:s14+$0x15F10]  }
0x200: {  	v13 =	vld [tilespmem:s14+$0x15F20]  }
0x201: {  	v15 =	vld [tilespmem:s14+$0x15F30]  }
0x202: {  	v3 =	vld [tilespmem:s14+$0x15F40]  }
0x203: {  	v2 =	vld [tilespmem:s14+$0x15F50]  }
0x204: {  	v17 =	vld [tilespmem:s14+$0x15E80]  }
0x205: {  	v18 =	vld [tilespmem:s14+$0x15E90]  }
0x206: {  	v19 =	vld [tilespmem:s14+$0x15EA0]  }
0x207: {  	v24 =	vld [tilespmem:s14+$0x15EB0]  }
0x208: {  	v4 =	vld [tilespmem:s14+$0x15EC0]  }
0x209: {  	v5 =	vld [tilespmem:s14+$0x15ED0]  }
0x20a: {  	v21 =	vld [tilespmem:s14+$0x15E00]  }
0x20b: {  	v22 =	vld [tilespmem:s14+$0x15E10]  }
0x20c: {  	v23 =	vld [tilespmem:s14+$0x15E20]  }
0x20d: {  	v30 =	vld [tilespmem:s14+$0x15E30]  }
0x20e: {  	v10 =	vld [tilespmem:s14+$0x15E40]  }
0x20f: {  	v27 =	vld [tilespmem:s14+$0x15D80]  }
0x210: {  	v28 =	vld [tilespmem:s14+$0x15D90]  }
0x211: {  	v25 =	vld [tilespmem:s14+$0x15D00]  }
0x212: {  	v26 =	vld [tilespmem:s14+$0x15D10]  }
0x213: {  	v11 =	vld [tilespmem:s14+$0x15C80]  }
0x214: {  	v20 =	vld [tilespmem:s14+$0x15C90]  }
0x215: {  	v29 =	vld [tilespmem:s14+$0x15C00]  }
0x216: {  	v31 =	vld [tilespmem:s14+$0x15C10]  }
0x217: {  	v61 =	vld [tilespmem:s14+$0x15C20]  }
0x218: {  	v62 =	vld [tilespmem:s14+$0x15C30]  }
0x219: {  	v34 =	vld [tilespmem:s14+$0x15CA0]  }
0x21a: {  	v35 =	vld [tilespmem:s14+$0x15CB0]  }
0x21b: {  	v12 =	vimm.f32 $0.0e+00;
	v36 =	vld [tilespmem:s14+$0x15D20]  }
0x21c: {  	v37 =	vld [tilespmem:s14+$0x15D30];
	v29 =	vadd.f32 v29, v12;
	v31 =	vadd.f32 v31, v12  }
0x21d: {  	v38 =	vld [tilespmem:s14+$0x15DA0];
	v32 =	vadd.f32 v61, v12;
	v33 =	vadd.f32 v62, v12  }
0x21e: {  	v39 =	vld [tilespmem:s14+$0x15DB0];
	v29 =	vadd.f32 v11, v29;
	v31 =	vadd.f32 v20, v31  }
0x21f: {  	v11 =	vld [tilespmem:s14+$0x15E50];
	v32 =	vadd.f32 v34, v32;
	v33 =	vadd.f32 v35, v33  }
0x220: {  	v20 =	vld [tilespmem:s14+$0x15DC0];
	v29 =	vadd.f32 v25, v29;
	v31 =	vadd.f32 v26, v31  }
0x221: {  	v25 =	vld [tilespmem:s14+$0x15DD0];
	v32 =	vadd.f32 v36, v32;
	v33 =	vadd.f32 v37, v33  }
0x222: {  	v26 =	vld [tilespmem:s14+$0x15D40];
	v29 =	vadd.f32 v27, v29;
	v31 =	vadd.f32 v28, v31  }
0x223: {  	v27 =	vld [tilespmem:s14+$0x15D50];
	v32 =	vadd.f32 v38, v32;
	v33 =	vadd.f32 v39, v33  }
0x224: {  	v28 =	vld [tilespmem:s14+$0x15CC0];
	v21 =	vadd.f32 v21, v29;
	v22 =	vadd.f32 v22, v31  }
0x225: {  	v29 =	vld [tilespmem:s14+$0x15CD0];
	v23 =	vadd.f32 v23, v32;
	v63 =	vadd.f32 v30, v33  }
0x226: {  	v30 =	vld [tilespmem:s14+$0x15C40];
	v21 =	vadd.f32 v17, v21;
	v22 =	vadd.f32 v18, v22  }
0x227: {  	v31 =	vld [tilespmem:s14+$0x15C50];
	v23 =	vadd.f32 v19, v23;
	v24 =	vadd.f32 v24, v63  }
0x228: {  	s15 =	simm.s32 $0x1000;
	v32 =	vld [tilespmem:s14+$0x15C60];
	v19 =	vimm.f32 $0.0e+00;
	v18 =	vimm.f32 $0.0e+00;
	v17 =	vimm.f32 $0.0e+00  }
.LBB2_9:
0x229: {  	p0 =	sne.s32 s15, $0x18000;
	v33 =	vld [tilespmem:s14+$0x15C70];
	v14 =	vadd.f32 v14, v21;
	v16 =	vadd.f32 v16, v22  }
0x22a: {  	v34 =	vld [tilespmem:s14+$0x15CE0];
	v13 =	vadd.f32 v13, v23;
	v15 =	vadd.f32 v15, v24  }
0x22b: {  	v35 =	vld [tilespmem:s14+$0x15CF0];
	v21 =	vadd.f32 v6, v14;
	v22 =	vadd.f32 v7, v16  }
0x22c: {  	v6 =	vld [tilespmem:s14+$0x15D60];
	v23 =	vadd.f32 v8, v13;
	v24 =	vadd.f32 v9, v15  }
0x22d: {  	v7 =	vadd.f32 v30, v12;
	v8 =	vadd.f32 v31, v19;
	v9 =	vld [tilespmem:s14+$0x15D70]  }
0x22e: {  	v12 =	vadd.f32 v32, v18;
	v13 =	vadd.f32 v33, v17;
	v14 =	vld [tilespmem:s14+$0x15DE0]  }
0x22f: {  	v7 =	vadd.f32 v28, v7;
	v8 =	vadd.f32 v29, v8;
	v15 =	vld [tilespmem:s14+$0x15DF0]  }
0x230: {  	v12 =	vadd.f32 v34, v12;
	v13 =	vadd.f32 v35, v13;
	v16 =	vld [tilespmem:s14+$0x15E60]  }
0x231: {  	v7 =	vadd.f32 v26, v7;
	v8 =	vadd.f32 v27, v8;
	v17 =	vld [tilespmem:s14+$0x15E70]  }
0x232: {  	v6 =	vadd.f32 v6, v12;
	v9 =	vadd.f32 v9, v13;
	v12 =	vld [tilespmem:s14+$0x15EE0]  }
0x233: {  	v7 =	vadd.f32 v20, v7;
	v8 =	vadd.f32 v25, v8;
	v13 =	vld [tilespmem:s14+$0x15EF0]  }
0x234: {  	v6 =	vadd.f32 v14, v6;
	v9 =	vadd.f32 v15, v9;
	v14 =	vld [tilespmem:s14+$0x15F60]  }
0x235: {  	v7 =	vadd.f32 v10, v7;
	v8 =	vadd.f32 v11, v8;
	v10 =	vld [tilespmem:s14+$0x15F70]  }
0x236: {  	v11 =	vadd.f32 v16, v6;
	v9 =	vadd.f32 v17, v9;
	v15 =	vld [tilespmem:s14+$0x15FE0]  }
0x237: {  	v4 =	vadd.f32 v4, v7;
	v5 =	vadd.f32 v5, v8;
	v16 =	vld [tilespmem:s14+$0x15FF0];
	s14 =	sshra.s32 s15, $0x2  }
0x238: {  	v11 =	vadd.f32 v12, v11;
	v6 =	vld [tilespmem:s14+$0x15F80];
	v9 =	vadd.f32 v13, v9  }
0x239: {  	v3 =	vadd.f32 v3, v4;
	v2 =	vadd.f32 v2, v5;
	v7 =	vld [tilespmem:s14+$0x15F90]  }
0x23a: {  	v4 =	vadd.f32 v14, v11;
	v8 =	vld [tilespmem:s14+$0x15FA0];
	v5 =	vadd.f32 v10, v9  }
0x23b: {  	v12 =	vadd.f32 v0, v3;
	v19 =	vadd.f32 v1, v2;
	v9 =	vld [tilespmem:s14+$0x15FB0]  }
0x23c: {  	v18 =	vadd.f32 v15, v4;
	v0 =	vld [tilespmem:s14+$0x15FC0];
	v17 =	vadd.f32 v16, v5  }
0x23d: {  	v1 =	vld [tilespmem:s14+$0x15FD0]  }
0x23e: {  	v14 =	vld [tilespmem:s14+$0x15F00]  }
0x23f: {  	v16 =	vld [tilespmem:s14+$0x15F10]  }
0x240: {  	v13 =	vld [tilespmem:s14+$0x15F20]  }
0x241: {  	v15 =	vld [tilespmem:s14+$0x15F30]  }
0x242: {  	v3 =	vld [tilespmem:s14+$0x15F40]  }
0x243: {  	v2 =	vld [tilespmem:s14+$0x15F50]  }
0x244: {  	v32 =	vld [tilespmem:s14+$0x15E80]  }
0x245: {  	v33 =	vld [tilespmem:s14+$0x15E90]  }
0x246: {  	v34 =	vld [tilespmem:s14+$0x15EA0]  }
0x247: {  	v35 =	vld [tilespmem:s14+$0x15EB0]  }
0x248: {  	v4 =	vld [tilespmem:s14+$0x15EC0]  }
0x249: {  	v5 =	vld [tilespmem:s14+$0x15ED0]  }
0x24a: {  	v30 =	vld [tilespmem:s14+$0x15E00]  }
0x24b: {  	v31 =	vld [tilespmem:s14+$0x15E10]  }
0x24c: {  	v36 =	vld [tilespmem:s14+$0x15E20]  }
0x24d: {  	v37 =	vld [tilespmem:s14+$0x15E30]  }
0x24e: {  	v10 =	vld [tilespmem:s14+$0x15E40]  }
0x24f: {  	v11 =	vld [tilespmem:s14+$0x15E50]  }
0x250: {  	v28 =	vld [tilespmem:s14+$0x15D80]  }
0x251: {  	v29 =	vld [tilespmem:s14+$0x15D90]  }
0x252: {  	v25 =	vld [tilespmem:s14+$0x15D00]  }
0x253: {  	v26 =	vld [tilespmem:s14+$0x15D10]  }
0x254: {  	v20 =	vld [tilespmem:s14+$0x15C80]  }
0x255: {  	v27 =	vld [tilespmem:s14+$0x15C90]  }
0x256: {  	v38 =	vld [tilespmem:s14+$0x15C00]  }
0x257: {  	v39 =	vld [tilespmem:s14+$0x15C10]  }
0x258: {  	v40 =	vld [tilespmem:s14+$0x15C20]  }
0x259: {  	v41 =	vld [tilespmem:s14+$0x15C30]  }
0x25a: {  	v42 =	vld [tilespmem:s14+$0x15CA0]  }
0x25b: {  	v43 =	vld [tilespmem:s14+$0x15CB0]  }
0x25c: {  	v44 =	vld [tilespmem:s14+$0x15D20]  }
0x25d: {  	v21 =	vadd.f32 v38, v21;
	v22 =	vadd.f32 v39, v22;
	v38 =	vld [tilespmem:s14+$0x15D30]  }
0x25e: {  	v23 =	vadd.f32 v40, v23;
	v24 =	vadd.f32 v41, v24;
	v39 =	vld [tilespmem:s14+$0x15DA0]  }
0x25f: {  	v21 =	vadd.f32 v20, v21;
	v22 =	vadd.f32 v27, v22;
	v40 =	vld [tilespmem:s14+$0x15DB0]  }
0x260: {  	v23 =	vadd.f32 v42, v23;
	v24 =	vadd.f32 v43, v24;
	v20 =	vld [tilespmem:s14+$0x15DC0]  }
0x261: {  	v21 =	vadd.f32 v25, v21;
	v22 =	vadd.f32 v26, v22;
	v25 =	vld [tilespmem:s14+$0x15DD0]  }
0x262: {  	v23 =	vadd.f32 v44, v23;
	v24 =	vadd.f32 v38, v24;
	v26 =	vld [tilespmem:s14+$0x15D40]  }
0x263: {  	v21 =	vadd.f32 v28, v21;
	v22 =	vadd.f32 v29, v22;
	v27 =	vld [tilespmem:s14+$0x15D50]  }
.Ltmp3:
0x264: {  	v23 =	vadd.f32 v39, v23;
	v28 =	vld [tilespmem:s14+$0x15CC0];
	v24 =	vadd.f32 v40, v24;
	(pc) =	sbr.rel @p0 .LBB2_9-.Ltmp3, $4  }
0x265: {  	v21 =	vadd.f32 v30, v21;
	v22 =	vadd.f32 v31, v22;
	v29 =	vld [tilespmem:s14+$0x15CD0]  }
0x266: {  	v23 =	vadd.f32 v36, v23;
	v30 =	vld [tilespmem:s14+$0x15C40];
	v24 =	vadd.f32 v37, v24  }
0x267: {  	v21 =	vadd.f32 v32, v21;
	v22 =	vadd.f32 v33, v22;
	v31 =	vld [tilespmem:s14+$0x15C50]  }
0x268: {  	s15 =	sadd.s32 $0x1000, s15;
	v23 =	vadd.f32 v34, v23;
	v32 =	vld [tilespmem:s14+$0x15C60];
	v24 =	vadd.f32 v35, v24  }
0x269: {  	v14 =	vadd.f32 v14, v21;
	v16 =	vadd.f32 v16, v22  }
0x26a: {  	v33 =	vld [tilespmem:s14+$0x15C70];
	v13 =	vadd.f32 v13, v23;
	v15 =	vadd.f32 v15, v24  }
0x26b: {  	v40 =	vld [tilespmem:s14+$0x15CE0];
	v6 =	vadd.f32 v6, v14;
	v7 =	vadd.f32 v7, v16  }
0x26c: {  	v41 =	vld [tilespmem:s14+$0x15CF0];
	v12 =	vadd.f32 v30, v12;
	v8 =	vadd.f32 v8, v13  }
0x26d: {  	v42 =	vld [tilespmem:s14+$0x15D60];
	v9 =	vadd.f32 v9, v15;
	v43 =	vadd.f32 v31, v19  }
0x26e: {  	v44 =	vld [tilespmem:s14+$0x15D70];
	v45 =	vadd.f32 v32, v18;
	v12 =	vadd.f32 v28, v12  }
0x26f: {  	v46 =	vld [tilespmem:s14+$0x15DE0];
	v17 =	vadd.f32 v33, v17;
	v13 =	vadd.f32 v29, v43  }
0x270: {  	v47 =	vld [tilespmem:s14+$0x15DF0];
	v16 =	vadd.f32 v40, v45;
	v12 =	vadd.f32 v26, v12  }
0x271: {  	v48 =	vld [tilespmem:s14+$0x15E60];
	v17 =	vadd.f32 v41, v17;
	v13 =	vadd.f32 v27, v13  }
0x272: {  	v49 =	vld [tilespmem:s14+$0x15E70];
	v14 =	vadd.f32 v42, v16;
	v12 =	vadd.f32 v20, v12  }
0x273: {  	v50 =	vld [tilespmem:s14+$0x15EE0];
	v15 =	vadd.f32 v44, v17;
	v13 =	vadd.f32 v25, v13  }
0x274: {  	v51 =	vld [tilespmem:s14+$0x15EF0];
	v14 =	vadd.f32 v46, v14;
	v10 =	vadd.f32 v10, v12  }
0x275: {  	v52 =	vld [tilespmem:s14+$0x15F60];
	v53 =	vadd.f32 v47, v15;
	v11 =	vadd.f32 v11, v13  }
0x276: {  	v54 =	vld [tilespmem:s14+$0x15F70];
	v14 =	vadd.f32 v48, v14;
	v4 =	vadd.f32 v4, v10  }
0x277: {  	v55 =	vld [tilespmem:s14+$0x15FE0];
	v56 =	vadd.f32 v49, v53;
	v5 =	vadd.f32 v5, v11  }
0x278: {  	v57 =	vld [tilespmem:s14+$0x15FF0];
	[tilespmem:s13+$0x2000] =	vst v6;
	v58 =	vadd.f32 v50, v14;
	v3 =	vadd.f32 v3, v4  }
0x279: {  	s12 =	sadd.s32 $0x1, s12;
	[tilespmem:s13+$0x2010] =	vst v7;
	v59 =	vadd.f32 v51, v56;
	v2 =	vadd.f32 v2, v5  }
0x27a: {  	p0 =	sne.s32 s12, $0x8;
	[tilespmem:s13+$0x2020] =	vst v8;
	v60 =	vadd.f32 v52, v58;
	v0 =	vadd.f32 v0, v3  }
.Ltmp4:
0x27b: {  	[tilespmem:s13+$0x2030] =	vst v9;
	v61 =	vadd.f32 v54, v59;
	v1 =	vadd.f32 v1, v2;
	(pc) =	sbr.rel @p0 .LBB2_2-.Ltmp4, $4  }
0x27c: {  	v62 =	vadd.f32 v55, v60;
	[tilespmem:s13+$0x2040] =	vst v0  }
0x27d: {  	v63 =	vadd.f32 v57, v61;
	[tilespmem:s13+$0x2050] =	vst v1  }
0x27e: {  	[tilespmem:s13+$0x2060] =	vst v62  }
0x27f: {  	[tilespmem:s13+$0x2070] =	vst v63  }
0x280: {  	s10 =	sadd.s32 $0x1, s10  }
0x281: {  	p0 =	sne.s32 s10, s6  }
.Ltmp5:
0x282: {  	_ = 	snop;
	(pc) =	sbr.rel @p0 .LBB2_1-.Ltmp5, $4  }
0x283: {  	[hbm4b:s5+s3] =	stream.linear.scatter [tilespmem:s9], [sflag:$0x5], $0x1000, $0x38;
	[tilespmem:$0x1C000] =	vst v63  }
0x284: {  	_ =	swait.ge [sflag:s7], $0x1000  }
0x285: {  	[sflag:s7] =	ssyncset.done $0x0  }
0x286: {  	[sflag:s7] =	ssyncadd.s32 $0xFFFFF000  }
0x287: {  	_ =	sfence.sel $0x180000  }
0x288: {  	[bflag:$0x0] =	sbarrier.arrive $0xFFFF  }
0x289: {  	_ =	strace $0x90000047  }
0x28a: {  	s0 =	stileid.u32;
	[bflag:$0x2] =	sbarrier.arrive $0xFFFF  }
0x28b: {  	p0 =	sne.s32 s0, $0x0;
	s0 =	rddreg [dreg:$0x3]  }
0x28c: {  	s0 =	sadd.s32 @!p0 $0x100000, s0  }
0x28d: {  	[sflag:s0] =	ssyncadd.tile.s32 @!p0 $0x1;
	_ =	shalt  }
.Lfunc_end2:
_tile_overlayer_lowered:
.L_overlay_start_2:
0x28e: {  	(tag) =	ssettag $0x2  }
0x28f: {  	s0 =	rddreg [dreg:$0x0];
	s2 =	stileid.u32  }
0x290: {  	s1 =	rddreg [dreg:$0x1];
	p0 =	sne.s32 s2, $0x0  }
0x291: {  	s3 =	rddreg [dreg:$0x2];
	[bflag:$0x3] =	sbarrier.arrive $0xFFFF;
	s2 =	simm.s32 @!p0 $0x1C05  }
0x292: {  	[timem:s3], [sflag:s2] =	dma.local @!p0 [hbm:s0], s1  }
0x293: {  	s0 =	simm.s32 @!p0 $0x5  }
0x294: {  	_ =	swait.ge @!p0 [sflag:s0], s1  }
0x295: {  	s1 =	ssub.s32 @!p0 $0x0, s1;
	[sflag:s0] =	ssyncset.done @!p0 $0x0  }
0x296: {  	[sflag:s0] =	ssyncadd.s32 @!p0 s1  }
0x297: {  	[bflag:$0x3] =	sbarrier.arrive $0xFFFF  }
0x298: {  	_ =	shalt  }

</sc_bundles>
